<compile_context>
chip_gen: v7x
topology: tpu7x:2x2x1
jax: 0.10.2.dev20260603
libtpu: 0.0.44.dev20260713+nightly
codegen_flags: <defaults>
</compile_context>

<pallas_src>
import functools

import jax
import jax.numpy as jnp
from jax import lax
from jax.experimental import pallas as pl
from jax.experimental.pallas import tpu as pltpu
from jax.experimental.pallas import tpu_sc as plsc

N = 10000
E = 640000
D = 128
DE = 16

NC = 2
NS = 16
NW = NC * NS
EPT = E // NW
KB = 128
NFULL = EPT // KB
KT = EPT - NFULL * KB
NG = NFULL // 2
NG3 = (NFULL - 3) // 3
NP = 10112
NPT = NP // NS
PKT = 2 * KB
TILE_PK = NFULL * PKT + 2 * KT

_mesh = plsc.VectorSubcoreMesh(
    core_axis_name="c", subcore_axis_name="s", num_cores=NC, num_subcores=NS
)


@functools.partial(
    pl.kernel,
    out_type=jax.ShapeDtypeStruct((NC, NP, D), jnp.float32),
    mesh=_mesh,
    scratch_types=[
        pltpu.VMEM((KB,), jnp.int32),
        pltpu.VMEM((KB,), jnp.int32),
        pltpu.VMEM((KT,), jnp.int32),
        pltpu.VMEM((KB, D), jnp.float32),
        pltpu.VMEM((KB, D), jnp.float32),
        pltpu.VMEM((KT, D), jnp.float32),
        pltpu.VMEM_SHARED((NP, D), jnp.float32),
        pltpu.SemaphoreType.DMA,
        pltpu.SemaphoreType.DMA,
        pltpu.SemaphoreType.DMA,
        pltpu.SemaphoreType.DMA,
    ],
)
def _sc_edge_scatter(ea_hbm, pk_hbm, zeros_hbm, out_a, i0, i1, it_,
                     v0, v1, vt, acc, s0, s1, q0, q1):
    c = lax.axis_index("c")
    s = lax.axis_index("s")
    wid = c * NS + s
    pltpu.sync_copy(zeros_hbm.at[pl.ds(s * NPT, NPT)], acc.at[pl.ds(s * NPT, NPT)])
    plsc.subcore_barrier()
    base = wid * EPT
    pkbase = wid * TILE_PK
    ibufs = (i0, i1)
    isems = (q0, q1)
    vbufs = (v0, v1)
    vsems = (s0, s1)

    def fire(ch, b):
        pltpu.async_copy(pk_hbm.at[pl.ds(pkbase + ch * PKT + KB, KB)],
                         ibufs[b], isems[b])
        pltpu.async_copy(ea_hbm.at[pl.ds(base + ch * KB, KB)],
                         vbufs[b], vsems[b])

    def drain(ch, b):
        pltpu.make_async_copy(pk_hbm.at[pl.ds(pkbase + ch * PKT + KB, KB)],
                              ibufs[b], isems[b]).wait()
        pltpu.make_async_copy(ea_hbm.at[pl.ds(base + ch * KB, KB)],
                              vbufs[b], vsems[b]).wait()

    def scatter(ch, b):
        pltpu.sync_copy(vbufs[b], acc.at[ibufs[b]], add=True)

    fire(0, 0)

    def group(gi, carry):
        for b in range(2):
            ch = gi * 2 + b
            fire(ch + 1, 1 - b)
            drain(ch, b)
            scatter(ch, b)
        return carry

    lax.fori_loop(0, NG - 1, group, 0)
    ch0, ch1 = NFULL - 2, NFULL - 1
    fire(ch1, 1)
    drain(ch0, 0)
    scatter(ch0, 0)
    pltpu.async_copy(pk_hbm.at[pl.ds(pkbase + NFULL * PKT + KT, KT)], it_, q0)
    pltpu.async_copy(ea_hbm.at[pl.ds(base + NFULL * KB, KT)], vt, s0)
    drain(ch1, 1)
    scatter(ch1, 1)
    pltpu.make_async_copy(pk_hbm.at[pl.ds(pkbase + NFULL * PKT + KT, KT)],
                          it_, q0).wait()
    pltpu.make_async_copy(ea_hbm.at[pl.ds(base + NFULL * KB, KT)], vt, s0).wait()
    pltpu.sync_copy(vt, acc.at[it_], add=True)

    plsc.subcore_barrier()
    pltpu.sync_copy(acc.at[pl.ds(s * NPT, NPT)], out_a.at[c, pl.ds(s * NPT, NPT)])


@functools.partial(
    pl.kernel,
    out_type=jax.ShapeDtypeStruct((NC, NP, D), jnp.float32),
    mesh=_mesh,
    scratch_types=[
        pltpu.VMEM((PKT,), jnp.int32),
        pltpu.VMEM((PKT,), jnp.int32),
        pltpu.VMEM((PKT,), jnp.int32),
        pltpu.VMEM((KB, D), jnp.float32),
        pltpu.VMEM((KB, D), jnp.float32),
        pltpu.VMEM((KB, D), jnp.float32),
        pltpu.VMEM_SHARED((NP, D), jnp.float32),
        pltpu.SemaphoreType.DMA,
        pltpu.SemaphoreType.DMA,
        pltpu.SemaphoreType.DMA,
        pltpu.SemaphoreType.DMA,
        pltpu.SemaphoreType.DMA,
        pltpu.SemaphoreType.DMA,
    ],
)
def _sc_gather_scatter(feats_hbm, pk_hbm, zeros_hbm, out_hbm,
                       i0, i1, i2, r0, r1, r2, acc,
                       s0, s1, s2, q0, q1, q2):
    c = lax.axis_index("c")
    s = lax.axis_index("s")
    wid = c * NS + s
    pltpu.sync_copy(zeros_hbm.at[pl.ds(s * NPT, NPT)], acc.at[pl.ds(s * NPT, NPT)])
    plsc.subcore_barrier()
    pkbase = wid * TILE_PK
    ibufs = (i0, i1, i2)
    isems = (q0, q1, q2)
    rbufs = (r0, r1, r2)
    rsems = (s0, s1, s2)
    it_ = i0.at[pl.ds(0, 2 * KT)]
    rt = r0.at[pl.ds(0, KT)]

    def fire_idx(ch, b):
        pltpu.async_copy(pk_hbm.at[pl.ds(pkbase + ch * PKT, PKT)],
                         ibufs[b], isems[b])

    def drain_idx(ch, b):
        pltpu.make_async_copy(pk_hbm.at[pl.ds(pkbase + ch * PKT, PKT)],
                              ibufs[b], isems[b]).wait()

    def gather(ch, b):
        pltpu.async_copy(feats_hbm.at[ibufs[b].at[pl.ds(0, KB)]],
                         rbufs[b], rsems[b])

    def drain_rows(ch, b):
        pltpu.make_async_copy(feats_hbm.at[ibufs[b].at[pl.ds(0, KB)]],
                              rbufs[b], rsems[b]).wait()

    def scatter(ch, b):
        pltpu.sync_copy(rbufs[b], acc.at[ibufs[b].at[pl.ds(KB, KB)]], add=True)

    pltpu.async_copy(pk_hbm.at[pl.ds(pkbase, PKT)], i0, q0).wait()
    gather(0, 0)
    fire_idx(1, 1)
    drain_idx(1, 1)
    gather(1, 1)
    fire_idx(2, 2)

    def group(gi, carry):
        for b in range(3):
            t = gi * 3 + b
            drain_idx(t + 2, (b + 2) % 3)
            gather(t + 2, (b + 2) % 3)
            drain_rows(t, b)
            scatter(t, b)
            fire_idx(t + 3, b)
        return carry

    lax.fori_loop(0, NG3, group, 0)
    cA, cB, cC = NFULL - 3, NFULL - 2, NFULL - 1
    drain_idx(cC, 2)
    gather(cC, 2)
    drain_rows(cA, 0)
    scatter(cA, 0)
    pltpu.async_copy(pk_hbm.at[pl.ds(pkbase + NFULL * PKT, 2 * KT)], it_, q0)
    drain_rows(cB, 1)
    scatter(cB, 1)
    pltpu.make_async_copy(pk_hbm.at[pl.ds(pkbase + NFULL * PKT, 2 * KT)],
                          it_, q0).wait()
    pltpu.async_copy(feats_hbm.at[it_.at[pl.ds(0, KT)]], rt, s0)
    drain_rows(cC, 2)
    scatter(cC, 2)
    pltpu.make_async_copy(feats_hbm.at[it_.at[pl.ds(0, KT)]], rt, s0).wait()
    pltpu.sync_copy(rt, acc.at[it_.at[pl.ds(KT, KT)]], add=True)

    plsc.subcore_barrier()
    pltpu.sync_copy(acc.at[pl.ds(s * NPT, NPT)], out_hbm.at[c, pl.ds(s * NPT, NPT)])


def _bn(h, g, b, eps=1e-5):
    mu = jnp.mean(h, axis=0, keepdims=True)
    var = jnp.mean((h - mu) * (h - mu), axis=0, keepdims=True)
    return g * (h - mu) * lax.rsqrt(var + eps) + b


def _dot(a, b):
    return jnp.dot(a, b, preferred_element_type=jnp.float32)


def _tc_atom_body(x, atom_w, atom_b, out):
    out[...] = _dot(x[...], atom_w[...]) + atom_b[...]


_tc_atom = pl.pallas_call(
    _tc_atom_body,
    out_shape=jax.ShapeDtypeStruct((N, D), jnp.float32),
)


def _tc_first_body(xa, pa, b0w, b0b, g0, be0, feats_out):
    a = pa[0, :N, :DE] + pa[1, :N, :DE]
    deg = pa[0, :N, DE:DE + 1] + pa[1, :N, DE:DE + 1]
    h = _dot(a, b0w[...]) + deg * b0b[...] + xa[...]
    feats_out[...] = _bn(jnp.maximum(h, 0.0), g0[...], be0[...])


_tc_first = pl.pallas_call(
    _tc_first_body,
    out_shape=jax.ShapeDtypeStruct((N, D), jnp.float32),
)


def _tc_bond_body(pa, bw, bb, out):
    a = pa[0, :N, :DE] + pa[1, :N, :DE]
    deg = pa[0, :N, DE:DE + 1] + pa[1, :N, DE:DE + 1]
    out[...] = _dot(a, bw[...]) + deg * bb[...]


_tc_bond = pl.pallas_call(
    _tc_bond_body,
    out_shape=jax.ShapeDtypeStruct((N, D), jnp.float32),
)


def _tc_layer_body(p, h2ref, feats, h1w, h1b, h2w, h2b,
                   g1, be1, g2, be2, out):
    h1 = p[0, :N] + p[1, :N]
    t = _dot(h1, h1w[...]) + h1b[...] + h2ref[...]
    h = _bn(jnp.maximum(t, 0.0), g1[...], be1[...])
    u = _dot(h, h2w[...]) + h2b[...] + feats[...]
    out[...] = _bn(jnp.maximum(u, 0.0), g2[...], be2[...])


_tc_layer = pl.pallas_call(
    _tc_layer_body,
    out_shape=jax.ShapeDtypeStruct((N, D), jnp.float32),
)


def kernel(x, edge_index, edge_attr, params):
    srcs = edge_index[0].astype(jnp.int32)
    dsts = edge_index[1].astype(jnp.int32)
    zeros_nd = jnp.zeros((NP, D), jnp.float32)

    ea_ext = jnp.concatenate(
        [edge_attr, jnp.ones((E, 1), jnp.float32),
         jnp.zeros((E, D - DE - 1), jnp.float32)], axis=1)

    s2 = srcs.reshape(NW, EPT)
    d2 = dsts.reshape(NW, EPT)
    sf = s2[:, :NFULL * KB].reshape(NW, NFULL, KB)
    df = d2[:, :NFULL * KB].reshape(NW, NFULL, KB)
    pf = jnp.stack([sf, df], axis=2).reshape(NW, NFULL * PKT)
    pt = jnp.concatenate([s2[:, NFULL * KB:], d2[:, NFULL * KB:]], axis=1)
    pk = jnp.concatenate([pf, pt], axis=1).reshape(-1)

    xa = _tc_atom(x, params["atom_W"], params["atom_b"])
    pa = _sc_edge_scatter(ea_ext, pk, zeros_nd)

    feats = _tc_first(
        xa, pa,
        params["bond0_W"], params["bond0_b"], params["bn0_g"], params["bn0_b"],
    )

    h2s = [_tc_bond(pa, lp["bond_W"], lp["bond_b"]) for lp in params["layers"]]

    for lp, h2 in zip(params["layers"], h2s):
        p = _sc_gather_scatter(feats, pk, zeros_nd)
        feats = _tc_layer(
            p, h2, feats,
            lp["h1_W"], lp["h1_b"], lp["h2_W"], lp["h2_b"],
            lp["bn1_g"], lp["bn1_b"], lp["bn2_g"], lp["bn2_b"],
        )
    return feats

# --- scband reference (transcript-rebuilt; emitter-appended) ---
"""Pipeline reference for scband-structure2-vec-88399016886796 (READ-ONLY COPY).

The authoritative reference and input builder live on the scoring server;
editing this copy changes nothing except your own understanding.
"""

import jax, jax.numpy as jnp
import numpy as np

N = 10000
E = 640000
D = 128
DE = 16
L = 3


def _lin_init(k, fan_in, fan_out):
    k1, k2 = jax.random.split(k)
    lim = 1.0 / np.sqrt(fan_in)
    W = jax.random.uniform(k1, (fan_in, fan_out), jnp.float32, -lim, lim)
    b = jax.random.uniform(k2, (fan_out,), jnp.float32, -lim, lim)
    return W, b


def setup_inputs(seed: int = 0) -> dict:
    key = jax.random.key(seed)
    ks = jax.random.split(key, 16)
    x = jax.random.normal(ks[0], (N, D), jnp.float32)
    edge_index = jax.random.randint(ks[1], (2, E), 0, N).astype(jnp.int64)
    edge_attr = jax.random.normal(ks[2], (E, DE), jnp.float32)
    params = {}
    params['atom_W'], params['atom_b'] = _lin_init(ks[3], D, D)
    params['bond0_W'], params['bond0_b'] = _lin_init(ks[4], DE, D)
    params['bn0_g'] = jnp.ones((D,), jnp.float32)
    params['bn0_b'] = jnp.zeros((D,), jnp.float32)
    layers = []
    for i in range(L):
        kk = jax.random.split(ks[5 + i], 3)
        lp = {}
        lp['bond_W'], lp['bond_b'] = _lin_init(kk[0], DE, D)
        lp['h1_W'], lp['h1_b'] = _lin_init(kk[1], D, D)
        lp['h2_W'], lp['h2_b'] = _lin_init(kk[2], D, D)
        lp['bn1_g'] = jnp.ones((D,), jnp.float32)
        lp['bn1_b'] = jnp.zeros((D,), jnp.float32)
        lp['bn2_g'] = jnp.ones((D,), jnp.float32)
        lp['bn2_b'] = jnp.zeros((D,), jnp.float32)
        layers.append(lp)
    params['layers'] = layers
    return {'x': x, 'edge_index': edge_index, 'edge_attr': edge_attr, 'params': params}


def _bn(h, g, b, eps=1e-5):
    # BatchNorm1d in training mode: batch statistics (biased variance)
    mu = jnp.mean(h, axis=0)
    var = jnp.var(h, axis=0)
    return g * (h - mu) * jax.lax.rsqrt(var + eps) + b


def _forward(x, edge_attr, params, edge_index):
    src = edge_index[0]
    dst = edge_index[1]
    n = x.shape[0]
    # Structure2VecFirstLayer (bn_first=False): h = bn(relu(sum_msgs + atom(x)))
    eh = edge_attr @ params['bond0_W'] + params['bond0_b']
    agg = jax.ops.segment_sum(eh, dst, num_segments=n)
    h = agg + x @ params['atom_W'] + params['atom_b']
    feats = _bn(jax.nn.relu(h), params['bn0_g'], params['bn0_b'])
    # Structure2VecLayer x L
    for lp in params['layers']:
        eh = edge_attr @ lp['bond_W'] + lp['bond_b']
        h1 = jax.ops.segment_sum(feats[src], dst, num_segments=n)
        h2 = jax.ops.segment_sum(eh, dst, num_segments=n)
        h = _bn(jax.nn.relu(h1 @ lp['h1_W'] + lp['h1_b'] + h2), lp['bn1_g'], lp['bn1_b'])
        feats = _bn(jax.nn.relu(h @ lp['h2_W'] + lp['h2_b'] + feats), lp['bn2_g'], lp['bn2_b'])
    return feats


def reference(x, edge_index, edge_attr, params):
    return _forward(x, edge_attr, params, edge_index)

if __name__ == "__main__":
    import jax
    _d = setup_inputs()
    print(jax.jit(kernel)(*tuple(_d.values())))

</pallas_src>

<mosaic_0001>
#map = affine_map<(d0, d1) -> (0, 0)>
#map1 = affine_map<(d0, d1) -> (0)>
#map2 = affine_map<(d0, d1) -> (0, 0, 0)>
module attributes {stable_mosaic.version = 14 : i64} {
  func.func @_sc_gather_scatter(%arg0: i32, %arg1: i32, %arg2: memref<10000x128xf32, #tpu.memory_space<hbm>>, %arg3: memref<1280000xi32, #tpu.memory_space<hbm>>, %arg4: memref<10112x128xf32, #tpu.memory_space<hbm>>, %arg5: memref<2x10112x128xf32, #tpu.memory_space<hbm>>, %arg6: memref<256xi32, #tpu.memory_space<vmem>>, %arg7: memref<256xi32, #tpu.memory_space<vmem>>, %arg8: memref<256xi32, #tpu.memory_space<vmem>>, %arg9: memref<128x128xf32, #tpu.memory_space<vmem>>, %arg10: memref<128x128xf32, #tpu.memory_space<vmem>>, %arg11: memref<128x128xf32, #tpu.memory_space<vmem>>, %arg12: memref<10112x128xf32, #tpu.memory_space<vmem_shared>>, %arg13: memref<!tpu.dma_semaphore, #tpu.memory_space<semaphore_mem>>, %arg14: memref<!tpu.dma_semaphore, #tpu.memory_space<semaphore_mem>>, %arg15: memref<!tpu.dma_semaphore, #tpu.memory_space<semaphore_mem>>, %arg16: memref<!tpu.dma_semaphore, #tpu.memory_space<semaphore_mem>>, %arg17: memref<!tpu.dma_semaphore, #tpu.memory_space<semaphore_mem>>, %arg18: memref<!tpu.dma_semaphore, #tpu.memory_space<semaphore_mem>>) attributes {dimension_semantics = [#tpu.dimension_semantics<core_parallel>, #tpu.dimension_semantics<subcore_parallel>], iteration_bounds = array<i64: 2, 16>, scalar_prefetch = 0 : i64, scratch_operands = 13 : i64, tpu.core_type = #tpu.core_type<sc_vector_subcore>, window_params = [{transform_indices = #map}, {transform_indices = #map1}, {transform_indices = #map}, {transform_indices = #map2}]} {
    %mul3A = arith.constant 16 : i32
    %mul3A_0 = arith.muli %arg0, %mul3A : i32
    %add3A = arith.addi %mul3A_0, %arg1 : i32
    %mul3A_1 = arith.constant 632 : i32
    %mul3A_2 = arith.muli %arg1, %mul3A_1 : i32
    %mul3A_3 = arith.constant 632 : i32
    %mul3A_4 = arith.muli %arg1, %mul3A_3 : i32
    "tpu.region"() ({
      %run_scoped3A = tpu.sem_alloc : memref<!tpu.dma_semaphore, #tpu.memory_space<semaphore_mem>>
      %dma_start3A_101 = arith.constant 0 : i32
      %dma_start3A_102 = tpu.memref_slice %arg12[%mul3A_4, %dma_start3A_101] : memref<10112x128xf32, #tpu.memory_space<vmem_shared>> -> memref<632x128xf32, #tpu.memory_space<vmem_shared>>
      %dma_start3A_103 = arith.constant 0 : i32
      %dma_start3A_104 = tpu.memref_slice %arg4[%mul3A_2, %dma_start3A_103] : memref<10112x128xf32, #tpu.memory_space<hbm>> -> memref<632x128xf32, #tpu.memory_space<hbm>>
      tpu.enqueue_dma source(%dma_start3A_104 : memref<632x128xf32, #tpu.memory_space<hbm>>) target(%dma_start3A_102 : memref<632x128xf32, #tpu.memory_space<vmem_shared>>) target_semaphore(%run_scoped3A : memref<!tpu.dma_semaphore, #tpu.memory_space<semaphore_mem>>)
      %dma_wait3A_105 = arith.constant 0 : i32
      %dma_wait3A_106 = tpu.memref_slice %arg12[%mul3A_4, %dma_wait3A_105] : memref<10112x128xf32, #tpu.memory_space<vmem_shared>> -> memref<632x128xf32, #tpu.memory_space<vmem_shared>>
      %dma_wait3A_107 = arith.constant 0 : i32
      %dma_wait3A_108 = tpu.memref_slice %arg4[%mul3A_2, %dma_wait3A_107] : memref<10112x128xf32, #tpu.memory_space<hbm>> -> memref<632x128xf32, #tpu.memory_space<hbm>>
      tpu.wait_dma2 semaphore(%run_scoped3A : memref<!tpu.dma_semaphore, #tpu.memory_space<semaphore_mem>>) src(%dma_wait3A_108 : memref<632x128xf32, #tpu.memory_space<hbm>>) dst(%dma_wait3A_106 : memref<632x128xf32, #tpu.memory_space<vmem_shared>>)
      tpu.yield
    }) : () -> ()
    %barrier3A = arith.constant 0 : index
    tpu.barrier barrier_id(%barrier3A)
    %mul3A_5 = arith.constant 40000 : i32
    %mul3A_6 = arith.muli %add3A, %mul3A_5 : i32
    %dma_start3A = tpu.memref_slice %arg3[%mul3A_6] : memref<1280000xi32, #tpu.memory_space<hbm>> -> memref<256xi32, #tpu.memory_space<hbm>>
    %dma_start3A_7 = tpu.memref_slice %arg3[%mul3A_6] : memref<1280000xi32, #tpu.memory_space<hbm>> -> memref<256xi32, #tpu.memory_space<hbm>>
    tpu.enqueue_dma source(%dma_start3A_7 : memref<256xi32, #tpu.memory_space<hbm>>) target(%arg6 : memref<256xi32, #tpu.memory_space<vmem>>) target_semaphore(%arg16 : memref<!tpu.dma_semaphore, #tpu.memory_space<semaphore_mem>>)
    %dma_wait3A = tpu.memref_slice %arg3[%mul3A_6] : memref<1280000xi32, #tpu.memory_space<hbm>> -> memref<256xi32, #tpu.memory_space<hbm>>
    %dma_wait3A_8 = tpu.memref_slice %arg3[%mul3A_6] : memref<1280000xi32, #tpu.memory_space<hbm>> -> memref<256xi32, #tpu.memory_space<hbm>>
    tpu.wait_dma2 semaphore(%arg16 : memref<!tpu.dma_semaphore, #tpu.memory_space<semaphore_mem>>) src(%dma_wait3A_8 : memref<256xi32, #tpu.memory_space<hbm>>) dst(%arg6 : memref<256xi32, #tpu.memory_space<vmem>>)
    %dma_start3A_9 = arith.constant 0 : i32
    %dma_start3A_10 = tpu.memref_slice %arg6[%dma_start3A_9] : memref<256xi32, #tpu.memory_space<vmem>> -> memref<128xi32, #tpu.memory_space<vmem>>
    %dma_start3A_11 = arith.constant 0 : i32
    %dma_start3A_12 = arith.constant 0 : i32
    %dma_start3A_13 = tpu.memref_slice %arg2[%dma_start3A_11, %dma_start3A_12] : memref<10000x128xf32, #tpu.memory_space<hbm>> -> memref<10000x128xf32, #tpu.memory_space<hbm>>
    tpu.enqueue_indirect_dma source(%dma_start3A_13 : memref<10000x128xf32, #tpu.memory_space<hbm>>) target(%arg9 : memref<128x128xf32, #tpu.memory_space<vmem>>) offsets(%dma_start3A_10 : memref<128xi32, #tpu.memory_space<vmem>>) semaphore(%arg13 : memref<!tpu.dma_semaphore, #tpu.memory_space<semaphore_mem>>)
    %add3A_14 = arith.constant 256 : i32
    %add3A_15 = arith.addi %mul3A_6, %add3A_14 : i32
    %dma_start3A_16 = tpu.memref_slice %arg3[%add3A_15] : memref<1280000xi32, #tpu.memory_space<hbm>> -> memref<256xi32, #tpu.memory_space<hbm>>
    %dma_start3A_17 = tpu.memref_slice %arg3[%add3A_15] : memref<1280000xi32, #tpu.memory_space<hbm>> -> memref<256xi32, #tpu.memory_space<hbm>>
    tpu.enqueue_dma source(%dma_start3A_17 : memref<256xi32, #tpu.memory_space<hbm>>) target(%arg7 : memref<256xi32, #tpu.memory_space<vmem>>) target_semaphore(%arg17 : memref<!tpu.dma_semaphore, #tpu.memory_space<semaphore_mem>>)
    %add3A_18 = arith.constant 256 : i32
    %add3A_19 = arith.addi %mul3A_6, %add3A_18 : i32
    %dma_wait3A_20 = tpu.memref_slice %arg3[%add3A_19] : memref<1280000xi32, #tpu.memory_space<hbm>> -> memref<256xi32, #tpu.memory_space<hbm>>
    %dma_wait3A_21 = tpu.memref_slice %arg3[%add3A_19] : memref<1280000xi32, #tpu.memory_space<hbm>> -> memref<256xi32, #tpu.memory_space<hbm>>
    tpu.wait_dma2 semaphore(%arg17 : memref<!tpu.dma_semaphore, #tpu.memory_space<semaphore_mem>>) src(%dma_wait3A_21 : memref<256xi32, #tpu.memory_space<hbm>>) dst(%arg7 : memref<256xi32, #tpu.memory_space<vmem>>)
    %dma_start3A_22 = arith.constant 0 : i32
    %dma_start3A_23 = tpu.memref_slice %arg7[%dma_start3A_22] : memref<256xi32, #tpu.memory_space<vmem>> -> memref<128xi32, #tpu.memory_space<vmem>>
    %dma_start3A_24 = arith.constant 0 : i32
    %dma_start3A_25 = arith.constant 0 : i32
    %dma_start3A_26 = tpu.memref_slice %arg2[%dma_start3A_24, %dma_start3A_25] : memref<10000x128xf32, #tpu.memory_space<hbm>> -> memref<10000x128xf32, #tpu.memory_space<hbm>>
    tpu.enqueue_indirect_dma source(%dma_start3A_26 : memref<10000x128xf32, #tpu.memory_space<hbm>>) target(%arg10 : memref<128x128xf32, #tpu.memory_space<vmem>>) offsets(%dma_start3A_23 : memref<128xi32, #tpu.memory_space<vmem>>) semaphore(%arg14 : memref<!tpu.dma_semaphore, #tpu.memory_space<semaphore_mem>>)
    %add3A_27 = arith.constant 512 : i32
    %add3A_28 = arith.addi %mul3A_6, %add3A_27 : i32
    %dma_start3A_29 = tpu.memref_slice %arg3[%add3A_28] : memref<1280000xi32, #tpu.memory_space<hbm>> -> memref<256xi32, #tpu.memory_space<hbm>>
    %dma_start3A_30 = tpu.memref_slice %arg3[%add3A_28] : memref<1280000xi32, #tpu.memory_space<hbm>> -> memref<256xi32, #tpu.memory_space<hbm>>
    tpu.enqueue_dma source(%dma_start3A_30 : memref<256xi32, #tpu.memory_space<hbm>>) target(%arg8 : memref<256xi32, #tpu.memory_space<vmem>>) target_semaphore(%arg18 : memref<!tpu.dma_semaphore, #tpu.memory_space<semaphore_mem>>)
    %scan3A = arith.constant 0 : i32
    %scan3A_31 = arith.constant 0 : i32
    %scan3A_32 = arith.constant 51 : i32
    %scan3A_33 = arith.addi %scan3A_31, %scan3A_32 : i32
    %scan3A_34 = arith.constant 1 : i32
    scf.for %scan3A_101 = %scan3A_31 to %scan3A_33 step %scan3A_34  : i32 {
      %mul3A_102 = arith.constant 3 : i32
      %mul3A_103 = arith.muli %scan3A_101, %mul3A_102 : i32
      %add3A_104 = arith.constant 0 : i32
      %add3A_105 = arith.addi %mul3A_103, %add3A_104 : i32
      %add3A_106 = arith.constant 2 : i32
      %add3A_107 = arith.addi %add3A_105, %add3A_106 : i32
      %mul3A_108 = arith.constant 256 : i32
      %mul3A_109 = arith.muli %add3A_107, %mul3A_108 : i32
      %add3A_110 = arith.addi %mul3A_6, %mul3A_109 : i32
      %dma_wait3A_111 = tpu.memref_slice %arg3[%add3A_110] : memref<1280000xi32, #tpu.memory_space<hbm>> -> memref<256xi32, #tpu.memory_space<hbm>>
      %dma_wait3A_112 = tpu.memref_slice %arg3[%add3A_110] : memref<1280000xi32, #tpu.memory_space<hbm>> -> memref<256xi32, #tpu.memory_space<hbm>>
      tpu.wait_dma2 semaphore(%arg18 : memref<!tpu.dma_semaphore, #tpu.memory_space<semaphore_mem>>) src(%dma_wait3A_112 : memref<256xi32, #tpu.memory_space<hbm>>) dst(%arg8 : memref<256xi32, #tpu.memory_space<vmem>>)
      %add3A_113 = arith.constant 2 : i32
      %add3A_114 = arith.addi %add3A_105, %add3A_113 : i32
      %dma_start3A_115 = arith.constant 0 : i32
      %dma_start3A_116 = tpu.memref_slice %arg8[%dma_start3A_115] : memref<256xi32, #tpu.memory_space<vmem>> -> memref<128xi32, #tpu.memory_space<vmem>>
      %dma_start3A_117 = arith.constant 0 : i32
      %dma_start3A_118 = arith.constant 0 : i32
      %dma_start3A_119 = tpu.memref_slice %arg2[%dma_start3A_117, %dma_start3A_118] : memref<10000x128xf32, #tpu.memory_space<hbm>> -> memref<10000x128xf32, #tpu.memory_space<hbm>>
      tpu.enqueue_indirect_dma source(%dma_start3A_119 : memref<10000x128xf32, #tpu.memory_space<hbm>>) target(%arg11 : memref<128x128xf32, #tpu.memory_space<vmem>>) offsets(%dma_start3A_116 : memref<128xi32, #tpu.memory_space<vmem>>) semaphore(%arg15 : memref<!tpu.dma_semaphore, #tpu.memory_space<semaphore_mem>>)
      %dma_wait3A_120 = arith.constant 0 : i32
      %dma_wait3A_121 = tpu.memref_slice %arg6[%dma_wait3A_120] : memref<256xi32, #tpu.memory_space<vmem>> -> memref<128xi32, #tpu.memory_space<vmem>>
      %dma_wait3A_122 = arith.constant 0 : i32
      %dma_wait3A_123 = arith.constant 0 : i32
      %dma_wait3A_124 = tpu.memref_slice %arg2[%dma_wait3A_122, %dma_wait3A_123] : memref<10000x128xf32, #tpu.memory_space<hbm>> -> memref<10000x128xf32, #tpu.memory_space<hbm>>
      tpu.wait_indirect_dma semaphore(%arg13 : memref<!tpu.dma_semaphore, #tpu.memory_space<semaphore_mem>>) src(%dma_wait3A_124 : memref<10000x128xf32, #tpu.memory_space<hbm>>) dst(%arg9 : memref<128x128xf32, #tpu.memory_space<vmem>>)
      "tpu.region"() ({
        %run_scoped3A = tpu.sem_alloc : memref<!tpu.dma_semaphore, #tpu.memory_space<semaphore_mem>>
        %dma_start3A_192 = arith.constant 128 : i32
        %dma_start3A_193 = tpu.memref_slice %arg6[%dma_start3A_192] : memref<256xi32, #tpu.memory_space<vmem>> -> memref<128xi32, #tpu.memory_space<vmem>>
        %dma_start3A_194 = arith.constant 0 : i32
        %dma_start3A_195 = arith.constant 0 : i32
        %dma_start3A_196 = tpu.memref_slice %arg12[%dma_start3A_194, %dma_start3A_195] : memref<10112x128xf32, #tpu.memory_space<vmem_shared>> -> memref<10112x128xf32, #tpu.memory_space<vmem_shared>>
        tpu.enqueue_indirect_dma source(%arg9 : memref<128x128xf32, #tpu.memory_space<vmem>>) target(%dma_start3A_196 : memref<10112x128xf32, #tpu.memory_space<vmem_shared>>) offsets(%dma_start3A_193 : memref<128xi32, #tpu.memory_space<vmem>>) semaphore(%run_scoped3A : memref<!tpu.dma_semaphore, #tpu.memory_space<semaphore_mem>>) {add = true}
        %dma_wait3A_197 = arith.constant 128 : i32
        %dma_wait3A_198 = tpu.memref_slice %arg6[%dma_wait3A_197] : memref<256xi32, #tpu.memory_space<vmem>> -> memref<128xi32, #tpu.memory_space<vmem>>
        %dma_wait3A_199 = arith.constant 0 : i32
        %dma_wait3A_200 = arith.constant 0 : i32
        %dma_wait3A_201 = tpu.memref_slice %arg12[%dma_wait3A_199, %dma_wait3A_200] : memref<10112x128xf32, #tpu.memory_space<vmem_shared>> -> memref<10112x128xf32, #tpu.memory_space<vmem_shared>>
        tpu.wait_indirect_dma semaphore(%run_scoped3A : memref<!tpu.dma_semaphore, #tpu.memory_space<semaphore_mem>>) src(%arg9 : memref<128x128xf32, #tpu.memory_space<vmem>>) dst(%dma_wait3A_201 : memref<10112x128xf32, #tpu.memory_space<vmem_shared>>)
        tpu.yield
      }) : () -> ()
      %add3A_125 = arith.constant 3 : i32
      %add3A_126 = arith.addi %add3A_105, %add3A_125 : i32
      %mul3A_127 = arith.constant 256 : i32
      %mul3A_128 = arith.muli %add3A_126, %mul3A_127 : i32
      %add3A_129 = arith.addi %mul3A_6, %mul3A_128 : i32
      %dma_start3A_130 = tpu.memref_slice %arg3[%add3A_129] : memref<1280000xi32, #tpu.memory_space<hbm>> -> memref<256xi32, #tpu.memory_space<hbm>>
      %dma_start3A_131 = tpu.memref_slice %arg3[%add3A_129] : memref<1280000xi32, #tpu.memory_space<hbm>> -> memref<256xi32, #tpu.memory_space<hbm>>
      tpu.enqueue_dma source(%dma_start3A_131 : memref<256xi32, #tpu.memory_space<hbm>>) target(%arg6 : memref<256xi32, #tpu.memory_space<vmem>>) target_semaphore(%arg16 : memref<!tpu.dma_semaphore, #tpu.memory_space<semaphore_mem>>)
      %mul3A_132 = arith.constant 3 : i32
      %mul3A_133 = arith.muli %scan3A_101, %mul3A_132 : i32
      %add3A_134 = arith.constant 1 : i32
      %add3A_135 = arith.addi %mul3A_133, %add3A_134 : i32
      %add3A_136 = arith.constant 2 : i32
      %add3A_137 = arith.addi %add3A_135, %add3A_136 : i32
      %mul3A_138 = arith.constant 256 : i32
      %mul3A_139 = arith.muli %add3A_137, %mul3A_138 : i32
      %add3A_140 = arith.addi %mul3A_6, %mul3A_139 : i32
      %dma_wait3A_141 = tpu.memref_slice %arg3[%add3A_140] : memref<1280000xi32, #tpu.memory_space<hbm>> -> memref<256xi32, #tpu.memory_space<hbm>>
      %dma_wait3A_142 = tpu.memref_slice %arg3[%add3A_140] : memref<1280000xi32, #tpu.memory_space<hbm>> -> memref<256xi32, #tpu.memory_space<hbm>>
      tpu.wait_dma2 semaphore(%arg16 : memref<!tpu.dma_semaphore, #tpu.memory_space<semaphore_mem>>) src(%dma_wait3A_142 : memref<256xi32, #tpu.memory_space<hbm>>) dst(%arg6 : memref<256xi32, #tpu.memory_space<vmem>>)
      %add3A_143 = arith.constant 2 : i32
      %add3A_144 = arith.addi %add3A_135, %add3A_143 : i32
      %dma_start3A_145 = arith.constant 0 : i32
      %dma_start3A_146 = tpu.memref_slice %arg6[%dma_start3A_145] : memref<256xi32, #tpu.memory_space<vmem>> -> memref<128xi32, #tpu.memory_space<vmem>>
      %dma_start3A_147 = arith.constant 0 : i32
      %dma_start3A_148 = arith.constant 0 : i32
      %dma_start3A_149 = tpu.memref_slice %arg2[%dma_start3A_147, %dma_start3A_148] : memref<10000x128xf32, #tpu.memory_space<hbm>> -> memref<10000x128xf32, #tpu.memory_space<hbm>>
      tpu.enqueue_indirect_dma source(%dma_start3A_149 : memref<10000x128xf32, #tpu.memory_space<hbm>>) target(%arg9 : memref<128x128xf32, #tpu.memory_space<vmem>>) offsets(%dma_start3A_146 : memref<128xi32, #tpu.memory_space<vmem>>) semaphore(%arg13 : memref<!tpu.dma_semaphore, #tpu.memory_space<semaphore_mem>>)
      %dma_wait3A_150 = arith.constant 0 : i32
      %dma_wait3A_151 = tpu.memref_slice %arg7[%dma_wait3A_150] : memref<256xi32, #tpu.memory_space<vmem>> -> memref<128xi32, #tpu.memory_space<vmem>>
      %dma_wait3A_152 = arith.constant 0 : i32
      %dma_wait3A_153 = arith.constant 0 : i32
      %dma_wait3A_154 = tpu.memref_slice %arg2[%dma_wait3A_152, %dma_wait3A_153] : memref<10000x128xf32, #tpu.memory_space<hbm>> -> memref<10000x128xf32, #tpu.memory_space<hbm>>
      tpu.wait_indirect_dma semaphore(%arg14 : memref<!tpu.dma_semaphore, #tpu.memory_space<semaphore_mem>>) src(%dma_wait3A_154 : memref<10000x128xf32, #tpu.memory_space<hbm>>) dst(%arg10 : memref<128x128xf32, #tpu.memory_space<vmem>>)
      "tpu.region"() ({
        %run_scoped3A = tpu.sem_alloc : memref<!tpu.dma_semaphore, #tpu.memory_space<semaphore_mem>>
        %dma_start3A_192 = arith.constant 128 : i32
        %dma_start3A_193 = tpu.memref_slice %arg7[%dma_start3A_192] : memref<256xi32, #tpu.memory_space<vmem>> -> memref<128xi32, #tpu.memory_space<vmem>>
        %dma_start3A_194 = arith.constant 0 : i32
        %dma_start3A_195 = arith.constant 0 : i32
        %dma_start3A_196 = tpu.memref_slice %arg12[%dma_start3A_194, %dma_start3A_195] : memref<10112x128xf32, #tpu.memory_space<vmem_shared>> -> memref<10112x128xf32, #tpu.memory_space<vmem_shared>>
        tpu.enqueue_indirect_dma source(%arg10 : memref<128x128xf32, #tpu.memory_space<vmem>>) target(%dma_start3A_196 : memref<10112x128xf32, #tpu.memory_space<vmem_shared>>) offsets(%dma_start3A_193 : memref<128xi32, #tpu.memory_space<vmem>>) semaphore(%run_scoped3A : memref<!tpu.dma_semaphore, #tpu.memory_space<semaphore_mem>>) {add = true}
        %dma_wait3A_197 = arith.constant 128 : i32
        %dma_wait3A_198 = tpu.memref_slice %arg7[%dma_wait3A_197] : memref<256xi32, #tpu.memory_space<vmem>> -> memref<128xi32, #tpu.memory_space<vmem>>
        %dma_wait3A_199 = arith.constant 0 : i32
        %dma_wait3A_200 = arith.constant 0 : i32
        %dma_wait3A_201 = tpu.memref_slice %arg12[%dma_wait3A_199, %dma_wait3A_200] : memref<10112x128xf32, #tpu.memory_space<vmem_shared>> -> memref<10112x128xf32, #tpu.memory_space<vmem_shared>>
        tpu.wait_indirect_dma semaphore(%run_scoped3A : memref<!tpu.dma_semaphore, #tpu.memory_space<semaphore_mem>>) src(%arg10 : memref<128x128xf32, #tpu.memory_space<vmem>>) dst(%dma_wait3A_201 : memref<10112x128xf32, #tpu.memory_space<vmem_shared>>)
        tpu.yield
      }) : () -> ()
      %add3A_155 = arith.constant 3 : i32
      %add3A_156 = arith.addi %add3A_135, %add3A_155 : i32
      %mul3A_157 = arith.constant 256 : i32
      %mul3A_158 = arith.muli %add3A_156, %mul3A_157 : i32
      %add3A_159 = arith.addi %mul3A_6, %mul3A_158 : i32
      %dma_start3A_160 = tpu.memref_slice %arg3[%add3A_159] : memref<1280000xi32, #tpu.memory_space<hbm>> -> memref<256xi32, #tpu.memory_space<hbm>>
      %dma_start3A_161 = tpu.memref_slice %arg3[%add3A_159] : memref<1280000xi32, #tpu.memory_space<hbm>> -> memref<256xi32, #tpu.memory_space<hbm>>
      tpu.enqueue_dma source(%dma_start3A_161 : memref<256xi32, #tpu.memory_space<hbm>>) target(%arg7 : memref<256xi32, #tpu.memory_space<vmem>>) target_semaphore(%arg17 : memref<!tpu.dma_semaphore, #tpu.memory_space<semaphore_mem>>)
      %mul3A_162 = arith.constant 3 : i32
      %mul3A_163 = arith.muli %scan3A_101, %mul3A_162 : i32
      %add3A_164 = arith.constant 2 : i32
      %add3A_165 = arith.addi %mul3A_163, %add3A_164 : i32
      %add3A_166 = arith.constant 2 : i32
      %add3A_167 = arith.addi %add3A_165, %add3A_166 : i32
      %mul3A_168 = arith.constant 256 : i32
      %mul3A_169 = arith.muli %add3A_167, %mul3A_168 : i32
      %add3A_170 = arith.addi %mul3A_6, %mul3A_169 : i32
      %dma_wait3A_171 = tpu.memref_slice %arg3[%add3A_170] : memref<1280000xi32, #tpu.memory_space<hbm>> -> memref<256xi32, #tpu.memory_space<hbm>>
      %dma_wait3A_172 = tpu.memref_slice %arg3[%add3A_170] : memref<1280000xi32, #tpu.memory_space<hbm>> -> memref<256xi32, #tpu.memory_space<hbm>>
      tpu.wait_dma2 semaphore(%arg17 : memref<!tpu.dma_semaphore, #tpu.memory_space<semaphore_mem>>) src(%dma_wait3A_172 : memref<256xi32, #tpu.memory_space<hbm>>) dst(%arg7 : memref<256xi32, #tpu.memory_space<vmem>>)
      %add3A_173 = arith.constant 2 : i32
      %add3A_174 = arith.addi %add3A_165, %add3A_173 : i32
      %dma_start3A_175 = arith.constant 0 : i32
      %dma_start3A_176 = tpu.memref_slice %arg7[%dma_start3A_175] : memref<256xi32, #tpu.memory_space<vmem>> -> memref<128xi32, #tpu.memory_space<vmem>>
      %dma_start3A_177 = arith.constant 0 : i32
      %dma_start3A_178 = arith.constant 0 : i32
      %dma_start3A_179 = tpu.memref_slice %arg2[%dma_start3A_177, %dma_start3A_178] : memref<10000x128xf32, #tpu.memory_space<hbm>> -> memref<10000x128xf32, #tpu.memory_space<hbm>>
      tpu.enqueue_indirect_dma source(%dma_start3A_179 : memref<10000x128xf32, #tpu.memory_space<hbm>>) target(%arg10 : memref<128x128xf32, #tpu.memory_space<vmem>>) offsets(%dma_start3A_176 : memref<128xi32, #tpu.memory_space<vmem>>) semaphore(%arg14 : memref<!tpu.dma_semaphore, #tpu.memory_space<semaphore_mem>>)
      %dma_wait3A_180 = arith.constant 0 : i32
      %dma_wait3A_181 = tpu.memref_slice %arg8[%dma_wait3A_180] : memref<256xi32, #tpu.memory_space<vmem>> -> memref<128xi32, #tpu.memory_space<vmem>>
      %dma_wait3A_182 = arith.constant 0 : i32
      %dma_wait3A_183 = arith.constant 0 : i32
      %dma_wait3A_184 = tpu.memref_slice %arg2[%dma_wait3A_182, %dma_wait3A_183] : memref<10000x128xf32, #tpu.memory_space<hbm>> -> memref<10000x128xf32, #tpu.memory_space<hbm>>
      tpu.wait_indirect_dma semaphore(%arg15 : memref<!tpu.dma_semaphore, #tpu.memory_space<semaphore_mem>>) src(%dma_wait3A_184 : memref<10000x128xf32, #tpu.memory_space<hbm>>) dst(%arg11 : memref<128x128xf32, #tpu.memory_space<vmem>>)
      "tpu.region"() ({
        %run_scoped3A = tpu.sem_alloc : memref<!tpu.dma_semaphore, #tpu.memory_space<semaphore_mem>>
        %dma_start3A_192 = arith.constant 128 : i32
        %dma_start3A_193 = tpu.memref_slice %arg8[%dma_start3A_192] : memref<256xi32, #tpu.memory_space<vmem>> -> memref<128xi32, #tpu.memory_space<vmem>>
        %dma_start3A_194 = arith.constant 0 : i32
        %dma_start3A_195 = arith.constant 0 : i32
        %dma_start3A_196 = tpu.memref_slice %arg12[%dma_start3A_194, %dma_start3A_195] : memref<10112x128xf32, #tpu.memory_space<vmem_shared>> -> memref<10112x128xf32, #tpu.memory_space<vmem_shared>>
        tpu.enqueue_indirect_dma source(%arg11 : memref<128x128xf32, #tpu.memory_space<vmem>>) target(%dma_start3A_196 : memref<10112x128xf32, #tpu.memory_space<vmem_shared>>) offsets(%dma_start3A_193 : memref<128xi32, #tpu.memory_space<vmem>>) semaphore(%run_scoped3A : memref<!tpu.dma_semaphore, #tpu.memory_space<semaphore_mem>>) {add = true}
        %dma_wait3A_197 = arith.constant 128 : i32
        %dma_wait3A_198 = tpu.memref_slice %arg8[%dma_wait3A_197] : memref<256xi32, #tpu.memory_space<vmem>> -> memref<128xi32, #tpu.memory_space<vmem>>
        %dma_wait3A_199 = arith.constant 0 : i32
        %dma_wait3A_200 = arith.constant 0 : i32
        %dma_wait3A_201 = tpu.memref_slice %arg12[%dma_wait3A_199, %dma_wait3A_200] : memref<10112x128xf32, #tpu.memory_space<vmem_shared>> -> memref<10112x128xf32, #tpu.memory_space<vmem_shared>>
        tpu.wait_indirect_dma semaphore(%run_scoped3A : memref<!tpu.dma_semaphore, #tpu.memory_space<semaphore_mem>>) src(%arg11 : memref<128x128xf32, #tpu.memory_space<vmem>>) dst(%dma_wait3A_201 : memref<10112x128xf32, #tpu.memory_space<vmem_shared>>)
        tpu.yield
      }) : () -> ()
      %add3A_185 = arith.constant 3 : i32
      %add3A_186 = arith.addi %add3A_165, %add3A_185 : i32
      %mul3A_187 = arith.constant 256 : i32
      %mul3A_188 = arith.muli %add3A_186, %mul3A_187 : i32
      %add3A_189 = arith.addi %mul3A_6, %mul3A_188 : i32
      %dma_start3A_190 = tpu.memref_slice %arg3[%add3A_189] : memref<1280000xi32, #tpu.memory_space<hbm>> -> memref<256xi32, #tpu.memory_space<hbm>>
      %dma_start3A_191 = tpu.memref_slice %arg3[%add3A_189] : memref<1280000xi32, #tpu.memory_space<hbm>> -> memref<256xi32, #tpu.memory_space<hbm>>
      tpu.enqueue_dma source(%dma_start3A_191 : memref<256xi32, #tpu.memory_space<hbm>>) target(%arg8 : memref<256xi32, #tpu.memory_space<vmem>>) target_semaphore(%arg18 : memref<!tpu.dma_semaphore, #tpu.memory_space<semaphore_mem>>)
    }
    %scan3A_35 = arith.constant 51 : i32
    %add3A_36 = arith.constant 39680 : i32
    %add3A_37 = arith.addi %mul3A_6, %add3A_36 : i32
    %dma_wait3A_38 = tpu.memref_slice %arg3[%add3A_37] : memref<1280000xi32, #tpu.memory_space<hbm>> -> memref<256xi32, #tpu.memory_space<hbm>>
    %dma_wait3A_39 = tpu.memref_slice %arg3[%add3A_37] : memref<1280000xi32, #tpu.memory_space<hbm>> -> memref<256xi32, #tpu.memory_space<hbm>>
    tpu.wait_dma2 semaphore(%arg18 : memref<!tpu.dma_semaphore, #tpu.memory_space<semaphore_mem>>) src(%dma_wait3A_39 : memref<256xi32, #tpu.memory_space<hbm>>) dst(%arg8 : memref<256xi32, #tpu.memory_space<vmem>>)
    %dma_start3A_40 = arith.constant 0 : i32
    %dma_start3A_41 = tpu.memref_slice %arg8[%dma_start3A_40] : memref<256xi32, #tpu.memory_space<vmem>> -> memref<128xi32, #tpu.memory_space<vmem>>
    %dma_start3A_42 = arith.constant 0 : i32
    %dma_start3A_43 = arith.constant 0 : i32
    %dma_start3A_44 = tpu.memref_slice %arg2[%dma_start3A_42, %dma_start3A_43] : memref<10000x128xf32, #tpu.memory_space<hbm>> -> memref<10000x128xf32, #tpu.memory_space<hbm>>
    tpu.enqueue_indirect_dma source(%dma_start3A_44 : memref<10000x128xf32, #tpu.memory_space<hbm>>) target(%arg11 : memref<128x128xf32, #tpu.memory_space<vmem>>) offsets(%dma_start3A_41 : memref<128xi32, #tpu.memory_space<vmem>>) semaphore(%arg15 : memref<!tpu.dma_semaphore, #tpu.memory_space<semaphore_mem>>)
    %dma_wait3A_45 = arith.constant 0 : i32
    %dma_wait3A_46 = tpu.memref_slice %arg6[%dma_wait3A_45] : memref<256xi32, #tpu.memory_space<vmem>> -> memref<128xi32, #tpu.memory_space<vmem>>
    %dma_wait3A_47 = arith.constant 0 : i32
    %dma_wait3A_48 = arith.constant 0 : i32
    %dma_wait3A_49 = tpu.memref_slice %arg2[%dma_wait3A_47, %dma_wait3A_48] : memref<10000x128xf32, #tpu.memory_space<hbm>> -> memref<10000x128xf32, #tpu.memory_space<hbm>>
    tpu.wait_indirect_dma semaphore(%arg13 : memref<!tpu.dma_semaphore, #tpu.memory_space<semaphore_mem>>) src(%dma_wait3A_49 : memref<10000x128xf32, #tpu.memory_space<hbm>>) dst(%arg9 : memref<128x128xf32, #tpu.memory_space<vmem>>)
    "tpu.region"() ({
      %run_scoped3A = tpu.sem_alloc : memref<!tpu.dma_semaphore, #tpu.memory_space<semaphore_mem>>
      %dma_start3A_101 = arith.constant 128 : i32
      %dma_start3A_102 = tpu.memref_slice %arg6[%dma_start3A_101] : memref<256xi32, #tpu.memory_space<vmem>> -> memref<128xi32, #tpu.memory_space<vmem>>
      %dma_start3A_103 = arith.constant 0 : i32
      %dma_start3A_104 = arith.constant 0 : i32
      %dma_start3A_105 = tpu.memref_slice %arg12[%dma_start3A_103, %dma_start3A_104] : memref<10112x128xf32, #tpu.memory_space<vmem_shared>> -> memref<10112x128xf32, #tpu.memory_space<vmem_shared>>
      tpu.enqueue_indirect_dma source(%arg9 : memref<128x128xf32, #tpu.memory_space<vmem>>) target(%dma_start3A_105 : memref<10112x128xf32, #tpu.memory_space<vmem_shared>>) offsets(%dma_start3A_102 : memref<128xi32, #tpu.memory_space<vmem>>) semaphore(%run_scoped3A : memref<!tpu.dma_semaphore, #tpu.memory_space<semaphore_mem>>) {add = true}
      %dma_wait3A_106 = arith.constant 128 : i32
      %dma_wait3A_107 = tpu.memref_slice %arg6[%dma_wait3A_106] : memref<256xi32, #tpu.memory_space<vmem>> -> memref<128xi32, #tpu.memory_space<vmem>>
      %dma_wait3A_108 = arith.constant 0 : i32
      %dma_wait3A_109 = arith.constant 0 : i32
      %dma_wait3A_110 = tpu.memref_slice %arg12[%dma_wait3A_108, %dma_wait3A_109] : memref<10112x128xf32, #tpu.memory_space<vmem_shared>> -> memref<10112x128xf32, #tpu.memory_space<vmem_shared>>
      tpu.wait_indirect_dma semaphore(%run_scoped3A : memref<!tpu.dma_semaphore, #tpu.memory_space<semaphore_mem>>) src(%arg9 : memref<128x128xf32, #tpu.memory_space<vmem>>) dst(%dma_wait3A_110 : memref<10112x128xf32, #tpu.memory_space<vmem_shared>>)
      tpu.yield
    }) : () -> ()
    %add3A_50 = arith.constant 39936 : i32
    %add3A_51 = arith.addi %mul3A_6, %add3A_50 : i32
    %dma_start3A_52 = arith.constant 0 : i32
    %dma_start3A_53 = tpu.memref_slice %arg6[%dma_start3A_52] : memref<256xi32, #tpu.memory_space<vmem>> -> memref<64xi32, #tpu.memory_space<vmem>>
    %dma_start3A_54 = tpu.memref_slice %arg3[%add3A_51] : memref<1280000xi32, #tpu.memory_space<hbm>> -> memref<64xi32, #tpu.memory_space<hbm>>
    %dma_start3A_55 = arith.constant 0 : i32
    %dma_start3A_56 = tpu.memref_slice %arg6[%dma_start3A_55] : memref<256xi32, #tpu.memory_space<vmem>> -> memref<64xi32, #tpu.memory_space<vmem>>
    %dma_start3A_57 = tpu.memref_slice %arg3[%add3A_51] : memref<1280000xi32, #tpu.memory_space<hbm>> -> memref<64xi32, #tpu.memory_space<hbm>>
    tpu.enqueue_dma source(%dma_start3A_57 : memref<64xi32, #tpu.memory_space<hbm>>) target(%dma_start3A_56 : memref<64xi32, #tpu.memory_space<vmem>>) target_semaphore(%arg16 : memref<!tpu.dma_semaphore, #tpu.memory_space<semaphore_mem>>)
    %dma_wait3A_58 = arith.constant 0 : i32
    %dma_wait3A_59 = tpu.memref_slice %arg7[%dma_wait3A_58] : memref<256xi32, #tpu.memory_space<vmem>> -> memref<128xi32, #tpu.memory_space<vmem>>
    %dma_wait3A_60 = arith.constant 0 : i32
    %dma_wait3A_61 = arith.constant 0 : i32
    %dma_wait3A_62 = tpu.memref_slice %arg2[%dma_wait3A_60, %dma_wait3A_61] : memref<10000x128xf32, #tpu.memory_space<hbm>> -> memref<10000x128xf32, #tpu.memory_space<hbm>>
    tpu.wait_indirect_dma semaphore(%arg14 : memref<!tpu.dma_semaphore, #tpu.memory_space<semaphore_mem>>) src(%dma_wait3A_62 : memref<10000x128xf32, #tpu.memory_space<hbm>>) dst(%arg10 : memref<128x128xf32, #tpu.memory_space<vmem>>)
    "tpu.region"() ({
      %run_scoped3A = tpu.sem_alloc : memref<!tpu.dma_semaphore, #tpu.memory_space<semaphore_mem>>
      %dma_start3A_101 = arith.constant 128 : i32
      %dma_start3A_102 = tpu.memref_slice %arg7[%dma_start3A_101] : memref<256xi32, #tpu.memory_space<vmem>> -> memref<128xi32, #tpu.memory_space<vmem>>
      %dma_start3A_103 = arith.constant 0 : i32
      %dma_start3A_104 = arith.constant 0 : i32
      %dma_start3A_105 = tpu.memref_slice %arg12[%dma_start3A_103, %dma_start3A_104] : memref<10112x128xf32, #tpu.memory_space<vmem_shared>> -> memref<10112x128xf32, #tpu.memory_space<vmem_shared>>
      tpu.enqueue_indirect_dma source(%arg10 : memref<128x128xf32, #tpu.memory_space<vmem>>) target(%dma_start3A_105 : memref<10112x128xf32, #tpu.memory_space<vmem_shared>>) offsets(%dma_start3A_102 : memref<128xi32, #tpu.memory_space<vmem>>) semaphore(%run_scoped3A : memref<!tpu.dma_semaphore, #tpu.memory_space<semaphore_mem>>) {add = true}
      %dma_wait3A_106 = arith.constant 128 : i32
      %dma_wait3A_107 = tpu.memref_slice %arg7[%dma_wait3A_106] : memref<256xi32, #tpu.memory_space<vmem>> -> memref<128xi32, #tpu.memory_space<vmem>>
      %dma_wait3A_108 = arith.constant 0 : i32
      %dma_wait3A_109 = arith.constant 0 : i32
      %dma_wait3A_110 = tpu.memref_slice %arg12[%dma_wait3A_108, %dma_wait3A_109] : memref<10112x128xf32, #tpu.memory_space<vmem_shared>> -> memref<10112x128xf32, #tpu.memory_space<vmem_shared>>
      tpu.wait_indirect_dma semaphore(%run_scoped3A : memref<!tpu.dma_semaphore, #tpu.memory_space<semaphore_mem>>) src(%arg10 : memref<128x128xf32, #tpu.memory_space<vmem>>) dst(%dma_wait3A_110 : memref<10112x128xf32, #tpu.memory_space<vmem_shared>>)
      tpu.yield
    }) : () -> ()
    %add3A_63 = arith.constant 39936 : i32
    %add3A_64 = arith.addi %mul3A_6, %add3A_63 : i32
    %dma_wait3A_65 = arith.constant 0 : i32
    %dma_wait3A_66 = tpu.memref_slice %arg6[%dma_wait3A_65] : memref<256xi32, #tpu.memory_space<vmem>> -> memref<64xi32, #tpu.memory_space<vmem>>
    %dma_wait3A_67 = tpu.memref_slice %arg3[%add3A_64] : memref<1280000xi32, #tpu.memory_space<hbm>> -> memref<64xi32, #tpu.memory_space<hbm>>
    %dma_wait3A_68 = arith.constant 0 : i32
    %dma_wait3A_69 = tpu.memref_slice %arg6[%dma_wait3A_68] : memref<256xi32, #tpu.memory_space<vmem>> -> memref<64xi32, #tpu.memory_space<vmem>>
    %dma_wait3A_70 = tpu.memref_slice %arg3[%add3A_64] : memref<1280000xi32, #tpu.memory_space<hbm>> -> memref<64xi32, #tpu.memory_space<hbm>>
    tpu.wait_dma2 semaphore(%arg16 : memref<!tpu.dma_semaphore, #tpu.memory_space<semaphore_mem>>) src(%dma_wait3A_70 : memref<64xi32, #tpu.memory_space<hbm>>) dst(%dma_wait3A_69 : memref<64xi32, #tpu.memory_space<vmem>>)
    %dma_start3A_71 = arith.constant 0 : i32
    %dma_start3A_72 = arith.constant 0 : i32
    %dma_start3A_73 = tpu.memref_slice %arg9[%dma_start3A_71, %dma_start3A_72] : memref<128x128xf32, #tpu.memory_space<vmem>> -> memref<32x128xf32, #tpu.memory_space<vmem>>
    %dma_start3A_74 = arith.constant 0 : i32
    %dma_start3A_75 = tpu.memref_slice %arg6[%dma_start3A_74] : memref<256xi32, #tpu.memory_space<vmem>> -> memref<64xi32, #tpu.memory_space<vmem>>
    %dma_start3A_76 = arith.constant 0 : i32
    %dma_start3A_77 = tpu.memref_slice %dma_start3A_75[%dma_start3A_76] : memref<64xi32, #tpu.memory_space<vmem>> -> memref<32xi32, #tpu.memory_space<vmem>>
    %dma_start3A_78 = arith.constant 0 : i32
    %dma_start3A_79 = arith.constant 0 : i32
    %dma_start3A_80 = tpu.memref_slice %arg2[%dma_start3A_78, %dma_start3A_79] : memref<10000x128xf32, #tpu.memory_space<hbm>> -> memref<10000x128xf32, #tpu.memory_space<hbm>>
    tpu.enqueue_indirect_dma source(%dma_start3A_80 : memref<10000x128xf32, #tpu.memory_space<hbm>>) target(%dma_start3A_73 : memref<32x128xf32, #tpu.memory_space<vmem>>) offsets(%dma_start3A_77 : memref<32xi32, #tpu.memory_space<vmem>>) semaphore(%arg13 : memref<!tpu.dma_semaphore, #tpu.memory_space<semaphore_mem>>)
    %dma_wait3A_81 = arith.constant 0 : i32
    %dma_wait3A_82 = tpu.memref_slice %arg8[%dma_wait3A_81] : memref<256xi32, #tpu.memory_space<vmem>> -> memref<128xi32, #tpu.memory_space<vmem>>
    %dma_wait3A_83 = arith.constant 0 : i32
    %dma_wait3A_84 = arith.constant 0 : i32
    %dma_wait3A_85 = tpu.memref_slice %arg2[%dma_wait3A_83, %dma_wait3A_84] : memref<10000x128xf32, #tpu.memory_space<hbm>> -> memref<10000x128xf32, #tpu.memory_space<hbm>>
    tpu.wait_indirect_dma semaphore(%arg15 : memref<!tpu.dma_semaphore, #tpu.memory_space<semaphore_mem>>) src(%dma_wait3A_85 : memref<10000x128xf32, #tpu.memory_space<hbm>>) dst(%arg11 : memref<128x128xf32, #tpu.memory_space<vmem>>)
    "tpu.region"() ({
      %run_scoped3A = tpu.sem_alloc : memref<!tpu.dma_semaphore, #tpu.memory_space<semaphore_mem>>
      %dma_start3A_101 = arith.constant 128 : i32
      %dma_start3A_102 = tpu.memref_slice %arg8[%dma_start3A_101] : memref<256xi32, #tpu.memory_space<vmem>> -> memref<128xi32, #tpu.memory_space<vmem>>
      %dma_start3A_103 = arith.constant 0 : i32
      %dma_start3A_104 = arith.constant 0 : i32
      %dma_start3A_105 = tpu.memref_slice %arg12[%dma_start3A_103, %dma_start3A_104] : memref<10112x128xf32, #tpu.memory_space<vmem_shared>> -> memref<10112x128xf32, #tpu.memory_space<vmem_shared>>
      tpu.enqueue_indirect_dma source(%arg11 : memref<128x128xf32, #tpu.memory_space<vmem>>) target(%dma_start3A_105 : memref<10112x128xf32, #tpu.memory_space<vmem_shared>>) offsets(%dma_start3A_102 : memref<128xi32, #tpu.memory_space<vmem>>) semaphore(%run_scoped3A : memref<!tpu.dma_semaphore, #tpu.memory_space<semaphore_mem>>) {add = true}
      %dma_wait3A_106 = arith.constant 128 : i32
      %dma_wait3A_107 = tpu.memref_slice %arg8[%dma_wait3A_106] : memref<256xi32, #tpu.memory_space<vmem>> -> memref<128xi32, #tpu.memory_space<vmem>>
      %dma_wait3A_108 = arith.constant 0 : i32
      %dma_wait3A_109 = arith.constant 0 : i32
      %dma_wait3A_110 = tpu.memref_slice %arg12[%dma_wait3A_108, %dma_wait3A_109] : memref<10112x128xf32, #tpu.memory_space<vmem_shared>> -> memref<10112x128xf32, #tpu.memory_space<vmem_shared>>
      tpu.wait_indirect_dma semaphore(%run_scoped3A : memref<!tpu.dma_semaphore, #tpu.memory_space<semaphore_mem>>) src(%arg11 : memref<128x128xf32, #tpu.memory_space<vmem>>) dst(%dma_wait3A_110 : memref<10112x128xf32, #tpu.memory_space<vmem_shared>>)
      tpu.yield
    }) : () -> ()
    %dma_wait3A_86 = arith.constant 0 : i32
    %dma_wait3A_87 = arith.constant 0 : i32
    %dma_wait3A_88 = tpu.memref_slice %arg9[%dma_wait3A_86, %dma_wait3A_87] : memref<128x128xf32, #tpu.memory_space<vmem>> -> memref<32x128xf32, #tpu.memory_space<vmem>>
    %dma_wait3A_89 = arith.constant 0 : i32
    %dma_wait3A_90 = tpu.memref_slice %arg6[%dma_wait3A_89] : memref<256xi32, #tpu.memory_space<vmem>> -> memref<64xi32, #tpu.memory_space<vmem>>
    %dma_wait3A_91 = arith.constant 0 : i32
    %dma_wait3A_92 = tpu.memref_slice %dma_wait3A_90[%dma_wait3A_91] : memref<64xi32, #tpu.memory_space<vmem>> -> memref<32xi32, #tpu.memory_space<vmem>>
    %dma_wait3A_93 = arith.constant 0 : i32
    %dma_wait3A_94 = arith.constant 0 : i32
    %dma_wait3A_95 = tpu.memref_slice %arg2[%dma_wait3A_93, %dma_wait3A_94] : memref<10000x128xf32, #tpu.memory_space<hbm>> -> memref<10000x128xf32, #tpu.memory_space<hbm>>
    tpu.wait_indirect_dma semaphore(%arg13 : memref<!tpu.dma_semaphore, #tpu.memory_space<semaphore_mem>>) src(%dma_wait3A_95 : memref<10000x128xf32, #tpu.memory_space<hbm>>) dst(%dma_wait3A_88 : memref<32x128xf32, #tpu.memory_space<vmem>>)
    "tpu.region"() ({
      %run_scoped3A = tpu.sem_alloc : memref<!tpu.dma_semaphore, #tpu.memory_space<semaphore_mem>>
      %dma_start3A_101 = arith.constant 0 : i32
      %dma_start3A_102 = arith.constant 0 : i32
      %dma_start3A_103 = tpu.memref_slice %arg9[%dma_start3A_101, %dma_start3A_102] : memref<128x128xf32, #tpu.memory_space<vmem>> -> memref<32x128xf32, #tpu.memory_space<vmem>>
      %dma_start3A_104 = arith.constant 0 : i32
      %dma_start3A_105 = tpu.memref_slice %arg6[%dma_start3A_104] : memref<256xi32, #tpu.memory_space<vmem>> -> memref<64xi32, #tpu.memory_space<vmem>>
      %dma_start3A_106 = arith.constant 32 : i32
      %dma_start3A_107 = tpu.memref_slice %dma_start3A_105[%dma_start3A_106] : memref<64xi32, #tpu.memory_space<vmem>> -> memref<32xi32, #tpu.memory_space<vmem>>
      %dma_start3A_108 = arith.constant 0 : i32
      %dma_start3A_109 = arith.constant 0 : i32
      %dma_start3A_110 = tpu.memref_slice %arg12[%dma_start3A_108, %dma_start3A_109] : memref<10112x128xf32, #tpu.memory_space<vmem_shared>> -> memref<10112x128xf32, #tpu.memory_space<vmem_shared>>
      tpu.enqueue_indirect_dma source(%dma_start3A_103 : memref<32x128xf32, #tpu.memory_space<vmem>>) target(%dma_start3A_110 : memref<10112x128xf32, #tpu.memory_space<vmem_shared>>) offsets(%dma_start3A_107 : memref<32xi32, #tpu.memory_space<vmem>>) semaphore(%run_scoped3A : memref<!tpu.dma_semaphore, #tpu.memory_space<semaphore_mem>>) {add = true}
      %dma_wait3A_111 = arith.constant 0 : i32
      %dma_wait3A_112 = arith.constant 0 : i32
      %dma_wait3A_113 = tpu.memref_slice %arg9[%dma_wait3A_111, %dma_wait3A_112] : memref<128x128xf32, #tpu.memory_space<vmem>> -> memref<32x128xf32, #tpu.memory_space<vmem>>
      %dma_wait3A_114 = arith.constant 0 : i32
      %dma_wait3A_115 = tpu.memref_slice %arg6[%dma_wait3A_114] : memref<256xi32, #tpu.memory_space<vmem>> -> memref<64xi32, #tpu.memory_space<vmem>>
      %dma_wait3A_116 = arith.constant 32 : i32
      %dma_wait3A_117 = tpu.memref_slice %dma_wait3A_115[%dma_wait3A_116] : memref<64xi32, #tpu.memory_space<vmem>> -> memref<32xi32, #tpu.memory_space<vmem>>
      %dma_wait3A_118 = arith.constant 0 : i32
      %dma_wait3A_119 = arith.constant 0 : i32
      %dma_wait3A_120 = tpu.memref_slice %arg12[%dma_wait3A_118, %dma_wait3A_119] : memref<10112x128xf32, #tpu.memory_space<vmem_shared>> -> memref<10112x128xf32, #tpu.memory_space<vmem_shared>>
      tpu.wait_indirect_dma semaphore(%run_scoped3A : memref<!tpu.dma_semaphore, #tpu.memory_space<semaphore_mem>>) src(%dma_wait3A_113 : memref<32x128xf32, #tpu.memory_space<vmem>>) dst(%dma_wait3A_120 : memref<10112x128xf32, #tpu.memory_space<vmem_shared>>)
      tpu.yield
    }) : () -> ()
    %barrier3A_96 = arith.constant 0 : index
    tpu.barrier barrier_id(%barrier3A_96)
    %mul3A_97 = arith.constant 632 : i32
    %mul3A_98 = arith.muli %arg1, %mul3A_97 : i32
    %mul3A_99 = arith.constant 632 : i32
    %mul3A_100 = arith.muli %arg1, %mul3A_99 : i32
    "tpu.region"() ({
      %run_scoped3A = tpu.sem_alloc : memref<!tpu.dma_semaphore, #tpu.memory_space<semaphore_mem>>
      %dma_start3A_101 = arith.constant 0 : i32
      %dma_start3A_102 = tpu.memref_slice %arg5[%arg0, %mul3A_100, %dma_start3A_101] : memref<2x10112x128xf32, #tpu.memory_space<hbm>> -> memref<1x632x128xf32, #tpu.memory_space<hbm>>
      %dma_start3A_103 = tpu.memref_squeeze %dma_start3A_102 : memref<1x632x128xf32, #tpu.memory_space<hbm>> -> memref<632x128xf32, #tpu.memory_space<hbm>>
      %dma_start3A_104 = arith.constant 0 : i32
      %dma_start3A_105 = tpu.memref_slice %arg12[%mul3A_98, %dma_start3A_104] : memref<10112x128xf32, #tpu.memory_space<vmem_shared>> -> memref<632x128xf32, #tpu.memory_space<vmem_shared>>
      tpu.enqueue_dma source(%dma_start3A_105 : memref<632x128xf32, #tpu.memory_space<vmem_shared>>) target(%dma_start3A_103 : memref<632x128xf32, #tpu.memory_space<hbm>>) target_semaphore(%run_scoped3A : memref<!tpu.dma_semaphore, #tpu.memory_space<semaphore_mem>>)
      %dma_wait3A_106 = arith.constant 0 : i32
      %dma_wait3A_107 = tpu.memref_slice %arg5[%arg0, %mul3A_100, %dma_wait3A_106] : memref<2x10112x128xf32, #tpu.memory_space<hbm>> -> memref<1x632x128xf32, #tpu.memory_space<hbm>>
      %dma_wait3A_108 = tpu.memref_squeeze %dma_wait3A_107 : memref<1x632x128xf32, #tpu.memory_space<hbm>> -> memref<632x128xf32, #tpu.memory_space<hbm>>
      %dma_wait3A_109 = arith.constant 0 : i32
      %dma_wait3A_110 = tpu.memref_slice %arg12[%mul3A_98, %dma_wait3A_109] : memref<10112x128xf32, #tpu.memory_space<vmem_shared>> -> memref<632x128xf32, #tpu.memory_space<vmem_shared>>
      tpu.wait_dma2 semaphore(%run_scoped3A : memref<!tpu.dma_semaphore, #tpu.memory_space<semaphore_mem>>) src(%dma_wait3A_110 : memref<632x128xf32, #tpu.memory_space<vmem_shared>>) dst(%dma_wait3A_108 : memref<632x128xf32, #tpu.memory_space<hbm>>)
      tpu.yield
    }) : () -> ()
    return
  }
}

#map = affine_map<(d0, d1) -> (0, 0)>
#map1 = affine_map<(d0, d1) -> (0)>
#map2 = affine_map<(d0, d1) -> (0, 0, 0)>
module attributes {stable_mosaic.version = 14 : i64} {
  func.func @_sc_gather_scatter(%arg0: i32, %arg1: i32, %arg2: memref<10000x128xf32, #tpu.memory_space<hbm>>, %arg3: memref<1280000xi32, #tpu.memory_space<hbm>>, %arg4: memref<10112x128xf32, #tpu.memory_space<hbm>>, %arg5: memref<2x10112x128xf32, #tpu.memory_space<hbm>>, %arg6: memref<256xi32, #tpu.memory_space<vmem>>, %arg7: memref<256xi32, #tpu.memory_space<vmem>>, %arg8: memref<256xi32, #tpu.memory_space<vmem>>, %arg9: memref<128x128xf32, #tpu.memory_space<vmem>>, %arg10: memref<128x128xf32, #tpu.memory_space<vmem>>, %arg11: memref<128x128xf32, #tpu.memory_space<vmem>>, %arg12: memref<10112x128xf32, #tpu.memory_space<vmem_shared>>, %arg13: memref<!tpu.dma_semaphore, #tpu.memory_space<semaphore_mem>>, %arg14: memref<!tpu.dma_semaphore, #tpu.memory_space<semaphore_mem>>, %arg15: memref<!tpu.dma_semaphore, #tpu.memory_space<semaphore_mem>>, %arg16: memref<!tpu.dma_semaphore, #tpu.memory_space<semaphore_mem>>, %arg17: memref<!tpu.dma_semaphore, #tpu.memory_space<semaphore_mem>>, %arg18: memref<!tpu.dma_semaphore, #tpu.memory_space<semaphore_mem>>) attributes {dimension_semantics = [#tpu.dimension_semantics<core_parallel>, #tpu.dimension_semantics<subcore_parallel>], iteration_bounds = array<i64: 2, 16>, scalar_prefetch = 0 : i64, scratch_operands = 13 : i64, tpu.core_type = #tpu.core_type<sc_vector_subcore>, window_params = [{transform_indices = #map}, {transform_indices = #map1}, {transform_indices = #map}, {transform_indices = #map2}]} {
    %mul3A = arith.constant 16 : i32
    %mul3A_0 = arith.muli %arg0, %mul3A : i32
    %add3A = arith.addi %mul3A_0, %arg1 : i32
    %mul3A_1 = arith.constant 632 : i32
    %mul3A_2 = arith.muli %arg1, %mul3A_1 : i32
    %mul3A_3 = arith.constant 632 : i32
    %mul3A_4 = arith.muli %arg1, %mul3A_3 : i32
    "tpu.region"() ({
      %run_scoped3A = tpu.sem_alloc : memref<!tpu.dma_semaphore, #tpu.memory_space<semaphore_mem>>
      %dma_start3A_101 = arith.constant 0 : i32
      %dma_start3A_102 = tpu.memref_slice %arg12[%mul3A_4, %dma_start3A_101] : memref<10112x128xf32, #tpu.memory_space<vmem_shared>> -> memref<632x128xf32, #tpu.memory_space<vmem_shared>>
      %dma_start3A_103 = arith.constant 0 : i32
      %dma_start3A_104 = tpu.memref_slice %arg4[%mul3A_2, %dma_start3A_103] : memref<10112x128xf32, #tpu.memory_space<hbm>> -> memref<632x128xf32, #tpu.memory_space<hbm>>
      tpu.enqueue_dma source(%dma_start3A_104 : memref<632x128xf32, #tpu.memory_space<hbm>>) target(%dma_start3A_102 : memref<632x128xf32, #tpu.memory_space<vmem_shared>>) target_semaphore(%run_scoped3A : memref<!tpu.dma_semaphore, #tpu.memory_space<semaphore_mem>>)
      %dma_wait3A_105 = arith.constant 0 : i32
      %dma_wait3A_106 = tpu.memref_slice %arg12[%mul3A_4, %dma_wait3A_105] : memref<10112x128xf32, #tpu.memory_space<vmem_shared>> -> memref<632x128xf32, #tpu.memory_space<vmem_shared>>
      %dma_wait3A_107 = arith.constant 0 : i32
      %dma_wait3A_108 = tpu.memref_slice %arg4[%mul3A_2, %dma_wait3A_107] : memref<10112x128xf32, #tpu.memory_space<hbm>> -> memref<632x128xf32, #tpu.memory_space<hbm>>
      tpu.wait_dma2 semaphore(%run_scoped3A : memref<!tpu.dma_semaphore, #tpu.memory_space<semaphore_mem>>) src(%dma_wait3A_108 : memref<632x128xf32, #tpu.memory_space<hbm>>) dst(%dma_wait3A_106 : memref<632x128xf32, #tpu.memory_space<vmem_shared>>)
      tpu.yield
    }) : () -> ()
    %barrier3A = arith.constant 0 : index
    tpu.barrier barrier_id(%barrier3A)
    %mul3A_5 = arith.constant 40000 : i32
    %mul3A_6 = arith.muli %add3A, %mul3A_5 : i32
    %dma_start3A = tpu.memref_slice %arg3[%mul3A_6] : memref<1280000xi32, #tpu.memory_space<hbm>> -> memref<256xi32, #tpu.memory_space<hbm>>
    %dma_start3A_7 = tpu.memref_slice %arg3[%mul3A_6] : memref<1280000xi32, #tpu.memory_space<hbm>> -> memref<256xi32, #tpu.memory_space<hbm>>
    tpu.enqueue_dma source(%dma_start3A_7 : memref<256xi32, #tpu.memory_space<hbm>>) target(%arg6 : memref<256xi32, #tpu.memory_space<vmem>>) target_semaphore(%arg16 : memref<!tpu.dma_semaphore, #tpu.memory_space<semaphore_mem>>)
    %dma_wait3A = tpu.memref_slice %arg3[%mul3A_6] : memref<1280000xi32, #tpu.memory_space<hbm>> -> memref<256xi32, #tpu.memory_space<hbm>>
    %dma_wait3A_8 = tpu.memref_slice %arg3[%mul3A_6] : memref<1280000xi32, #tpu.memory_space<hbm>> -> memref<256xi32, #tpu.memory_space<hbm>>
    tpu.wait_dma2 semaphore(%arg16 : memref<!tpu.dma_semaphore, #tpu.memory_space<semaphore_mem>>) src(%dma_wait3A_8 : memref<256xi32, #tpu.memory_space<hbm>>) dst(%arg6 : memref<256xi32, #tpu.memory_space<vmem>>)
    %dma_start3A_9 = arith.constant 0 : i32
    %dma_start3A_10 = tpu.memref_slice %arg6[%dma_start3A_9] : memref<256xi32, #tpu.memory_space<vmem>> -> memref<128xi32, #tpu.memory_space<vmem>>
    %dma_start3A_11 = arith.constant 0 : i32
    %dma_start3A_12 = arith.constant 0 : i32
    %dma_start3A_13 = tpu.memref_slice %arg2[%dma_start3A_11, %dma_start3A_12] : memref<10000x128xf32, #tpu.memory_space<hbm>> -> memref<10000x128xf32, #tpu.memory_space<hbm>>
    tpu.enqueue_indirect_dma source(%dma_start3A_13 : memref<10000x128xf32, #tpu.memory_space<hbm>>) target(%arg9 : memref<128x128xf32, #tpu.memory_space<vmem>>) offsets(%dma_start3A_10 : memref<128xi32, #tpu.memory_space<vmem>>) semaphore(%arg13 : memref<!tpu.dma_semaphore, #tpu.memory_space<semaphore_mem>>)
    %add3A_14 = arith.constant 256 : i32
    %add3A_15 = arith.addi %mul3A_6, %add3A_14 : i32
    %dma_start3A_16 = tpu.memref_slice %arg3[%add3A_15] : memref<1280000xi32, #tpu.memory_space<hbm>> -> memref<256xi32, #tpu.memory_space<hbm>>
    %dma_start3A_17 = tpu.memref_slice %arg3[%add3A_15] : memref<1280000xi32, #tpu.memory_space<hbm>> -> memref<256xi32, #tpu.memory_space<hbm>>
    tpu.enqueue_dma source(%dma_start3A_17 : memref<256xi32, #tpu.memory_space<hbm>>) target(%arg7 : memref<256xi32, #tpu.memory_space<vmem>>) target_semaphore(%arg17 : memref<!tpu.dma_semaphore, #tpu.memory_space<semaphore_mem>>)
    %add3A_18 = arith.constant 256 : i32
    %add3A_19 = arith.addi %mul3A_6, %add3A_18 : i32
    %dma_wait3A_20 = tpu.memref_slice %arg3[%add3A_19] : memref<1280000xi32, #tpu.memory_space<hbm>> -> memref<256xi32, #tpu.memory_space<hbm>>
    %dma_wait3A_21 = tpu.memref_slice %arg3[%add3A_19] : memref<1280000xi32, #tpu.memory_space<hbm>> -> memref<256xi32, #tpu.memory_space<hbm>>
    tpu.wait_dma2 semaphore(%arg17 : memref<!tpu.dma_semaphore, #tpu.memory_space<semaphore_mem>>) src(%dma_wait3A_21 : memref<256xi32, #tpu.memory_space<hbm>>) dst(%arg7 : memref<256xi32, #tpu.memory_space<vmem>>)
    %dma_start3A_22 = arith.constant 0 : i32
    %dma_start3A_23 = tpu.memref_slice %arg7[%dma_start3A_22] : memref<256xi32, #tpu.memory_space<vmem>> -> memref<128xi32, #tpu.memory_space<vmem>>
    %dma_start3A_24 = arith.constant 0 : i32
    %dma_start3A_25 = arith.constant 0 : i32
    %dma_start3A_26 = tpu.memref_slice %arg2[%dma_start3A_24, %dma_start3A_25] : memref<10000x128xf32, #tpu.memory_space<hbm>> -> memref<10000x128xf32, #tpu.memory_space<hbm>>
    tpu.enqueue_indirect_dma source(%dma_start3A_26 : memref<10000x128xf32, #tpu.memory_space<hbm>>) target(%arg10 : memref<128x128xf32, #tpu.memory_space<vmem>>) offsets(%dma_start3A_23 : memref<128xi32, #tpu.memory_space<vmem>>) semaphore(%arg14 : memref<!tpu.dma_semaphore, #tpu.memory_space<semaphore_mem>>)
    %add3A_27 = arith.constant 512 : i32
    %add3A_28 = arith.addi %mul3A_6, %add3A_27 : i32
    %dma_start3A_29 = tpu.memref_slice %arg3[%add3A_28] : memref<1280000xi32, #tpu.memory_space<hbm>> -> memref<256xi32, #tpu.memory_space<hbm>>
    %dma_start3A_30 = tpu.memref_slice %arg3[%add3A_28] : memref<1280000xi32, #tpu.memory_space<hbm>> -> memref<256xi32, #tpu.memory_space<hbm>>
    tpu.enqueue_dma source(%dma_start3A_30 : memref<256xi32, #tpu.memory_space<hbm>>) target(%arg8 : memref<256xi32, #tpu.memory_space<vmem>>) target_semaphore(%arg18 : memref<!tpu.dma_semaphore, #tpu.memory_space<semaphore_mem>>)
    %scan3A = arith.constant 0 : i32
    %scan3A_31 = arith.constant 0 : i32
    %scan3A_32 = arith.constant 51 : i32
    %scan3A_33 = arith.addi %scan3A_31, %scan3A_32 : i32
    %scan3A_34 = arith.constant 1 : i32
    scf.for %scan3A_101 = %scan3A_31 to %scan3A_33 step %scan3A_34  : i32 {
      %mul3A_102 = arith.constant 3 : i32
      %mul3A_103 = arith.muli %scan3A_101, %mul3A_102 : i32
      %add3A_104 = arith.constant 0 : i32
      %add3A_105 = arith.addi %mul3A_103, %add3A_104 : i32
      %add3A_106 = arith.constant 2 : i32
      %add3A_107 = arith.addi %add3A_105, %add3A_106 : i32
      %mul3A_108 = arith.constant 256 : i32
      %mul3A_109 = arith.muli %add3A_107, %mul3A_108 : i32
      %add3A_110 = arith.addi %mul3A_6, %mul3A_109 : i32
      %dma_wait3A_111 = tpu.memref_slice %arg3[%add3A_110] : memref<1280000xi32, #tpu.memory_space<hbm>> -> memref<256xi32, #tpu.memory_space<hbm>>
      %dma_wait3A_112 = tpu.memref_slice %arg3[%add3A_110] : memref<1280000xi32, #tpu.memory_space<hbm>> -> memref<256xi32, #tpu.memory_space<hbm>>
      tpu.wait_dma2 semaphore(%arg18 : memref<!tpu.dma_semaphore, #tpu.memory_space<semaphore_mem>>) src(%dma_wait3A_112 : memref<256xi32, #tpu.memory_space<hbm>>) dst(%arg8 : memref<256xi32, #tpu.memory_space<vmem>>)
      %add3A_113 = arith.constant 2 : i32
      %add3A_114 = arith.addi %add3A_105, %add3A_113 : i32
      %dma_start3A_115 = arith.constant 0 : i32
      %dma_start3A_116 = tpu.memref_slice %arg8[%dma_start3A_115] : memref<256xi32, #tpu.memory_space<vmem>> -> memref<128xi32, #tpu.memory_space<vmem>>
      %dma_start3A_117 = arith.constant 0 : i32
      %dma_start3A_118 = arith.constant 0 : i32
      %dma_start3A_119 = tpu.memref_slice %arg2[%dma_start3A_117, %dma_start3A_118] : memref<10000x128xf32, #tpu.memory_space<hbm>> -> memref<10000x128xf32, #tpu.memory_space<hbm>>
      tpu.enqueue_indirect_dma source(%dma_start3A_119 : memref<10000x128xf32, #tpu.memory_space<hbm>>) target(%arg11 : memref<128x128xf32, #tpu.memory_space<vmem>>) offsets(%dma_start3A_116 : memref<128xi32, #tpu.memory_space<vmem>>) semaphore(%arg15 : memref<!tpu.dma_semaphore, #tpu.memory_space<semaphore_mem>>)
      %dma_wait3A_120 = arith.constant 0 : i32
      %dma_wait3A_121 = tpu.memref_slice %arg6[%dma_wait3A_120] : memref<256xi32, #tpu.memory_space<vmem>> -> memref<128xi32, #tpu.memory_space<vmem>>
      %dma_wait3A_122 = arith.constant 0 : i32
      %dma_wait3A_123 = arith.constant 0 : i32
      %dma_wait3A_124 = tpu.memref_slice %arg2[%dma_wait3A_122, %dma_wait3A_123] : memref<10000x128xf32, #tpu.memory_space<hbm>> -> memref<10000x128xf32, #tpu.memory_space<hbm>>
      tpu.wait_indirect_dma semaphore(%arg13 : memref<!tpu.dma_semaphore, #tpu.memory_space<semaphore_mem>>) src(%dma_wait3A_124 : memref<10000x128xf32, #tpu.memory_space<hbm>>) dst(%arg9 : memref<128x128xf32, #tpu.memory_space<vmem>>)
      "tpu.region"() ({
        %run_scoped3A = tpu.sem_alloc : memref<!tpu.dma_semaphore, #tpu.memory_space<semaphore_mem>>
        %dma_start3A_192 = arith.constant 128 : i32
        %dma_start3A_193 = tpu.memref_slice %arg6[%dma_start3A_192] : memref<256xi32, #tpu.memory_space<vmem>> -> memref<128xi32, #tpu.memory_space<vmem>>
        %dma_start3A_194 = arith.constant 0 : i32
        %dma_start3A_195 = arith.constant 0 : i32
        %dma_start3A_196 = tpu.memref_slice %arg12[%dma_start3A_194, %dma_start3A_195] : memref<10112x128xf32, #tpu.memory_space<vmem_shared>> -> memref<10112x128xf32, #tpu.memory_space<vmem_shared>>
        tpu.enqueue_indirect_dma source(%arg9 : memref<128x128xf32, #tpu.memory_space<vmem>>) target(%dma_start3A_196 : memref<10112x128xf32, #tpu.memory_space<vmem_shared>>) offsets(%dma_start3A_193 : memref<128xi32, #tpu.memory_space<vmem>>) semaphore(%run_scoped3A : memref<!tpu.dma_semaphore, #tpu.memory_space<semaphore_mem>>) {add = true}
        %dma_wait3A_197 = arith.constant 128 : i32
        %dma_wait3A_198 = tpu.memref_slice %arg6[%dma_wait3A_197] : memref<256xi32, #tpu.memory_space<vmem>> -> memref<128xi32, #tpu.memory_space<vmem>>
        %dma_wait3A_199 = arith.constant 0 : i32
        %dma_wait3A_200 = arith.constant 0 : i32
        %dma_wait3A_201 = tpu.memref_slice %arg12[%dma_wait3A_199, %dma_wait3A_200] : memref<10112x128xf32, #tpu.memory_space<vmem_shared>> -> memref<10112x128xf32, #tpu.memory_space<vmem_shared>>
        tpu.wait_indirect_dma semaphore(%run_scoped3A : memref<!tpu.dma_semaphore, #tpu.memory_space<semaphore_mem>>) src(%arg9 : memref<128x128xf32, #tpu.memory_space<vmem>>) dst(%dma_wait3A_201 : memref<10112x128xf32, #tpu.memory_space<vmem_shared>>)
        tpu.yield
      }) : () -> ()
      %add3A_125 = arith.constant 3 : i32
      %add3A_126 = arith.addi %add3A_105, %add3A_125 : i32
      %mul3A_127 = arith.constant 256 : i32
      %mul3A_128 = arith.muli %add3A_126, %mul3A_127 : i32
      %add3A_129 = arith.addi %mul3A_6, %mul3A_128 : i32
      %dma_start3A_130 = tpu.memref_slice %arg3[%add3A_129] : memref<1280000xi32, #tpu.memory_space<hbm>> -> memref<256xi32, #tpu.memory_space<hbm>>
      %dma_start3A_131 = tpu.memref_slice %arg3[%add3A_129] : memref<1280000xi32, #tpu.memory_space<hbm>> -> memref<256xi32, #tpu.memory_space<hbm>>
      tpu.enqueue_dma source(%dma_start3A_131 : memref<256xi32, #tpu.memory_space<hbm>>) target(%arg6 : memref<256xi32, #tpu.memory_space<vmem>>) target_semaphore(%arg16 : memref<!tpu.dma_semaphore, #tpu.memory_space<semaphore_mem>>)
      %mul3A_132 = arith.constant 3 : i32
      %mul3A_133 = arith.muli %scan3A_101, %mul3A_132 : i32
      %add3A_134 = arith.constant 1 : i32
      %add3A_135 = arith.addi %mul3A_133, %add3A_134 : i32
      %add3A_136 = arith.constant 2 : i32
      %add3A_137 = arith.addi %add3A_135, %add3A_136 : i32
      %mul3A_138 = arith.constant 256 : i32
      %mul3A_139 = arith.muli %add3A_137, %mul3A_138 : i32
      %add3A_140 = arith.addi %mul3A_6, %mul3A_139 : i32
      %dma_wait3A_141 = tpu.memref_slice %arg3[%add3A_140] : memref<1280000xi32, #tpu.memory_space<hbm>> -> memref<256xi32, #tpu.memory_space<hbm>>
      %dma_wait3A_142 = tpu.memref_slice %arg3[%add3A_140] : memref<1280000xi32, #tpu.memory_space<hbm>> -> memref<256xi32, #tpu.memory_space<hbm>>
      tpu.wait_dma2 semaphore(%arg16 : memref<!tpu.dma_semaphore, #tpu.memory_space<semaphore_mem>>) src(%dma_wait3A_142 : memref<256xi32, #tpu.memory_space<hbm>>) dst(%arg6 : memref<256xi32, #tpu.memory_space<vmem>>)
      %add3A_143 = arith.constant 2 : i32
      %add3A_144 = arith.addi %add3A_135, %add3A_143 : i32
      %dma_start3A_145 = arith.constant 0 : i32
      %dma_start3A_146 = tpu.memref_slice %arg6[%dma_start3A_145] : memref<256xi32, #tpu.memory_space<vmem>> -> memref<128xi32, #tpu.memory_space<vmem>>
      %dma_start3A_147 = arith.constant 0 : i32
      %dma_start3A_148 = arith.constant 0 : i32
      %dma_start3A_149 = tpu.memref_slice %arg2[%dma_start3A_147, %dma_start3A_148] : memref<10000x128xf32, #tpu.memory_space<hbm>> -> memref<10000x128xf32, #tpu.memory_space<hbm>>
      tpu.enqueue_indirect_dma source(%dma_start3A_149 : memref<10000x128xf32, #tpu.memory_space<hbm>>) target(%arg9 : memref<128x128xf32, #tpu.memory_space<vmem>>) offsets(%dma_start3A_146 : memref<128xi32, #tpu.memory_space<vmem>>) semaphore(%arg13 : memref<!tpu.dma_semaphore, #tpu.memory_space<semaphore_mem>>)
      %dma_wait3A_150 = arith.constant 0 : i32
      %dma_wait3A_151 = tpu.memref_slice %arg7[%dma_wait3A_150] : memref<256xi32, #tpu.memory_space<vmem>> -> memref<128xi32, #tpu.memory_space<vmem>>
      %dma_wait3A_152 = arith.constant 0 : i32
      %dma_wait3A_153 = arith.constant 0 : i32
      %dma_wait3A_154 = tpu.memref_slice %arg2[%dma_wait3A_152, %dma_wait3A_153] : memref<10000x128xf32, #tpu.memory_space<hbm>> -> memref<10000x128xf32, #tpu.memory_space<hbm>>
      tpu.wait_indirect_dma semaphore(%arg14 : memref<!tpu.dma_semaphore, #tpu.memory_space<semaphore_mem>>) src(%dma_wait3A_154 : memref<10000x128xf32, #tpu.memory_space<hbm>>) dst(%arg10 : memref<128x128xf32, #tpu.memory_space<vmem>>)
      "tpu.region"() ({
        %run_scoped3A = tpu.sem_alloc : memref<!tpu.dma_semaphore, #tpu.memory_space<semaphore_mem>>
        %dma_start3A_192 = arith.constant 128 : i32
        %dma_start3A_193 = tpu.memref_slice %arg7[%dma_start3A_192] : memref<256xi32, #tpu.memory_space<vmem>> -> memref<128xi32, #tpu.memory_space<vmem>>
        %dma_start3A_194 = arith.constant 0 : i32
        %dma_start3A_195 = arith.constant 0 : i32
        %dma_start3A_196 = tpu.memref_slice %arg12[%dma_start3A_194, %dma_start3A_195] : memref<10112x128xf32, #tpu.memory_space<vmem_shared>> -> memref<10112x128xf32, #tpu.memory_space<vmem_shared>>
        tpu.enqueue_indirect_dma source(%arg10 : memref<128x128xf32, #tpu.memory_space<vmem>>) target(%dma_start3A_196 : memref<10112x128xf32, #tpu.memory_space<vmem_shared>>) offsets(%dma_start3A_193 : memref<128xi32, #tpu.memory_space<vmem>>) semaphore(%run_scoped3A : memref<!tpu.dma_semaphore, #tpu.memory_space<semaphore_mem>>) {add = true}
        %dma_wait3A_197 = arith.constant 128 : i32
        %dma_wait3A_198 = tpu.memref_slice %arg7[%dma_wait3A_197] : memref<256xi32, #tpu.memory_space<vmem>> -> memref<128xi32, #tpu.memory_space<vmem>>
        %dma_wait3A_199 = arith.constant 0 : i32
        %dma_wait3A_200 = arith.constant 0 : i32
        %dma_wait3A_201 = tpu.memref_slice %arg12[%dma_wait3A_199, %dma_wait3A_200] : memref<10112x128xf32, #tpu.memory_space<vmem_shared>> -> memref<10112x128xf32, #tpu.memory_space<vmem_shared>>
        tpu.wait_indirect_dma semaphore(%run_scoped3A : memref<!tpu.dma_semaphore, #tpu.memory_space<semaphore_mem>>) src(%arg10 : memref<128x128xf32, #tpu.memory_space<vmem>>) dst(%dma_wait3A_201 : memref<10112x128xf32, #tpu.memory_space<vmem_shared>>)
        tpu.yield
      }) : () -> ()
      %add3A_155 = arith.constant 3 : i32
      %add3A_156 = arith.addi %add3A_135, %add3A_155 : i32
      %mul3A_157 = arith.constant 256 : i32
      %mul3A_158 = arith.muli %add3A_156, %mul3A_157 : i32
      %add3A_159 = arith.addi %mul3A_6, %mul3A_158 : i32
      %dma_start3A_160 = tpu.memref_slice %arg3[%add3A_159] : memref<1280000xi32, #tpu.memory_space<hbm>> -> memref<256xi32, #tpu.memory_space<hbm>>
      %dma_start3A_161 = tpu.memref_slice %arg3[%add3A_159] : memref<1280000xi32, #tpu.memory_space<hbm>> -> memref<256xi32, #tpu.memory_space<hbm>>
      tpu.enqueue_dma source(%dma_start3A_161 : memref<256xi32, #tpu.memory_space<hbm>>) target(%arg7 : memref<256xi32, #tpu.memory_space<vmem>>) target_semaphore(%arg17 : memref<!tpu.dma_semaphore, #tpu.memory_space<semaphore_mem>>)
      %mul3A_162 = arith.constant 3 : i32
      %mul3A_163 = arith.muli %scan3A_101, %mul3A_162 : i32
      %add3A_164 = arith.constant 2 : i32
      %add3A_165 = arith.addi %mul3A_163, %add3A_164 : i32
      %add3A_166 = arith.constant 2 : i32
      %add3A_167 = arith.addi %add3A_165, %add3A_166 : i32
      %mul3A_168 = arith.constant 256 : i32
      %mul3A_169 = arith.muli %add3A_167, %mul3A_168 : i32
      %add3A_170 = arith.addi %mul3A_6, %mul3A_169 : i32
      %dma_wait3A_171 = tpu.memref_slice %arg3[%add3A_170] : memref<1280000xi32, #tpu.memory_space<hbm>> -> memref<256xi32, #tpu.memory_space<hbm>>
      %dma_wait3A_172 = tpu.memref_slice %arg3[%add3A_170] : memref<1280000xi32, #tpu.memory_space<hbm>> -> memref<256xi32, #tpu.memory_space<hbm>>
      tpu.wait_dma2 semaphore(%arg17 : memref<!tpu.dma_semaphore, #tpu.memory_space<semaphore_mem>>) src(%dma_wait3A_172 : memref<256xi32, #tpu.memory_space<hbm>>) dst(%arg7 : memref<256xi32, #tpu.memory_space<vmem>>)
      %add3A_173 = arith.constant 2 : i32
      %add3A_174 = arith.addi %add3A_165, %add3A_173 : i32
      %dma_start3A_175 = arith.constant 0 : i32
      %dma_start3A_176 = tpu.memref_slice %arg7[%dma_start3A_175] : memref<256xi32, #tpu.memory_space<vmem>> -> memref<128xi32, #tpu.memory_space<vmem>>
      %dma_start3A_177 = arith.constant 0 : i32
      %dma_start3A_178 = arith.constant 0 : i32
      %dma_start3A_179 = tpu.memref_slice %arg2[%dma_start3A_177, %dma_start3A_178] : memref<10000x128xf32, #tpu.memory_space<hbm>> -> memref<10000x128xf32, #tpu.memory_space<hbm>>
      tpu.enqueue_indirect_dma source(%dma_start3A_179 : memref<10000x128xf32, #tpu.memory_space<hbm>>) target(%arg10 : memref<128x128xf32, #tpu.memory_space<vmem>>) offsets(%dma_start3A_176 : memref<128xi32, #tpu.memory_space<vmem>>) semaphore(%arg14 : memref<!tpu.dma_semaphore, #tpu.memory_space<semaphore_mem>>)
      %dma_wait3A_180 = arith.constant 0 : i32
      %dma_wait3A_181 = tpu.memref_slice %arg8[%dma_wait3A_180] : memref<256xi32, #tpu.memory_space<vmem>> -> memref<128xi32, #tpu.memory_space<vmem>>
      %dma_wait3A_182 = arith.constant 0 : i32
      %dma_wait3A_183 = arith.constant 0 : i32
      %dma_wait3A_184 = tpu.memref_slice %arg2[%dma_wait3A_182, %dma_wait3A_183] : memref<10000x128xf32, #tpu.memory_space<hbm>> -> memref<10000x128xf32, #tpu.memory_space<hbm>>
      tpu.wait_indirect_dma semaphore(%arg15 : memref<!tpu.dma_semaphore, #tpu.memory_space<semaphore_mem>>) src(%dma_wait3A_184 : memref<10000x128xf32, #tpu.memory_space<hbm>>) dst(%arg11 : memref<128x128xf32, #tpu.memory_space<vmem>>)
      "tpu.region"() ({
        %run_scoped3A = tpu.sem_alloc : memref<!tpu.dma_semaphore, #tpu.memory_space<semaphore_mem>>
        %dma_start3A_192 = arith.constant 128 : i32
        %dma_start3A_193 = tpu.memref_slice %arg8[%dma_start3A_192] : memref<256xi32, #tpu.memory_space<vmem>> -> memref<128xi32, #tpu.memory_space<vmem>>
        %dma_start3A_194 = arith.constant 0 : i32
        %dma_start3A_195 = arith.constant 0 : i32
        %dma_start3A_196 = tpu.memref_slice %arg12[%dma_start3A_194, %dma_start3A_195] : memref<10112x128xf32, #tpu.memory_space<vmem_shared>> -> memref<10112x128xf32, #tpu.memory_space<vmem_shared>>
        tpu.enqueue_indirect_dma source(%arg11 : memref<128x128xf32, #tpu.memory_space<vmem>>) target(%dma_start3A_196 : memref<10112x128xf32, #tpu.memory_space<vmem_shared>>) offsets(%dma_start3A_193 : memref<128xi32, #tpu.memory_space<vmem>>) semaphore(%run_scoped3A : memref<!tpu.dma_semaphore, #tpu.memory_space<semaphore_mem>>) {add = true}
        %dma_wait3A_197 = arith.constant 128 : i32
        %dma_wait3A_198 = tpu.memref_slice %arg8[%dma_wait3A_197] : memref<256xi32, #tpu.memory_space<vmem>> -> memref<128xi32, #tpu.memory_space<vmem>>
        %dma_wait3A_199 = arith.constant 0 : i32
        %dma_wait3A_200 = arith.constant 0 : i32
        %dma_wait3A_201 = tpu.memref_slice %arg12[%dma_wait3A_199, %dma_wait3A_200] : memref<10112x128xf32, #tpu.memory_space<vmem_shared>> -> memref<10112x128xf32, #tpu.memory_space<vmem_shared>>
        tpu.wait_indirect_dma semaphore(%run_scoped3A : memref<!tpu.dma_semaphore, #tpu.memory_space<semaphore_mem>>) src(%arg11 : memref<128x128xf32, #tpu.memory_space<vmem>>) dst(%dma_wait3A_201 : memref<10112x128xf32, #tpu.memory_space<vmem_shared>>)
        tpu.yield
      }) : () -> ()
      %add3A_185 = arith.constant 3 : i32
      %add3A_186 = arith.addi %add3A_165, %add3A_185 : i32
      %mul3A_187 = arith.constant 256 : i32
      %mul3A_188 = arith.muli %add3A_186, %mul3A_187 : i32
      %add3A_189 = arith.addi %mul3A_6, %mul3A_188 : i32
      %dma_start3A_190 = tpu.memref_slice %arg3[%add3A_189] : memref<1280000xi32, #tpu.memory_space<hbm>> -> memref<256xi32, #tpu.memory_space<hbm>>
      %dma_start3A_191 = tpu.memref_slice %arg3[%add3A_189] : memref<1280000xi32, #tpu.memory_space<hbm>> -> memref<256xi32, #tpu.memory_space<hbm>>
      tpu.enqueue_dma source(%dma_start3A_191 : memref<256xi32, #tpu.memory_space<hbm>>) target(%arg8 : memref<256xi32, #tpu.memory_space<vmem>>) target_semaphore(%arg18 : memref<!tpu.dma_semaphore, #tpu.memory_space<semaphore_mem>>)
    }
    %scan3A_35 = arith.constant 51 : i32
    %add3A_36 = arith.constant 39680 : i32
    %add3A_37 = arith.addi %mul3A_6, %add3A_36 : i32
    %dma_wait3A_38 = tpu.memref_slice %arg3[%add3A_37] : memref<1280000xi32, #tpu.memory_space<hbm>> -> memref<256xi32, #tpu.memory_space<hbm>>
    %dma_wait3A_39 = tpu.memref_slice %arg3[%add3A_37] : memref<1280000xi32, #tpu.memory_space<hbm>> -> memref<256xi32, #tpu.memory_space<hbm>>
    tpu.wait_dma2 semaphore(%arg18 : memref<!tpu.dma_semaphore, #tpu.memory_space<semaphore_mem>>) src(%dma_wait3A_39 : memref<256xi32, #tpu.memory_space<hbm>>) dst(%arg8 : memref<256xi32, #tpu.memory_space<vmem>>)
    %dma_start3A_40 = arith.constant 0 : i32
    %dma_start3A_41 = tpu.memref_slice %arg8[%dma_start3A_40] : memref<256xi32, #tpu.memory_space<vmem>> -> memref<128xi32, #tpu.memory_space<vmem>>
    %dma_start3A_42 = arith.constant 0 : i32
    %dma_start3A_43 = arith.constant 0 : i32
    %dma_start3A_44 = tpu.memref_slice %arg2[%dma_start3A_42, %dma_start3A_43] : memref<10000x128xf32, #tpu.memory_space<hbm>> -> memref<10000x128xf32, #tpu.memory_space<hbm>>
    tpu.enqueue_indirect_dma source(%dma_start3A_44 : memref<10000x128xf32, #tpu.memory_space<hbm>>) target(%arg11 : memref<128x128xf32, #tpu.memory_space<vmem>>) offsets(%dma_start3A_41 : memref<128xi32, #tpu.memory_space<vmem>>) semaphore(%arg15 : memref<!tpu.dma_semaphore, #tpu.memory_space<semaphore_mem>>)
    %dma_wait3A_45 = arith.constant 0 : i32
    %dma_wait3A_46 = tpu.memref_slice %arg6[%dma_wait3A_45] : memref<256xi32, #tpu.memory_space<vmem>> -> memref<128xi32, #tpu.memory_space<vmem>>
    %dma_wait3A_47 = arith.constant 0 : i32
    %dma_wait3A_48 = arith.constant 0 : i32
    %dma_wait3A_49 = tpu.memref_slice %arg2[%dma_wait3A_47, %dma_wait3A_48] : memref<10000x128xf32, #tpu.memory_space<hbm>> -> memref<10000x128xf32, #tpu.memory_space<hbm>>
    tpu.wait_indirect_dma semaphore(%arg13 : memref<!tpu.dma_semaphore, #tpu.memory_space<semaphore_mem>>) src(%dma_wait3A_49 : memref<10000x128xf32, #tpu.memory_space<hbm>>) dst(%arg9 : memref<128x128xf32, #tpu.memory_space<vmem>>)
    "tpu.region"() ({
      %run_scoped3A = tpu.sem_alloc : memref<!tpu.dma_semaphore, #tpu.memory_space<semaphore_mem>>
      %dma_start3A_101 = arith.constant 128 : i32
      %dma_start3A_102 = tpu.memref_slice %arg6[%dma_start3A_101] : memref<256xi32, #tpu.memory_space<vmem>> -> memref<128xi32, #tpu.memory_space<vmem>>
      %dma_start3A_103 = arith.constant 0 : i32
      %dma_start3A_104 = arith.constant 0 : i32
      %dma_start3A_105 = tpu.memref_slice %arg12[%dma_start3A_103, %dma_start3A_104] : memref<10112x128xf32, #tpu.memory_space<vmem_shared>> -> memref<10112x128xf32, #tpu.memory_space<vmem_shared>>
      tpu.enqueue_indirect_dma source(%arg9 : memref<128x128xf32, #tpu.memory_space<vmem>>) target(%dma_start3A_105 : memref<10112x128xf32, #tpu.memory_space<vmem_shared>>) offsets(%dma_start3A_102 : memref<128xi32, #tpu.memory_space<vmem>>) semaphore(%run_scoped3A : memref<!tpu.dma_semaphore, #tpu.memory_space<semaphore_mem>>) {add = true}
      %dma_wait3A_106 = arith.constant 128 : i32
      %dma_wait3A_107 = tpu.memref_slice %arg6[%dma_wait3A_106] : memref<256xi32, #tpu.memory_space<vmem>> -> memref<128xi32, #tpu.memory_space<vmem>>
      %dma_wait3A_108 = arith.constant 0 : i32
      %dma_wait3A_109 = arith.constant 0 : i32
      %dma_wait3A_110 = tpu.memref_slice %arg12[%dma_wait3A_108, %dma_wait3A_109] : memref<10112x128xf32, #tpu.memory_space<vmem_shared>> -> memref<10112x128xf32, #tpu.memory_space<vmem_shared>>
      tpu.wait_indirect_dma semaphore(%run_scoped3A : memref<!tpu.dma_semaphore, #tpu.memory_space<semaphore_mem>>) src(%arg9 : memref<128x128xf32, #tpu.memory_space<vmem>>) dst(%dma_wait3A_110 : memref<10112x128xf32, #tpu.memory_space<vmem_shared>>)
      tpu.yield
    }) : () -> ()
    %add3A_50 = arith.constant 39936 : i32
    %add3A_51 = arith.addi %mul3A_6, %add3A_50 : i32
    %dma_start3A_52 = arith.constant 0 : i32
    %dma_start3A_53 = tpu.memref_slice %arg6[%dma_start3A_52] : memref<256xi32, #tpu.memory_space<vmem>> -> memref<64xi32, #tpu.memory_space<vmem>>
    %dma_start3A_54 = tpu.memref_slice %arg3[%add3A_51] : memref<1280000xi32, #tpu.memory_space<hbm>> -> memref<64xi32, #tpu.memory_space<hbm>>
    %dma_start3A_55 = arith.constant 0 : i32
    %dma_start3A_56 = tpu.memref_slice %arg6[%dma_start3A_55] : memref<256xi32, #tpu.memory_space<vmem>> -> memref<64xi32, #tpu.memory_space<vmem>>
    %dma_start3A_57 = tpu.memref_slice %arg3[%add3A_51] : memref<1280000xi32, #tpu.memory_space<hbm>> -> memref<64xi32, #tpu.memory_space<hbm>>
    tpu.enqueue_dma source(%dma_start3A_57 : memref<64xi32, #tpu.memory_space<hbm>>) target(%dma_start3A_56 : memref<64xi32, #tpu.memory_space<vmem>>) target_semaphore(%arg16 : memref<!tpu.dma_semaphore, #tpu.memory_space<semaphore_mem>>)
    %dma_wait3A_58 = arith.constant 0 : i32
    %dma_wait3A_59 = tpu.memref_slice %arg7[%dma_wait3A_58] : memref<256xi32, #tpu.memory_space<vmem>> -> memref<128xi32, #tpu.memory_space<vmem>>
    %dma_wait3A_60 = arith.constant 0 : i32
    %dma_wait3A_61 = arith.constant 0 : i32
    %dma_wait3A_62 = tpu.memref_slice %arg2[%dma_wait3A_60, %dma_wait3A_61] : memref<10000x128xf32, #tpu.memory_space<hbm>> -> memref<10000x128xf32, #tpu.memory_space<hbm>>
    tpu.wait_indirect_dma semaphore(%arg14 : memref<!tpu.dma_semaphore, #tpu.memory_space<semaphore_mem>>) src(%dma_wait3A_62 : memref<10000x128xf32, #tpu.memory_space<hbm>>) dst(%arg10 : memref<128x128xf32, #tpu.memory_space<vmem>>)
    "tpu.region"() ({
      %run_scoped3A = tpu.sem_alloc : memref<!tpu.dma_semaphore, #tpu.memory_space<semaphore_mem>>
      %dma_start3A_101 = arith.constant 128 : i32
      %dma_start3A_102 = tpu.memref_slice %arg7[%dma_start3A_101] : memref<256xi32, #tpu.memory_space<vmem>> -> memref<128xi32, #tpu.memory_space<vmem>>
      %dma_start3A_103 = arith.constant 0 : i32
      %dma_start3A_104 = arith.constant 0 : i32
      %dma_start3A_105 = tpu.memref_slice %arg12[%dma_start3A_103, %dma_start3A_104] : memref<10112x128xf32, #tpu.memory_space<vmem_shared>> -> memref<10112x128xf32, #tpu.memory_space<vmem_shared>>
      tpu.enqueue_indirect_dma source(%arg10 : memref<128x128xf32, #tpu.memory_space<vmem>>) target(%dma_start3A_105 : memref<10112x128xf32, #tpu.memory_space<vmem_shared>>) offsets(%dma_start3A_102 : memref<128xi32, #tpu.memory_space<vmem>>) semaphore(%run_scoped3A : memref<!tpu.dma_semaphore, #tpu.memory_space<semaphore_mem>>) {add = true}
      %dma_wait3A_106 = arith.constant 128 : i32
      %dma_wait3A_107 = tpu.memref_slice %arg7[%dma_wait3A_106] : memref<256xi32, #tpu.memory_space<vmem>> -> memref<128xi32, #tpu.memory_space<vmem>>
      %dma_wait3A_108 = arith.constant 0 : i32
      %dma_wait3A_109 = arith.constant 0 : i32
      %dma_wait3A_110 = tpu.memref_slice %arg12[%dma_wait3A_108, %dma_wait3A_109] : memref<10112x128xf32, #tpu.memory_space<vmem_shared>> -> memref<10112x128xf32, #tpu.memory_space<vmem_shared>>
      tpu.wait_indirect_dma semaphore(%run_scoped3A : memref<!tpu.dma_semaphore, #tpu.memory_space<semaphore_mem>>) src(%arg10 : memref<128x128xf32, #tpu.memory_space<vmem>>) dst(%dma_wait3A_110 : memref<10112x128xf32, #tpu.memory_space<vmem_shared>>)
      tpu.yield
    }) : () -> ()
    %add3A_63 = arith.constant 39936 : i32
    %add3A_64 = arith.addi %mul3A_6, %add3A_63 : i32
    %dma_wait3A_65 = arith.constant 0 : i32
    %dma_wait3A_66 = tpu.memref_slice %arg6[%dma_wait3A_65] : memref<256xi32, #tpu.memory_space<vmem>> -> memref<64xi32, #tpu.memory_space<vmem>>
    %dma_wait3A_67 = tpu.memref_slice %arg3[%add3A_64] : memref<1280000xi32, #tpu.memory_space<hbm>> -> memref<64xi32, #tpu.memory_space<hbm>>
    %dma_wait3A_68 = arith.constant 0 : i32
    %dma_wait3A_69 = tpu.memref_slice %arg6[%dma_wait3A_68] : memref<256xi32, #tpu.memory_space<vmem>> -> memref<64xi32, #tpu.memory_space<vmem>>
    %dma_wait3A_70 = tpu.memref_slice %arg3[%add3A_64] : memref<1280000xi32, #tpu.memory_space<hbm>> -> memref<64xi32, #tpu.memory_space<hbm>>
    tpu.wait_dma2 semaphore(%arg16 : memref<!tpu.dma_semaphore, #tpu.memory_space<semaphore_mem>>) src(%dma_wait3A_70 : memref<64xi32, #tpu.memory_space<hbm>>) dst(%dma_wait3A_69 : memref<64xi32, #tpu.memory_space<vmem>>)
    %dma_start3A_71 = arith.constant 0 : i32
    %dma_start3A_72 = arith.constant 0 : i32
    %dma_start3A_73 = tpu.memref_slice %arg9[%dma_start3A_71, %dma_start3A_72] : memref<128x128xf32, #tpu.memory_space<vmem>> -> memref<32x128xf32, #tpu.memory_space<vmem>>
    %dma_start3A_74 = arith.constant 0 : i32
    %dma_start3A_75 = tpu.memref_slice %arg6[%dma_start3A_74] : memref<256xi32, #tpu.memory_space<vmem>> -> memref<64xi32, #tpu.memory_space<vmem>>
    %dma_start3A_76 = arith.constant 0 : i32
    %dma_start3A_77 = tpu.memref_slice %dma_start3A_75[%dma_start3A_76] : memref<64xi32, #tpu.memory_space<vmem>> -> memref<32xi32, #tpu.memory_space<vmem>>
    %dma_start3A_78 = arith.constant 0 : i32
    %dma_start3A_79 = arith.constant 0 : i32
    %dma_start3A_80 = tpu.memref_slice %arg2[%dma_start3A_78, %dma_start3A_79] : memref<10000x128xf32, #tpu.memory_space<hbm>> -> memref<10000x128xf32, #tpu.memory_space<hbm>>
    tpu.enqueue_indirect_dma source(%dma_start3A_80 : memref<10000x128xf32, #tpu.memory_space<hbm>>) target(%dma_start3A_73 : memref<32x128xf32, #tpu.memory_space<vmem>>) offsets(%dma_start3A_77 : memref<32xi32, #tpu.memory_space<vmem>>) semaphore(%arg13 : memref<!tpu.dma_semaphore, #tpu.memory_space<semaphore_mem>>)
    %dma_wait3A_81 = arith.constant 0 : i32
    %dma_wait3A_82 = tpu.memref_slice %arg8[%dma_wait3A_81] : memref<256xi32, #tpu.memory_space<vmem>> -> memref<128xi32, #tpu.memory_space<vmem>>
    %dma_wait3A_83 = arith.constant 0 : i32
    %dma_wait3A_84 = arith.constant 0 : i32
    %dma_wait3A_85 = tpu.memref_slice %arg2[%dma_wait3A_83, %dma_wait3A_84] : memref<10000x128xf32, #tpu.memory_space<hbm>> -> memref<10000x128xf32, #tpu.memory_space<hbm>>
    tpu.wait_indirect_dma semaphore(%arg15 : memref<!tpu.dma_semaphore, #tpu.memory_space<semaphore_mem>>) src(%dma_wait3A_85 : memref<10000x128xf32, #tpu.memory_space<hbm>>) dst(%arg11 : memref<128x128xf32, #tpu.memory_space<vmem>>)
    "tpu.region"() ({
      %run_scoped3A = tpu.sem_alloc : memref<!tpu.dma_semaphore, #tpu.memory_space<semaphore_mem>>
      %dma_start3A_101 = arith.constant 128 : i32
      %dma_start3A_102 = tpu.memref_slice %arg8[%dma_start3A_101] : memref<256xi32, #tpu.memory_space<vmem>> -> memref<128xi32, #tpu.memory_space<vmem>>
      %dma_start3A_103 = arith.constant 0 : i32
      %dma_start3A_104 = arith.constant 0 : i32
      %dma_start3A_105 = tpu.memref_slice %arg12[%dma_start3A_103, %dma_start3A_104] : memref<10112x128xf32, #tpu.memory_space<vmem_shared>> -> memref<10112x128xf32, #tpu.memory_space<vmem_shared>>
      tpu.enqueue_indirect_dma source(%arg11 : memref<128x128xf32, #tpu.memory_space<vmem>>) target(%dma_start3A_105 : memref<10112x128xf32, #tpu.memory_space<vmem_shared>>) offsets(%dma_start3A_102 : memref<128xi32, #tpu.memory_space<vmem>>) semaphore(%run_scoped3A : memref<!tpu.dma_semaphore, #tpu.memory_space<semaphore_mem>>) {add = true}
      %dma_wait3A_106 = arith.constant 128 : i32
      %dma_wait3A_107 = tpu.memref_slice %arg8[%dma_wait3A_106] : memref<256xi32, #tpu.memory_space<vmem>> -> memref<128xi32, #tpu.memory_space<vmem>>
      %dma_wait3A_108 = arith.constant 0 : i32
      %dma_wait3A_109 = arith.constant 0 : i32
      %dma_wait3A_110 = tpu.memref_slice %arg12[%dma_wait3A_108, %dma_wait3A_109] : memref<10112x128xf32, #tpu.memory_space<vmem_shared>> -> memref<10112x128xf32, #tpu.memory_space<vmem_shared>>
      tpu.wait_indirect_dma semaphore(%run_scoped3A : memref<!tpu.dma_semaphore, #tpu.memory_space<semaphore_mem>>) src(%arg11 : memref<128x128xf32, #tpu.memory_space<vmem>>) dst(%dma_wait3A_110 : memref<10112x128xf32, #tpu.memory_space<vmem_shared>>)
      tpu.yield
    }) : () -> ()
    %dma_wait3A_86 = arith.constant 0 : i32
    %dma_wait3A_87 = arith.constant 0 : i32
    %dma_wait3A_88 = tpu.memref_slice %arg9[%dma_wait3A_86, %dma_wait3A_87] : memref<128x128xf32, #tpu.memory_space<vmem>> -> memref<32x128xf32, #tpu.memory_space<vmem>>
    %dma_wait3A_89 = arith.constant 0 : i32
    %dma_wait3A_90 = tpu.memref_slice %arg6[%dma_wait3A_89] : memref<256xi32, #tpu.memory_space<vmem>> -> memref<64xi32, #tpu.memory_space<vmem>>
    %dma_wait3A_91 = arith.constant 0 : i32
    %dma_wait3A_92 = tpu.memref_slice %dma_wait3A_90[%dma_wait3A_91] : memref<64xi32, #tpu.memory_space<vmem>> -> memref<32xi32, #tpu.memory_space<vmem>>
    %dma_wait3A_93 = arith.constant 0 : i32
    %dma_wait3A_94 = arith.constant 0 : i32
    %dma_wait3A_95 = tpu.memref_slice %arg2[%dma_wait3A_93, %dma_wait3A_94] : memref<10000x128xf32, #tpu.memory_space<hbm>> -> memref<10000x128xf32, #tpu.memory_space<hbm>>
    tpu.wait_indirect_dma semaphore(%arg13 : memref<!tpu.dma_semaphore, #tpu.memory_space<semaphore_mem>>) src(%dma_wait3A_95 : memref<10000x128xf32, #tpu.memory_space<hbm>>) dst(%dma_wait3A_88 : memref<32x128xf32, #tpu.memory_space<vmem>>)
    "tpu.region"() ({
      %run_scoped3A = tpu.sem_alloc : memref<!tpu.dma_semaphore, #tpu.memory_space<semaphore_mem>>
      %dma_start3A_101 = arith.constant 0 : i32
      %dma_start3A_102 = arith.constant 0 : i32
      %dma_start3A_103 = tpu.memref_slice %arg9[%dma_start3A_101, %dma_start3A_102] : memref<128x128xf32, #tpu.memory_space<vmem>> -> memref<32x128xf32, #tpu.memory_space<vmem>>
      %dma_start3A_104 = arith.constant 0 : i32
      %dma_start3A_105 = tpu.memref_slice %arg6[%dma_start3A_104] : memref<256xi32, #tpu.memory_space<vmem>> -> memref<64xi32, #tpu.memory_space<vmem>>
      %dma_start3A_106 = arith.constant 32 : i32
      %dma_start3A_107 = tpu.memref_slice %dma_start3A_105[%dma_start3A_106] : memref<64xi32, #tpu.memory_space<vmem>> -> memref<32xi32, #tpu.memory_space<vmem>>
      %dma_start3A_108 = arith.constant 0 : i32
      %dma_start3A_109 = arith.constant 0 : i32
      %dma_start3A_110 = tpu.memref_slice %arg12[%dma_start3A_108, %dma_start3A_109] : memref<10112x128xf32, #tpu.memory_space<vmem_shared>> -> memref<10112x128xf32, #tpu.memory_space<vmem_shared>>
      tpu.enqueue_indirect_dma source(%dma_start3A_103 : memref<32x128xf32, #tpu.memory_space<vmem>>) target(%dma_start3A_110 : memref<10112x128xf32, #tpu.memory_space<vmem_shared>>) offsets(%dma_start3A_107 : memref<32xi32, #tpu.memory_space<vmem>>) semaphore(%run_scoped3A : memref<!tpu.dma_semaphore, #tpu.memory_space<semaphore_mem>>) {add = true}
      %dma_wait3A_111 = arith.constant 0 : i32
      %dma_wait3A_112 = arith.constant 0 : i32
      %dma_wait3A_113 = tpu.memref_slice %arg9[%dma_wait3A_111, %dma_wait3A_112] : memref<128x128xf32, #tpu.memory_space<vmem>> -> memref<32x128xf32, #tpu.memory_space<vmem>>
      %dma_wait3A_114 = arith.constant 0 : i32
      %dma_wait3A_115 = tpu.memref_slice %arg6[%dma_wait3A_114] : memref<256xi32, #tpu.memory_space<vmem>> -> memref<64xi32, #tpu.memory_space<vmem>>
      %dma_wait3A_116 = arith.constant 32 : i32
      %dma_wait3A_117 = tpu.memref_slice %dma_wait3A_115[%dma_wait3A_116] : memref<64xi32, #tpu.memory_space<vmem>> -> memref<32xi32, #tpu.memory_space<vmem>>
      %dma_wait3A_118 = arith.constant 0 : i32
      %dma_wait3A_119 = arith.constant 0 : i32
      %dma_wait3A_120 = tpu.memref_slice %arg12[%dma_wait3A_118, %dma_wait3A_119] : memref<10112x128xf32, #tpu.memory_space<vmem_shared>> -> memref<10112x128xf32, #tpu.memory_space<vmem_shared>>
      tpu.wait_indirect_dma semaphore(%run_scoped3A : memref<!tpu.dma_semaphore, #tpu.memory_space<semaphore_mem>>) src(%dma_wait3A_113 : memref<32x128xf32, #tpu.memory_space<vmem>>) dst(%dma_wait3A_120 : memref<10112x128xf32, #tpu.memory_space<vmem_shared>>)
      tpu.yield
    }) : () -> ()
    %barrier3A_96 = arith.constant 0 : index
    tpu.barrier barrier_id(%barrier3A_96)
    %mul3A_97 = arith.constant 632 : i32
    %mul3A_98 = arith.muli %arg1, %mul3A_97 : i32
    %mul3A_99 = arith.constant 632 : i32
    %mul3A_100 = arith.muli %arg1, %mul3A_99 : i32
    "tpu.region"() ({
      %run_scoped3A = tpu.sem_alloc : memref<!tpu.dma_semaphore, #tpu.memory_space<semaphore_mem>>
      %dma_start3A_101 = arith.constant 0 : i32
      %dma_start3A_102 = tpu.memref_slice %arg5[%arg0, %mul3A_100, %dma_start3A_101] : memref<2x10112x128xf32, #tpu.memory_space<hbm>> -> memref<1x632x128xf32, #tpu.memory_space<hbm>>
      %dma_start3A_103 = tpu.memref_squeeze %dma_start3A_102 : memref<1x632x128xf32, #tpu.memory_space<hbm>> -> memref<632x128xf32, #tpu.memory_space<hbm>>
      %dma_start3A_104 = arith.constant 0 : i32
      %dma_start3A_105 = tpu.memref_slice %arg12[%mul3A_98, %dma_start3A_104] : memref<10112x128xf32, #tpu.memory_space<vmem_shared>> -> memref<632x128xf32, #tpu.memory_space<vmem_shared>>
      tpu.enqueue_dma source(%dma_start3A_105 : memref<632x128xf32, #tpu.memory_space<vmem_shared>>) target(%dma_start3A_103 : memref<632x128xf32, #tpu.memory_space<hbm>>) target_semaphore(%run_scoped3A : memref<!tpu.dma_semaphore, #tpu.memory_space<semaphore_mem>>)
      %dma_wait3A_106 = arith.constant 0 : i32
      %dma_wait3A_107 = tpu.memref_slice %arg5[%arg0, %mul3A_100, %dma_wait3A_106] : memref<2x10112x128xf32, #tpu.memory_space<hbm>> -> memref<1x632x128xf32, #tpu.memory_space<hbm>>
      %dma_wait3A_108 = tpu.memref_squeeze %dma_wait3A_107 : memref<1x632x128xf32, #tpu.memory_space<hbm>> -> memref<632x128xf32, #tpu.memory_space<hbm>>
      %dma_wait3A_109 = arith.constant 0 : i32
      %dma_wait3A_110 = tpu.memref_slice %arg12[%mul3A_98, %dma_wait3A_109] : memref<10112x128xf32, #tpu.memory_space<vmem_shared>> -> memref<632x128xf32, #tpu.memory_space<vmem_shared>>
      tpu.wait_dma2 semaphore(%run_scoped3A : memref<!tpu.dma_semaphore, #tpu.memory_space<semaphore_mem>>) src(%dma_wait3A_110 : memref<632x128xf32, #tpu.memory_space<vmem_shared>>) dst(%dma_wait3A_108 : memref<632x128xf32, #tpu.memory_space<hbm>>)
      tpu.yield
    }) : () -> ()
    return
  }
}

#map = affine_map<(d0, d1) -> (0, 0)>
#map1 = affine_map<(d0, d1) -> (0)>
#map2 = affine_map<(d0, d1) -> (0, 0, 0)>
module attributes {stable_mosaic.version = 14 : i64} {
  func.func @_sc_gather_scatter(%arg0: i32, %arg1: i32, %arg2: memref<10000x128xf32, #tpu.memory_space<hbm>>, %arg3: memref<1280000xi32, #tpu.memory_space<hbm>>, %arg4: memref<10112x128xf32, #tpu.memory_space<hbm>>, %arg5: memref<2x10112x128xf32, #tpu.memory_space<hbm>>, %arg6: memref<256xi32, #tpu.memory_space<vmem>>, %arg7: memref<256xi32, #tpu.memory_space<vmem>>, %arg8: memref<256xi32, #tpu.memory_space<vmem>>, %arg9: memref<128x128xf32, #tpu.memory_space<vmem>>, %arg10: memref<128x128xf32, #tpu.memory_space<vmem>>, %arg11: memref<128x128xf32, #tpu.memory_space<vmem>>, %arg12: memref<10112x128xf32, #tpu.memory_space<vmem_shared>>, %arg13: memref<!tpu.dma_semaphore, #tpu.memory_space<semaphore_mem>>, %arg14: memref<!tpu.dma_semaphore, #tpu.memory_space<semaphore_mem>>, %arg15: memref<!tpu.dma_semaphore, #tpu.memory_space<semaphore_mem>>, %arg16: memref<!tpu.dma_semaphore, #tpu.memory_space<semaphore_mem>>, %arg17: memref<!tpu.dma_semaphore, #tpu.memory_space<semaphore_mem>>, %arg18: memref<!tpu.dma_semaphore, #tpu.memory_space<semaphore_mem>>) attributes {dimension_semantics = [#tpu.dimension_semantics<core_parallel>, #tpu.dimension_semantics<subcore_parallel>], iteration_bounds = array<i64: 2, 16>, scalar_prefetch = 0 : i64, scratch_operands = 13 : i64, tpu.core_type = #tpu.core_type<sc_vector_subcore>, window_params = [{transform_indices = #map}, {transform_indices = #map1}, {transform_indices = #map}, {transform_indices = #map2}]} {
    %mul3A = arith.constant 16 : i32
    %mul3A_0 = arith.muli %arg0, %mul3A : i32
    %add3A = arith.addi %mul3A_0, %arg1 : i32
    %mul3A_1 = arith.constant 632 : i32
    %mul3A_2 = arith.muli %arg1, %mul3A_1 : i32
    %mul3A_3 = arith.constant 632 : i32
    %mul3A_4 = arith.muli %arg1, %mul3A_3 : i32
    "tpu.region"() ({
      %run_scoped3A = tpu.sem_alloc : memref<!tpu.dma_semaphore, #tpu.memory_space<semaphore_mem>>
      %dma_start3A_101 = arith.constant 0 : i32
      %dma_start3A_102 = tpu.memref_slice %arg12[%mul3A_4, %dma_start3A_101] : memref<10112x128xf32, #tpu.memory_space<vmem_shared>> -> memref<632x128xf32, #tpu.memory_space<vmem_shared>>
      %dma_start3A_103 = arith.constant 0 : i32
      %dma_start3A_104 = tpu.memref_slice %arg4[%mul3A_2, %dma_start3A_103] : memref<10112x128xf32, #tpu.memory_space<hbm>> -> memref<632x128xf32, #tpu.memory_space<hbm>>
      tpu.enqueue_dma source(%dma_start3A_104 : memref<632x128xf32, #tpu.memory_space<hbm>>) target(%dma_start3A_102 : memref<632x128xf32, #tpu.memory_space<vmem_shared>>) target_semaphore(%run_scoped3A : memref<!tpu.dma_semaphore, #tpu.memory_space<semaphore_mem>>)
      %dma_wait3A_105 = arith.constant 0 : i32
      %dma_wait3A_106 = tpu.memref_slice %arg12[%mul3A_4, %dma_wait3A_105] : memref<10112x128xf32, #tpu.memory_space<vmem_shared>> -> memref<632x128xf32, #tpu.memory_space<vmem_shared>>
      %dma_wait3A_107 = arith.constant 0 : i32
      %dma_wait3A_108 = tpu.memref_slice %arg4[%mul3A_2, %dma_wait3A_107] : memref<10112x128xf32, #tpu.memory_space<hbm>> -> memref<632x128xf32, #tpu.memory_space<hbm>>
      tpu.wait_dma2 semaphore(%run_scoped3A : memref<!tpu.dma_semaphore, #tpu.memory_space<semaphore_mem>>) src(%dma_wait3A_108 : memref<632x128xf32, #tpu.memory_space<hbm>>) dst(%dma_wait3A_106 : memref<632x128xf32, #tpu.memory_space<vmem_shared>>)
      tpu.yield
    }) : () -> ()
    %barrier3A = arith.constant 0 : index
    tpu.barrier barrier_id(%barrier3A)
    %mul3A_5 = arith.constant 40000 : i32
    %mul3A_6 = arith.muli %add3A, %mul3A_5 : i32
    %dma_start3A = tpu.memref_slice %arg3[%mul3A_6] : memref<1280000xi32, #tpu.memory_space<hbm>> -> memref<256xi32, #tpu.memory_space<hbm>>
    %dma_start3A_7 = tpu.memref_slice %arg3[%mul3A_6] : memref<1280000xi32, #tpu.memory_space<hbm>> -> memref<256xi32, #tpu.memory_space<hbm>>
    tpu.enqueue_dma source(%dma_start3A_7 : memref<256xi32, #tpu.memory_space<hbm>>) target(%arg6 : memref<256xi32, #tpu.memory_space<vmem>>) target_semaphore(%arg16 : memref<!tpu.dma_semaphore, #tpu.memory_space<semaphore_mem>>)
    %dma_wait3A = tpu.memref_slice %arg3[%mul3A_6] : memref<1280000xi32, #tpu.memory_space<hbm>> -> memref<256xi32, #tpu.memory_space<hbm>>
    %dma_wait3A_8 = tpu.memref_slice %arg3[%mul3A_6] : memref<1280000xi32, #tpu.memory_space<hbm>> -> memref<256xi32, #tpu.memory_space<hbm>>
    tpu.wait_dma2 semaphore(%arg16 : memref<!tpu.dma_semaphore, #tpu.memory_space<semaphore_mem>>) src(%dma_wait3A_8 : memref<256xi32, #tpu.memory_space<hbm>>) dst(%arg6 : memref<256xi32, #tpu.memory_space<vmem>>)
    %dma_start3A_9 = arith.constant 0 : i32
    %dma_start3A_10 = tpu.memref_slice %arg6[%dma_start3A_9] : memref<256xi32, #tpu.memory_space<vmem>> -> memref<128xi32, #tpu.memory_space<vmem>>
    %dma_start3A_11 = arith.constant 0 : i32
    %dma_start3A_12 = arith.constant 0 : i32
    %dma_start3A_13 = tpu.memref_slice %arg2[%dma_start3A_11, %dma_start3A_12] : memref<10000x128xf32, #tpu.memory_space<hbm>> -> memref<10000x128xf32, #tpu.memory_space<hbm>>
    tpu.enqueue_indirect_dma source(%dma_start3A_13 : memref<10000x128xf32, #tpu.memory_space<hbm>>) target(%arg9 : memref<128x128xf32, #tpu.memory_space<vmem>>) offsets(%dma_start3A_10 : memref<128xi32, #tpu.memory_space<vmem>>) semaphore(%arg13 : memref<!tpu.dma_semaphore, #tpu.memory_space<semaphore_mem>>)
    %add3A_14 = arith.constant 256 : i32
    %add3A_15 = arith.addi %mul3A_6, %add3A_14 : i32
    %dma_start3A_16 = tpu.memref_slice %arg3[%add3A_15] : memref<1280000xi32, #tpu.memory_space<hbm>> -> memref<256xi32, #tpu.memory_space<hbm>>
    %dma_start3A_17 = tpu.memref_slice %arg3[%add3A_15] : memref<1280000xi32, #tpu.memory_space<hbm>> -> memref<256xi32, #tpu.memory_space<hbm>>
    tpu.enqueue_dma source(%dma_start3A_17 : memref<256xi32, #tpu.memory_space<hbm>>) target(%arg7 : memref<256xi32, #tpu.memory_space<vmem>>) target_semaphore(%arg17 : memref<!tpu.dma_semaphore, #tpu.memory_space<semaphore_mem>>)
    %add3A_18 = arith.constant 256 : i32
    %add3A_19 = arith.addi %mul3A_6, %add3A_18 : i32
    %dma_wait3A_20 = tpu.memref_slice %arg3[%add3A_19] : memref<1280000xi32, #tpu.memory_space<hbm>> -> memref<256xi32, #tpu.memory_space<hbm>>
    %dma_wait3A_21 = tpu.memref_slice %arg3[%add3A_19] : memref<1280000xi32, #tpu.memory_space<hbm>> -> memref<256xi32, #tpu.memory_space<hbm>>
    tpu.wait_dma2 semaphore(%arg17 : memref<!tpu.dma_semaphore, #tpu.memory_space<semaphore_mem>>) src(%dma_wait3A_21 : memref<256xi32, #tpu.memory_space<hbm>>) dst(%arg7 : memref<256xi32, #tpu.memory_space<vmem>>)
    %dma_start3A_22 = arith.constant 0 : i32
    %dma_start3A_23 = tpu.memref_slice %arg7[%dma_start3A_22] : memref<256xi32, #tpu.memory_space<vmem>> -> memref<128xi32, #tpu.memory_space<vmem>>
    %dma_start3A_24 = arith.constant 0 : i32
    %dma_start3A_25 = arith.constant 0 : i32
    %dma_start3A_26 = tpu.memref_slice %arg2[%dma_start3A_24, %dma_start3A_25] : memref<10000x128xf32, #tpu.memory_space<hbm>> -> memref<10000x128xf32, #tpu.memory_space<hbm>>
    tpu.enqueue_indirect_dma source(%dma_start3A_26 : memref<10000x128xf32, #tpu.memory_space<hbm>>) target(%arg10 : memref<128x128xf32, #tpu.memory_space<vmem>>) offsets(%dma_start3A_23 : memref<128xi32, #tpu.memory_space<vmem>>) semaphore(%arg14 : memref<!tpu.dma_semaphore, #tpu.memory_space<semaphore_mem>>)
    %add3A_27 = arith.constant 512 : i32
    %add3A_28 = arith.addi %mul3A_6, %add3A_27 : i32
    %dma_start3A_29 = tpu.memref_slice %arg3[%add3A_28] : memref<1280000xi32, #tpu.memory_space<hbm>> -> memref<256xi32, #tpu.memory_space<hbm>>
    %dma_start3A_30 = tpu.memref_slice %arg3[%add3A_28] : memref<1280000xi32, #tpu.memory_space<hbm>> -> memref<256xi32, #tpu.memory_space<hbm>>
    tpu.enqueue_dma source(%dma_start3A_30 : memref<256xi32, #tpu.memory_space<hbm>>) target(%arg8 : memref<256xi32, #tpu.memory_space<vmem>>) target_semaphore(%arg18 : memref<!tpu.dma_semaphore, #tpu.memory_space<semaphore_mem>>)
    %scan3A = arith.constant 0 : i32
    %scan3A_31 = arith.constant 0 : i32
    %scan3A_32 = arith.constant 51 : i32
    %scan3A_33 = arith.addi %scan3A_31, %scan3A_32 : i32
    %scan3A_34 = arith.constant 1 : i32
    scf.for %scan3A_101 = %scan3A_31 to %scan3A_33 step %scan3A_34  : i32 {
      %mul3A_102 = arith.constant 3 : i32
      %mul3A_103 = arith.muli %scan3A_101, %mul3A_102 : i32
      %add3A_104 = arith.constant 0 : i32
      %add3A_105 = arith.addi %mul3A_103, %add3A_104 : i32
      %add3A_106 = arith.constant 2 : i32
      %add3A_107 = arith.addi %add3A_105, %add3A_106 : i32
      %mul3A_108 = arith.constant 256 : i32
      %mul3A_109 = arith.muli %add3A_107, %mul3A_108 : i32
      %add3A_110 = arith.addi %mul3A_6, %mul3A_109 : i32
      %dma_wait3A_111 = tpu.memref_slice %arg3[%add3A_110] : memref<1280000xi32, #tpu.memory_space<hbm>> -> memref<256xi32, #tpu.memory_space<hbm>>
      %dma_wait3A_112 = tpu.memref_slice %arg3[%add3A_110] : memref<1280000xi32, #tpu.memory_space<hbm>> -> memref<256xi32, #tpu.memory_space<hbm>>
      tpu.wait_dma2 semaphore(%arg18 : memref<!tpu.dma_semaphore, #tpu.memory_space<semaphore_mem>>) src(%dma_wait3A_112 : memref<256xi32, #tpu.memory_space<hbm>>) dst(%arg8 : memref<256xi32, #tpu.memory_space<vmem>>)
      %add3A_113 = arith.constant 2 : i32
      %add3A_114 = arith.addi %add3A_105, %add3A_113 : i32
      %dma_start3A_115 = arith.constant 0 : i32
      %dma_start3A_116 = tpu.memref_slice %arg8[%dma_start3A_115] : memref<256xi32, #tpu.memory_space<vmem>> -> memref<128xi32, #tpu.memory_space<vmem>>
      %dma_start3A_117 = arith.constant 0 : i32
      %dma_start3A_118 = arith.constant 0 : i32
      %dma_start3A_119 = tpu.memref_slice %arg2[%dma_start3A_117, %dma_start3A_118] : memref<10000x128xf32, #tpu.memory_space<hbm>> -> memref<10000x128xf32, #tpu.memory_space<hbm>>
      tpu.enqueue_indirect_dma source(%dma_start3A_119 : memref<10000x128xf32, #tpu.memory_space<hbm>>) target(%arg11 : memref<128x128xf32, #tpu.memory_space<vmem>>) offsets(%dma_start3A_116 : memref<128xi32, #tpu.memory_space<vmem>>) semaphore(%arg15 : memref<!tpu.dma_semaphore, #tpu.memory_space<semaphore_mem>>)
      %dma_wait3A_120 = arith.constant 0 : i32
      %dma_wait3A_121 = tpu.memref_slice %arg6[%dma_wait3A_120] : memref<256xi32, #tpu.memory_space<vmem>> -> memref<128xi32, #tpu.memory_space<vmem>>
      %dma_wait3A_122 = arith.constant 0 : i32
      %dma_wait3A_123 = arith.constant 0 : i32
      %dma_wait3A_124 = tpu.memref_slice %arg2[%dma_wait3A_122, %dma_wait3A_123] : memref<10000x128xf32, #tpu.memory_space<hbm>> -> memref<10000x128xf32, #tpu.memory_space<hbm>>
      tpu.wait_indirect_dma semaphore(%arg13 : memref<!tpu.dma_semaphore, #tpu.memory_space<semaphore_mem>>) src(%dma_wait3A_124 : memref<10000x128xf32, #tpu.memory_space<hbm>>) dst(%arg9 : memref<128x128xf32, #tpu.memory_space<vmem>>)
      "tpu.region"() ({
        %run_scoped3A = tpu.sem_alloc : memref<!tpu.dma_semaphore, #tpu.memory_space<semaphore_mem>>
        %dma_start3A_192 = arith.constant 128 : i32
        %dma_start3A_193 = tpu.memref_slice %arg6[%dma_start3A_192] : memref<256xi32, #tpu.memory_space<vmem>> -> memref<128xi32, #tpu.memory_space<vmem>>
        %dma_start3A_194 = arith.constant 0 : i32
        %dma_start3A_195 = arith.constant 0 : i32
        %dma_start3A_196 = tpu.memref_slice %arg12[%dma_start3A_194, %dma_start3A_195] : memref<10112x128xf32, #tpu.memory_space<vmem_shared>> -> memref<10112x128xf32, #tpu.memory_space<vmem_shared>>
        tpu.enqueue_indirect_dma source(%arg9 : memref<128x128xf32, #tpu.memory_space<vmem>>) target(%dma_start3A_196 : memref<10112x128xf32, #tpu.memory_space<vmem_shared>>) offsets(%dma_start3A_193 : memref<128xi32, #tpu.memory_space<vmem>>) semaphore(%run_scoped3A : memref<!tpu.dma_semaphore, #tpu.memory_space<semaphore_mem>>) {add = true}
        %dma_wait3A_197 = arith.constant 128 : i32
        %dma_wait3A_198 = tpu.memref_slice %arg6[%dma_wait3A_197] : memref<256xi32, #tpu.memory_space<vmem>> -> memref<128xi32, #tpu.memory_space<vmem>>
        %dma_wait3A_199 = arith.constant 0 : i32
        %dma_wait3A_200 = arith.constant 0 : i32
        %dma_wait3A_201 = tpu.memref_slice %arg12[%dma_wait3A_199, %dma_wait3A_200] : memref<10112x128xf32, #tpu.memory_space<vmem_shared>> -> memref<10112x128xf32, #tpu.memory_space<vmem_shared>>
        tpu.wait_indirect_dma semaphore(%run_scoped3A : memref<!tpu.dma_semaphore, #tpu.memory_space<semaphore_mem>>) src(%arg9 : memref<128x128xf32, #tpu.memory_space<vmem>>) dst(%dma_wait3A_201 : memref<10112x128xf32, #tpu.memory_space<vmem_shared>>)
        tpu.yield
      }) : () -> ()
      %add3A_125 = arith.constant 3 : i32
      %add3A_126 = arith.addi %add3A_105, %add3A_125 : i32
      %mul3A_127 = arith.constant 256 : i32
      %mul3A_128 = arith.muli %add3A_126, %mul3A_127 : i32
      %add3A_129 = arith.addi %mul3A_6, %mul3A_128 : i32
      %dma_start3A_130 = tpu.memref_slice %arg3[%add3A_129] : memref<1280000xi32, #tpu.memory_space<hbm>> -> memref<256xi32, #tpu.memory_space<hbm>>
      %dma_start3A_131 = tpu.memref_slice %arg3[%add3A_129] : memref<1280000xi32, #tpu.memory_space<hbm>> -> memref<256xi32, #tpu.memory_space<hbm>>
      tpu.enqueue_dma source(%dma_start3A_131 : memref<256xi32, #tpu.memory_space<hbm>>) target(%arg6 : memref<256xi32, #tpu.memory_space<vmem>>) target_semaphore(%arg16 : memref<!tpu.dma_semaphore, #tpu.memory_space<semaphore_mem>>)
      %mul3A_132 = arith.constant 3 : i32
      %mul3A_133 = arith.muli %scan3A_101, %mul3A_132 : i32
      %add3A_134 = arith.constant 1 : i32
      %add3A_135 = arith.addi %mul3A_133, %add3A_134 : i32
      %add3A_136 = arith.constant 2 : i32
      %add3A_137 = arith.addi %add3A_135, %add3A_136 : i32
      %mul3A_138 = arith.constant 256 : i32
      %mul3A_139 = arith.muli %add3A_137, %mul3A_138 : i32
      %add3A_140 = arith.addi %mul3A_6, %mul3A_139 : i32
      %dma_wait3A_141 = tpu.memref_slice %arg3[%add3A_140] : memref<1280000xi32, #tpu.memory_space<hbm>> -> memref<256xi32, #tpu.memory_space<hbm>>
      %dma_wait3A_142 = tpu.memref_slice %arg3[%add3A_140] : memref<1280000xi32, #tpu.memory_space<hbm>> -> memref<256xi32, #tpu.memory_space<hbm>>
      tpu.wait_dma2 semaphore(%arg16 : memref<!tpu.dma_semaphore, #tpu.memory_space<semaphore_mem>>) src(%dma_wait3A_142 : memref<256xi32, #tpu.memory_space<hbm>>) dst(%arg6 : memref<256xi32, #tpu.memory_space<vmem>>)
      %add3A_143 = arith.constant 2 : i32
      %add3A_144 = arith.addi %add3A_135, %add3A_143 : i32
      %dma_start3A_145 = arith.constant 0 : i32
      %dma_start3A_146 = tpu.memref_slice %arg6[%dma_start3A_145] : memref<256xi32, #tpu.memory_space<vmem>> -> memref<128xi32, #tpu.memory_space<vmem>>
      %dma_start3A_147 = arith.constant 0 : i32
      %dma_start3A_148 = arith.constant 0 : i32
      %dma_start3A_149 = tpu.memref_slice %arg2[%dma_start3A_147, %dma_start3A_148] : memref<10000x128xf32, #tpu.memory_space<hbm>> -> memref<10000x128xf32, #tpu.memory_space<hbm>>
      tpu.enqueue_indirect_dma source(%dma_start3A_149 : memref<10000x128xf32, #tpu.memory_space<hbm>>) target(%arg9 : memref<128x128xf32, #tpu.memory_space<vmem>>) offsets(%dma_start3A_146 : memref<128xi32, #tpu.memory_space<vmem>>) semaphore(%arg13 : memref<!tpu.dma_semaphore, #tpu.memory_space<semaphore_mem>>)
      %dma_wait3A_150 = arith.constant 0 : i32
      %dma_wait3A_151 = tpu.memref_slice %arg7[%dma_wait3A_150] : memref<256xi32, #tpu.memory_space<vmem>> -> memref<128xi32, #tpu.memory_space<vmem>>
      %dma_wait3A_152 = arith.constant 0 : i32
      %dma_wait3A_153 = arith.constant 0 : i32
      %dma_wait3A_154 = tpu.memref_slice %arg2[%dma_wait3A_152, %dma_wait3A_153] : memref<10000x128xf32, #tpu.memory_space<hbm>> -> memref<10000x128xf32, #tpu.memory_space<hbm>>
      tpu.wait_indirect_dma semaphore(%arg14 : memref<!tpu.dma_semaphore, #tpu.memory_space<semaphore_mem>>) src(%dma_wait3A_154 : memref<10000x128xf32, #tpu.memory_space<hbm>>) dst(%arg10 : memref<128x128xf32, #tpu.memory_space<vmem>>)
      "tpu.region"() ({
        %run_scoped3A = tpu.sem_alloc : memref<!tpu.dma_semaphore, #tpu.memory_space<semaphore_mem>>
        %dma_start3A_192 = arith.constant 128 : i32
        %dma_start3A_193 = tpu.memref_slice %arg7[%dma_start3A_192] : memref<256xi32, #tpu.memory_space<vmem>> -> memref<128xi32, #tpu.memory_space<vmem>>
        %dma_start3A_194 = arith.constant 0 : i32
        %dma_start3A_195 = arith.constant 0 : i32
        %dma_start3A_196 = tpu.memref_slice %arg12[%dma_start3A_194, %dma_start3A_195] : memref<10112x128xf32, #tpu.memory_space<vmem_shared>> -> memref<10112x128xf32, #tpu.memory_space<vmem_shared>>
        tpu.enqueue_indirect_dma source(%arg10 : memref<128x128xf32, #tpu.memory_space<vmem>>) target(%dma_start3A_196 : memref<10112x128xf32, #tpu.memory_space<vmem_shared>>) offsets(%dma_start3A_193 : memref<128xi32, #tpu.memory_space<vmem>>) semaphore(%run_scoped3A : memref<!tpu.dma_semaphore, #tpu.memory_space<semaphore_mem>>) {add = true}
        %dma_wait3A_197 = arith.constant 128 : i32
        %dma_wait3A_198 = tpu.memref_slice %arg7[%dma_wait3A_197] : memref<256xi32, #tpu.memory_space<vmem>> -> memref<128xi32, #tpu.memory_space<vmem>>
        %dma_wait3A_199 = arith.constant 0 : i32
        %dma_wait3A_200 = arith.constant 0 : i32
        %dma_wait3A_201 = tpu.memref_slice %arg12[%dma_wait3A_199, %dma_wait3A_200] : memref<10112x128xf32, #tpu.memory_space<vmem_shared>> -> memref<10112x128xf32, #tpu.memory_space<vmem_shared>>
        tpu.wait_indirect_dma semaphore(%run_scoped3A : memref<!tpu.dma_semaphore, #tpu.memory_space<semaphore_mem>>) src(%arg10 : memref<128x128xf32, #tpu.memory_space<vmem>>) dst(%dma_wait3A_201 : memref<10112x128xf32, #tpu.memory_space<vmem_shared>>)
        tpu.yield
      }) : () -> ()
      %add3A_155 = arith.constant 3 : i32
      %add3A_156 = arith.addi %add3A_135, %add3A_155 : i32
      %mul3A_157 = arith.constant 256 : i32
      %mul3A_158 = arith.muli %add3A_156, %mul3A_157 : i32
      %add3A_159 = arith.addi %mul3A_6, %mul3A_158 : i32
      %dma_start3A_160 = tpu.memref_slice %arg3[%add3A_159] : memref<1280000xi32, #tpu.memory_space<hbm>> -> memref<256xi32, #tpu.memory_space<hbm>>
      %dma_start3A_161 = tpu.memref_slice %arg3[%add3A_159] : memref<1280000xi32, #tpu.memory_space<hbm>> -> memref<256xi32, #tpu.memory_space<hbm>>
      tpu.enqueue_dma source(%dma_start3A_161 : memref<256xi32, #tpu.memory_space<hbm>>) target(%arg7 : memref<256xi32, #tpu.memory_space<vmem>>) target_semaphore(%arg17 : memref<!tpu.dma_semaphore, #tpu.memory_space<semaphore_mem>>)
      %mul3A_162 = arith.constant 3 : i32
      %mul3A_163 = arith.muli %scan3A_101, %mul3A_162 : i32
      %add3A_164 = arith.constant 2 : i32
      %add3A_165 = arith.addi %mul3A_163, %add3A_164 : i32
      %add3A_166 = arith.constant 2 : i32
      %add3A_167 = arith.addi %add3A_165, %add3A_166 : i32
      %mul3A_168 = arith.constant 256 : i32
      %mul3A_169 = arith.muli %add3A_167, %mul3A_168 : i32
      %add3A_170 = arith.addi %mul3A_6, %mul3A_169 : i32
      %dma_wait3A_171 = tpu.memref_slice %arg3[%add3A_170] : memref<1280000xi32, #tpu.memory_space<hbm>> -> memref<256xi32, #tpu.memory_space<hbm>>
      %dma_wait3A_172 = tpu.memref_slice %arg3[%add3A_170] : memref<1280000xi32, #tpu.memory_space<hbm>> -> memref<256xi32, #tpu.memory_space<hbm>>
      tpu.wait_dma2 semaphore(%arg17 : memref<!tpu.dma_semaphore, #tpu.memory_space<semaphore_mem>>) src(%dma_wait3A_172 : memref<256xi32, #tpu.memory_space<hbm>>) dst(%arg7 : memref<256xi32, #tpu.memory_space<vmem>>)
      %add3A_173 = arith.constant 2 : i32
      %add3A_174 = arith.addi %add3A_165, %add3A_173 : i32
      %dma_start3A_175 = arith.constant 0 : i32
      %dma_start3A_176 = tpu.memref_slice %arg7[%dma_start3A_175] : memref<256xi32, #tpu.memory_space<vmem>> -> memref<128xi32, #tpu.memory_space<vmem>>
      %dma_start3A_177 = arith.constant 0 : i32
      %dma_start3A_178 = arith.constant 0 : i32
      %dma_start3A_179 = tpu.memref_slice %arg2[%dma_start3A_177, %dma_start3A_178] : memref<10000x128xf32, #tpu.memory_space<hbm>> -> memref<10000x128xf32, #tpu.memory_space<hbm>>
      tpu.enqueue_indirect_dma source(%dma_start3A_179 : memref<10000x128xf32, #tpu.memory_space<hbm>>) target(%arg10 : memref<128x128xf32, #tpu.memory_space<vmem>>) offsets(%dma_start3A_176 : memref<128xi32, #tpu.memory_space<vmem>>) semaphore(%arg14 : memref<!tpu.dma_semaphore, #tpu.memory_space<semaphore_mem>>)
      %dma_wait3A_180 = arith.constant 0 : i32
      %dma_wait3A_181 = tpu.memref_slice %arg8[%dma_wait3A_180] : memref<256xi32, #tpu.memory_space<vmem>> -> memref<128xi32, #tpu.memory_space<vmem>>
      %dma_wait3A_182 = arith.constant 0 : i32
      %dma_wait3A_183 = arith.constant 0 : i32
      %dma_wait3A_184 = tpu.memref_slice %arg2[%dma_wait3A_182, %dma_wait3A_183] : memref<10000x128xf32, #tpu.memory_space<hbm>> -> memref<10000x128xf32, #tpu.memory_space<hbm>>
      tpu.wait_indirect_dma semaphore(%arg15 : memref<!tpu.dma_semaphore, #tpu.memory_space<semaphore_mem>>) src(%dma_wait3A_184 : memref<10000x128xf32, #tpu.memory_space<hbm>>) dst(%arg11 : memref<128x128xf32, #tpu.memory_space<vmem>>)
      "tpu.region"() ({
        %run_scoped3A = tpu.sem_alloc : memref<!tpu.dma_semaphore, #tpu.memory_space<semaphore_mem>>
        %dma_start3A_192 = arith.constant 128 : i32
        %dma_start3A_193 = tpu.memref_slice %arg8[%dma_start3A_192] : memref<256xi32, #tpu.memory_space<vmem>> -> memref<128xi32, #tpu.memory_space<vmem>>
        %dma_start3A_194 = arith.constant 0 : i32
        %dma_start3A_195 = arith.constant 0 : i32
        %dma_start3A_196 = tpu.memref_slice %arg12[%dma_start3A_194, %dma_start3A_195] : memref<10112x128xf32, #tpu.memory_space<vmem_shared>> -> memref<10112x128xf32, #tpu.memory_space<vmem_shared>>
        tpu.enqueue_indirect_dma source(%arg11 : memref<128x128xf32, #tpu.memory_space<vmem>>) target(%dma_start3A_196 : memref<10112x128xf32, #tpu.memory_space<vmem_shared>>) offsets(%dma_start3A_193 : memref<128xi32, #tpu.memory_space<vmem>>) semaphore(%run_scoped3A : memref<!tpu.dma_semaphore, #tpu.memory_space<semaphore_mem>>) {add = true}
        %dma_wait3A_197 = arith.constant 128 : i32
        %dma_wait3A_198 = tpu.memref_slice %arg8[%dma_wait3A_197] : memref<256xi32, #tpu.memory_space<vmem>> -> memref<128xi32, #tpu.memory_space<vmem>>
        %dma_wait3A_199 = arith.constant 0 : i32
        %dma_wait3A_200 = arith.constant 0 : i32
        %dma_wait3A_201 = tpu.memref_slice %arg12[%dma_wait3A_199, %dma_wait3A_200] : memref<10112x128xf32, #tpu.memory_space<vmem_shared>> -> memref<10112x128xf32, #tpu.memory_space<vmem_shared>>
        tpu.wait_indirect_dma semaphore(%run_scoped3A : memref<!tpu.dma_semaphore, #tpu.memory_space<semaphore_mem>>) src(%arg11 : memref<128x128xf32, #tpu.memory_space<vmem>>) dst(%dma_wait3A_201 : memref<10112x128xf32, #tpu.memory_space<vmem_shared>>)
        tpu.yield
      }) : () -> ()
      %add3A_185 = arith.constant 3 : i32
      %add3A_186 = arith.addi %add3A_165, %add3A_185 : i32
      %mul3A_187 = arith.constant 256 : i32
      %mul3A_188 = arith.muli %add3A_186, %mul3A_187 : i32
      %add3A_189 = arith.addi %mul3A_6, %mul3A_188 : i32
      %dma_start3A_190 = tpu.memref_slice %arg3[%add3A_189] : memref<1280000xi32, #tpu.memory_space<hbm>> -> memref<256xi32, #tpu.memory_space<hbm>>
      %dma_start3A_191 = tpu.memref_slice %arg3[%add3A_189] : memref<1280000xi32, #tpu.memory_space<hbm>> -> memref<256xi32, #tpu.memory_space<hbm>>
      tpu.enqueue_dma source(%dma_start3A_191 : memref<256xi32, #tpu.memory_space<hbm>>) target(%arg8 : memref<256xi32, #tpu.memory_space<vmem>>) target_semaphore(%arg18 : memref<!tpu.dma_semaphore, #tpu.memory_space<semaphore_mem>>)
    }
    %scan3A_35 = arith.constant 51 : i32
    %add3A_36 = arith.constant 39680 : i32
    %add3A_37 = arith.addi %mul3A_6, %add3A_36 : i32
    %dma_wait3A_38 = tpu.memref_slice %arg3[%add3A_37] : memref<1280000xi32, #tpu.memory_space<hbm>> -> memref<256xi32, #tpu.memory_space<hbm>>
    %dma_wait3A_39 = tpu.memref_slice %arg3[%add3A_37] : memref<1280000xi32, #tpu.memory_space<hbm>> -> memref<256xi32, #tpu.memory_space<hbm>>
    tpu.wait_dma2 semaphore(%arg18 : memref<!tpu.dma_semaphore, #tpu.memory_space<semaphore_mem>>) src(%dma_wait3A_39 : memref<256xi32, #tpu.memory_space<hbm>>) dst(%arg8 : memref<256xi32, #tpu.memory_space<vmem>>)
    %dma_start3A_40 = arith.constant 0 : i32
    %dma_start3A_41 = tpu.memref_slice %arg8[%dma_start3A_40] : memref<256xi32, #tpu.memory_space<vmem>> -> memref<128xi32, #tpu.memory_space<vmem>>
    %dma_start3A_42 = arith.constant 0 : i32
    %dma_start3A_43 = arith.constant 0 : i32
    %dma_start3A_44 = tpu.memref_slice %arg2[%dma_start3A_42, %dma_start3A_43] : memref<10000x128xf32, #tpu.memory_space<hbm>> -> memref<10000x128xf32, #tpu.memory_space<hbm>>
    tpu.enqueue_indirect_dma source(%dma_start3A_44 : memref<10000x128xf32, #tpu.memory_space<hbm>>) target(%arg11 : memref<128x128xf32, #tpu.memory_space<vmem>>) offsets(%dma_start3A_41 : memref<128xi32, #tpu.memory_space<vmem>>) semaphore(%arg15 : memref<!tpu.dma_semaphore, #tpu.memory_space<semaphore_mem>>)
    %dma_wait3A_45 = arith.constant 0 : i32
    %dma_wait3A_46 = tpu.memref_slice %arg6[%dma_wait3A_45] : memref<256xi32, #tpu.memory_space<vmem>> -> memref<128xi32, #tpu.memory_space<vmem>>
    %dma_wait3A_47 = arith.constant 0 : i32
    %dma_wait3A_48 = arith.constant 0 : i32
    %dma_wait3A_49 = tpu.memref_slice %arg2[%dma_wait3A_47, %dma_wait3A_48] : memref<10000x128xf32, #tpu.memory_space<hbm>> -> memref<10000x128xf32, #tpu.memory_space<hbm>>
    tpu.wait_indirect_dma semaphore(%arg13 : memref<!tpu.dma_semaphore, #tpu.memory_space<semaphore_mem>>) src(%dma_wait3A_49 : memref<10000x128xf32, #tpu.memory_space<hbm>>) dst(%arg9 : memref<128x128xf32, #tpu.memory_space<vmem>>)
    "tpu.region"() ({
      %run_scoped3A = tpu.sem_alloc : memref<!tpu.dma_semaphore, #tpu.memory_space<semaphore_mem>>
      %dma_start3A_101 = arith.constant 128 : i32
      %dma_start3A_102 = tpu.memref_slice %arg6[%dma_start3A_101] : memref<256xi32, #tpu.memory_space<vmem>> -> memref<128xi32, #tpu.memory_space<vmem>>
      %dma_start3A_103 = arith.constant 0 : i32
      %dma_start3A_104 = arith.constant 0 : i32
      %dma_start3A_105 = tpu.memref_slice %arg12[%dma_start3A_103, %dma_start3A_104] : memref<10112x128xf32, #tpu.memory_space<vmem_shared>> -> memref<10112x128xf32, #tpu.memory_space<vmem_shared>>
      tpu.enqueue_indirect_dma source(%arg9 : memref<128x128xf32, #tpu.memory_space<vmem>>) target(%dma_start3A_105 : memref<10112x128xf32, #tpu.memory_space<vmem_shared>>) offsets(%dma_start3A_102 : memref<128xi32, #tpu.memory_space<vmem>>) semaphore(%run_scoped3A : memref<!tpu.dma_semaphore, #tpu.memory_space<semaphore_mem>>) {add = true}
      %dma_wait3A_106 = arith.constant 128 : i32
      %dma_wait3A_107 = tpu.memref_slice %arg6[%dma_wait3A_106] : memref<256xi32, #tpu.memory_space<vmem>> -> memref<128xi32, #tpu.memory_space<vmem>>
      %dma_wait3A_108 = arith.constant 0 : i32
      %dma_wait3A_109 = arith.constant 0 : i32
      %dma_wait3A_110 = tpu.memref_slice %arg12[%dma_wait3A_108, %dma_wait3A_109] : memref<10112x128xf32, #tpu.memory_space<vmem_shared>> -> memref<10112x128xf32, #tpu.memory_space<vmem_shared>>
      tpu.wait_indirect_dma semaphore(%run_scoped3A : memref<!tpu.dma_semaphore, #tpu.memory_space<semaphore_mem>>) src(%arg9 : memref<128x128xf32, #tpu.memory_space<vmem>>) dst(%dma_wait3A_110 : memref<10112x128xf32, #tpu.memory_space<vmem_shared>>)
      tpu.yield
    }) : () -> ()
    %add3A_50 = arith.constant 39936 : i32
    %add3A_51 = arith.addi %mul3A_6, %add3A_50 : i32
    %dma_start3A_52 = arith.constant 0 : i32
    %dma_start3A_53 = tpu.memref_slice %arg6[%dma_start3A_52] : memref<256xi32, #tpu.memory_space<vmem>> -> memref<64xi32, #tpu.memory_space<vmem>>
    %dma_start3A_54 = tpu.memref_slice %arg3[%add3A_51] : memref<1280000xi32, #tpu.memory_space<hbm>> -> memref<64xi32, #tpu.memory_space<hbm>>
    %dma_start3A_55 = arith.constant 0 : i32
    %dma_start3A_56 = tpu.memref_slice %arg6[%dma_start3A_55] : memref<256xi32, #tpu.memory_space<vmem>> -> memref<64xi32, #tpu.memory_space<vmem>>
    %dma_start3A_57 = tpu.memref_slice %arg3[%add3A_51] : memref<1280000xi32, #tpu.memory_space<hbm>> -> memref<64xi32, #tpu.memory_space<hbm>>
    tpu.enqueue_dma source(%dma_start3A_57 : memref<64xi32, #tpu.memory_space<hbm>>) target(%dma_start3A_56 : memref<64xi32, #tpu.memory_space<vmem>>) target_semaphore(%arg16 : memref<!tpu.dma_semaphore, #tpu.memory_space<semaphore_mem>>)
    %dma_wait3A_58 = arith.constant 0 : i32
    %dma_wait3A_59 = tpu.memref_slice %arg7[%dma_wait3A_58] : memref<256xi32, #tpu.memory_space<vmem>> -> memref<128xi32, #tpu.memory_space<vmem>>
    %dma_wait3A_60 = arith.constant 0 : i32
    %dma_wait3A_61 = arith.constant 0 : i32
    %dma_wait3A_62 = tpu.memref_slice %arg2[%dma_wait3A_60, %dma_wait3A_61] : memref<10000x128xf32, #tpu.memory_space<hbm>> -> memref<10000x128xf32, #tpu.memory_space<hbm>>
    tpu.wait_indirect_dma semaphore(%arg14 : memref<!tpu.dma_semaphore, #tpu.memory_space<semaphore_mem>>) src(%dma_wait3A_62 : memref<10000x128xf32, #tpu.memory_space<hbm>>) dst(%arg10 : memref<128x128xf32, #tpu.memory_space<vmem>>)
    "tpu.region"() ({
      %run_scoped3A = tpu.sem_alloc : memref<!tpu.dma_semaphore, #tpu.memory_space<semaphore_mem>>
      %dma_start3A_101 = arith.constant 128 : i32
      %dma_start3A_102 = tpu.memref_slice %arg7[%dma_start3A_101] : memref<256xi32, #tpu.memory_space<vmem>> -> memref<128xi32, #tpu.memory_space<vmem>>
      %dma_start3A_103 = arith.constant 0 : i32
      %dma_start3A_104 = arith.constant 0 : i32
      %dma_start3A_105 = tpu.memref_slice %arg12[%dma_start3A_103, %dma_start3A_104] : memref<10112x128xf32, #tpu.memory_space<vmem_shared>> -> memref<10112x128xf32, #tpu.memory_space<vmem_shared>>
      tpu.enqueue_indirect_dma source(%arg10 : memref<128x128xf32, #tpu.memory_space<vmem>>) target(%dma_start3A_105 : memref<10112x128xf32, #tpu.memory_space<vmem_shared>>) offsets(%dma_start3A_102 : memref<128xi32, #tpu.memory_space<vmem>>) semaphore(%run_scoped3A : memref<!tpu.dma_semaphore, #tpu.memory_space<semaphore_mem>>) {add = true}
      %dma_wait3A_106 = arith.constant 128 : i32
      %dma_wait3A_107 = tpu.memref_slice %arg7[%dma_wait3A_106] : memref<256xi32, #tpu.memory_space<vmem>> -> memref<128xi32, #tpu.memory_space<vmem>>
      %dma_wait3A_108 = arith.constant 0 : i32
      %dma_wait3A_109 = arith.constant 0 : i32
      %dma_wait3A_110 = tpu.memref_slice %arg12[%dma_wait3A_108, %dma_wait3A_109] : memref<10112x128xf32, #tpu.memory_space<vmem_shared>> -> memref<10112x128xf32, #tpu.memory_space<vmem_shared>>
      tpu.wait_indirect_dma semaphore(%run_scoped3A : memref<!tpu.dma_semaphore, #tpu.memory_space<semaphore_mem>>) src(%arg10 : memref<128x128xf32, #tpu.memory_space<vmem>>) dst(%dma_wait3A_110 : memref<10112x128xf32, #tpu.memory_space<vmem_shared>>)
      tpu.yield
    }) : () -> ()
    %add3A_63 = arith.constant 39936 : i32
    %add3A_64 = arith.addi %mul3A_6, %add3A_63 : i32
    %dma_wait3A_65 = arith.constant 0 : i32
    %dma_wait3A_66 = tpu.memref_slice %arg6[%dma_wait3A_65] : memref<256xi32, #tpu.memory_space<vmem>> -> memref<64xi32, #tpu.memory_space<vmem>>
    %dma_wait3A_67 = tpu.memref_slice %arg3[%add3A_64] : memref<1280000xi32, #tpu.memory_space<hbm>> -> memref<64xi32, #tpu.memory_space<hbm>>
    %dma_wait3A_68 = arith.constant 0 : i32
    %dma_wait3A_69 = tpu.memref_slice %arg6[%dma_wait3A_68] : memref<256xi32, #tpu.memory_space<vmem>> -> memref<64xi32, #tpu.memory_space<vmem>>
    %dma_wait3A_70 = tpu.memref_slice %arg3[%add3A_64] : memref<1280000xi32, #tpu.memory_space<hbm>> -> memref<64xi32, #tpu.memory_space<hbm>>
    tpu.wait_dma2 semaphore(%arg16 : memref<!tpu.dma_semaphore, #tpu.memory_space<semaphore_mem>>) src(%dma_wait3A_70 : memref<64xi32, #tpu.memory_space<hbm>>) dst(%dma_wait3A_69 : memref<64xi32, #tpu.memory_space<vmem>>)
    %dma_start3A_71 = arith.constant 0 : i32
    %dma_start3A_72 = arith.constant 0 : i32
    %dma_start3A_73 = tpu.memref_slice %arg9[%dma_start3A_71, %dma_start3A_72] : memref<128x128xf32, #tpu.memory_space<vmem>> -> memref<32x128xf32, #tpu.memory_space<vmem>>
    %dma_start3A_74 = arith.constant 0 : i32
    %dma_start3A_75 = tpu.memref_slice %arg6[%dma_start3A_74] : memref<256xi32, #tpu.memory_space<vmem>> -> memref<64xi32, #tpu.memory_space<vmem>>
    %dma_start3A_76 = arith.constant 0 : i32
    %dma_start3A_77 = tpu.memref_slice %dma_start3A_75[%dma_start3A_76] : memref<64xi32, #tpu.memory_space<vmem>> -> memref<32xi32, #tpu.memory_space<vmem>>
    %dma_start3A_78 = arith.constant 0 : i32
    %dma_start3A_79 = arith.constant 0 : i32
    %dma_start3A_80 = tpu.memref_slice %arg2[%dma_start3A_78, %dma_start3A_79] : memref<10000x128xf32, #tpu.memory_space<hbm>> -> memref<10000x128xf32, #tpu.memory_space<hbm>>
    tpu.enqueue_indirect_dma source(%dma_start3A_80 : memref<10000x128xf32, #tpu.memory_space<hbm>>) target(%dma_start3A_73 : memref<32x128xf32, #tpu.memory_space<vmem>>) offsets(%dma_start3A_77 : memref<32xi32, #tpu.memory_space<vmem>>) semaphore(%arg13 : memref<!tpu.dma_semaphore, #tpu.memory_space<semaphore_mem>>)
    %dma_wait3A_81 = arith.constant 0 : i32
    %dma_wait3A_82 = tpu.memref_slice %arg8[%dma_wait3A_81] : memref<256xi32, #tpu.memory_space<vmem>> -> memref<128xi32, #tpu.memory_space<vmem>>
    %dma_wait3A_83 = arith.constant 0 : i32
    %dma_wait3A_84 = arith.constant 0 : i32
    %dma_wait3A_85 = tpu.memref_slice %arg2[%dma_wait3A_83, %dma_wait3A_84] : memref<10000x128xf32, #tpu.memory_space<hbm>> -> memref<10000x128xf32, #tpu.memory_space<hbm>>
    tpu.wait_indirect_dma semaphore(%arg15 : memref<!tpu.dma_semaphore, #tpu.memory_space<semaphore_mem>>) src(%dma_wait3A_85 : memref<10000x128xf32, #tpu.memory_space<hbm>>) dst(%arg11 : memref<128x128xf32, #tpu.memory_space<vmem>>)
    "tpu.region"() ({
      %run_scoped3A = tpu.sem_alloc : memref<!tpu.dma_semaphore, #tpu.memory_space<semaphore_mem>>
      %dma_start3A_101 = arith.constant 128 : i32
      %dma_start3A_102 = tpu.memref_slice %arg8[%dma_start3A_101] : memref<256xi32, #tpu.memory_space<vmem>> -> memref<128xi32, #tpu.memory_space<vmem>>
      %dma_start3A_103 = arith.constant 0 : i32
      %dma_start3A_104 = arith.constant 0 : i32
      %dma_start3A_105 = tpu.memref_slice %arg12[%dma_start3A_103, %dma_start3A_104] : memref<10112x128xf32, #tpu.memory_space<vmem_shared>> -> memref<10112x128xf32, #tpu.memory_space<vmem_shared>>
      tpu.enqueue_indirect_dma source(%arg11 : memref<128x128xf32, #tpu.memory_space<vmem>>) target(%dma_start3A_105 : memref<10112x128xf32, #tpu.memory_space<vmem_shared>>) offsets(%dma_start3A_102 : memref<128xi32, #tpu.memory_space<vmem>>) semaphore(%run_scoped3A : memref<!tpu.dma_semaphore, #tpu.memory_space<semaphore_mem>>) {add = true}
      %dma_wait3A_106 = arith.constant 128 : i32
      %dma_wait3A_107 = tpu.memref_slice %arg8[%dma_wait3A_106] : memref<256xi32, #tpu.memory_space<vmem>> -> memref<128xi32, #tpu.memory_space<vmem>>
      %dma_wait3A_108 = arith.constant 0 : i32
      %dma_wait3A_109 = arith.constant 0 : i32
      %dma_wait3A_110 = tpu.memref_slice %arg12[%dma_wait3A_108, %dma_wait3A_109] : memref<10112x128xf32, #tpu.memory_space<vmem_shared>> -> memref<10112x128xf32, #tpu.memory_space<vmem_shared>>
      tpu.wait_indirect_dma semaphore(%run_scoped3A : memref<!tpu.dma_semaphore, #tpu.memory_space<semaphore_mem>>) src(%arg11 : memref<128x128xf32, #tpu.memory_space<vmem>>) dst(%dma_wait3A_110 : memref<10112x128xf32, #tpu.memory_space<vmem_shared>>)
      tpu.yield
    }) : () -> ()
    %dma_wait3A_86 = arith.constant 0 : i32
    %dma_wait3A_87 = arith.constant 0 : i32
    %dma_wait3A_88 = tpu.memref_slice %arg9[%dma_wait3A_86, %dma_wait3A_87] : memref<128x128xf32, #tpu.memory_space<vmem>> -> memref<32x128xf32, #tpu.memory_space<vmem>>
    %dma_wait3A_89 = arith.constant 0 : i32
    %dma_wait3A_90 = tpu.memref_slice %arg6[%dma_wait3A_89] : memref<256xi32, #tpu.memory_space<vmem>> -> memref<64xi32, #tpu.memory_space<vmem>>
    %dma_wait3A_91 = arith.constant 0 : i32
    %dma_wait3A_92 = tpu.memref_slice %dma_wait3A_90[%dma_wait3A_91] : memref<64xi32, #tpu.memory_space<vmem>> -> memref<32xi32, #tpu.memory_space<vmem>>
    %dma_wait3A_93 = arith.constant 0 : i32
    %dma_wait3A_94 = arith.constant 0 : i32
    %dma_wait3A_95 = tpu.memref_slice %arg2[%dma_wait3A_93, %dma_wait3A_94] : memref<10000x128xf32, #tpu.memory_space<hbm>> -> memref<10000x128xf32, #tpu.memory_space<hbm>>
    tpu.wait_indirect_dma semaphore(%arg13 : memref<!tpu.dma_semaphore, #tpu.memory_space<semaphore_mem>>) src(%dma_wait3A_95 : memref<10000x128xf32, #tpu.memory_space<hbm>>) dst(%dma_wait3A_88 : memref<32x128xf32, #tpu.memory_space<vmem>>)
    "tpu.region"() ({
      %run_scoped3A = tpu.sem_alloc : memref<!tpu.dma_semaphore, #tpu.memory_space<semaphore_mem>>
      %dma_start3A_101 = arith.constant 0 : i32
      %dma_start3A_102 = arith.constant 0 : i32
      %dma_start3A_103 = tpu.memref_slice %arg9[%dma_start3A_101, %dma_start3A_102] : memref<128x128xf32, #tpu.memory_space<vmem>> -> memref<32x128xf32, #tpu.memory_space<vmem>>
      %dma_start3A_104 = arith.constant 0 : i32
      %dma_start3A_105 = tpu.memref_slice %arg6[%dma_start3A_104] : memref<256xi32, #tpu.memory_space<vmem>> -> memref<64xi32, #tpu.memory_space<vmem>>
      %dma_start3A_106 = arith.constant 32 : i32
      %dma_start3A_107 = tpu.memref_slice %dma_start3A_105[%dma_start3A_106] : memref<64xi32, #tpu.memory_space<vmem>> -> memref<32xi32, #tpu.memory_space<vmem>>
      %dma_start3A_108 = arith.constant 0 : i32
      %dma_start3A_109 = arith.constant 0 : i32
      %dma_start3A_110 = tpu.memref_slice %arg12[%dma_start3A_108, %dma_start3A_109] : memref<10112x128xf32, #tpu.memory_space<vmem_shared>> -> memref<10112x128xf32, #tpu.memory_space<vmem_shared>>
      tpu.enqueue_indirect_dma source(%dma_start3A_103 : memref<32x128xf32, #tpu.memory_space<vmem>>) target(%dma_start3A_110 : memref<10112x128xf32, #tpu.memory_space<vmem_shared>>) offsets(%dma_start3A_107 : memref<32xi32, #tpu.memory_space<vmem>>) semaphore(%run_scoped3A : memref<!tpu.dma_semaphore, #tpu.memory_space<semaphore_mem>>) {add = true}
      %dma_wait3A_111 = arith.constant 0 : i32
      %dma_wait3A_112 = arith.constant 0 : i32
      %dma_wait3A_113 = tpu.memref_slice %arg9[%dma_wait3A_111, %dma_wait3A_112] : memref<128x128xf32, #tpu.memory_space<vmem>> -> memref<32x128xf32, #tpu.memory_space<vmem>>
      %dma_wait3A_114 = arith.constant 0 : i32
      %dma_wait3A_115 = tpu.memref_slice %arg6[%dma_wait3A_114] : memref<256xi32, #tpu.memory_space<vmem>> -> memref<64xi32, #tpu.memory_space<vmem>>
      %dma_wait3A_116 = arith.constant 32 : i32
      %dma_wait3A_117 = tpu.memref_slice %dma_wait3A_115[%dma_wait3A_116] : memref<64xi32, #tpu.memory_space<vmem>> -> memref<32xi32, #tpu.memory_space<vmem>>
      %dma_wait3A_118 = arith.constant 0 : i32
      %dma_wait3A_119 = arith.constant 0 : i32
      %dma_wait3A_120 = tpu.memref_slice %arg12[%dma_wait3A_118, %dma_wait3A_119] : memref<10112x128xf32, #tpu.memory_space<vmem_shared>> -> memref<10112x128xf32, #tpu.memory_space<vmem_shared>>
      tpu.wait_indirect_dma semaphore(%run_scoped3A : memref<!tpu.dma_semaphore, #tpu.memory_space<semaphore_mem>>) src(%dma_wait3A_113 : memref<32x128xf32, #tpu.memory_space<vmem>>) dst(%dma_wait3A_120 : memref<10112x128xf32, #tpu.memory_space<vmem_shared>>)
      tpu.yield
    }) : () -> ()
    %barrier3A_96 = arith.constant 0 : index
    tpu.barrier barrier_id(%barrier3A_96)
    %mul3A_97 = arith.constant 632 : i32
    %mul3A_98 = arith.muli %arg1, %mul3A_97 : i32
    %mul3A_99 = arith.constant 632 : i32
    %mul3A_100 = arith.muli %arg1, %mul3A_99 : i32
    "tpu.region"() ({
      %run_scoped3A = tpu.sem_alloc : memref<!tpu.dma_semaphore, #tpu.memory_space<semaphore_mem>>
      %dma_start3A_101 = arith.constant 0 : i32
      %dma_start3A_102 = tpu.memref_slice %arg5[%arg0, %mul3A_100, %dma_start3A_101] : memref<2x10112x128xf32, #tpu.memory_space<hbm>> -> memref<1x632x128xf32, #tpu.memory_space<hbm>>
      %dma_start3A_103 = tpu.memref_squeeze %dma_start3A_102 : memref<1x632x128xf32, #tpu.memory_space<hbm>> -> memref<632x128xf32, #tpu.memory_space<hbm>>
      %dma_start3A_104 = arith.constant 0 : i32
      %dma_start3A_105 = tpu.memref_slice %arg12[%mul3A_98, %dma_start3A_104] : memref<10112x128xf32, #tpu.memory_space<vmem_shared>> -> memref<632x128xf32, #tpu.memory_space<vmem_shared>>
      tpu.enqueue_dma source(%dma_start3A_105 : memref<632x128xf32, #tpu.memory_space<vmem_shared>>) target(%dma_start3A_103 : memref<632x128xf32, #tpu.memory_space<hbm>>) target_semaphore(%run_scoped3A : memref<!tpu.dma_semaphore, #tpu.memory_space<semaphore_mem>>)
      %dma_wait3A_106 = arith.constant 0 : i32
      %dma_wait3A_107 = tpu.memref_slice %arg5[%arg0, %mul3A_100, %dma_wait3A_106] : memref<2x10112x128xf32, #tpu.memory_space<hbm>> -> memref<1x632x128xf32, #tpu.memory_space<hbm>>
      %dma_wait3A_108 = tpu.memref_squeeze %dma_wait3A_107 : memref<1x632x128xf32, #tpu.memory_space<hbm>> -> memref<632x128xf32, #tpu.memory_space<hbm>>
      %dma_wait3A_109 = arith.constant 0 : i32
      %dma_wait3A_110 = tpu.memref_slice %arg12[%mul3A_98, %dma_wait3A_109] : memref<10112x128xf32, #tpu.memory_space<vmem_shared>> -> memref<632x128xf32, #tpu.memory_space<vmem_shared>>
      tpu.wait_dma2 semaphore(%run_scoped3A : memref<!tpu.dma_semaphore, #tpu.memory_space<semaphore_mem>>) src(%dma_wait3A_110 : memref<632x128xf32, #tpu.memory_space<vmem_shared>>) dst(%dma_wait3A_108 : memref<632x128xf32, #tpu.memory_space<hbm>>)
      tpu.yield
    }) : () -> ()
    return
  }
}

#map = affine_map<(d0, d1) -> (0, 0)>
#map1 = affine_map<(d0, d1) -> (0)>
#map2 = affine_map<(d0, d1) -> (0, 0, 0)>
module attributes {stable_mosaic.version = 14 : i64} {
  func.func @_sc_edge_scatter(%arg0: i32, %arg1: i32, %arg2: memref<640000x128xf32, #tpu.memory_space<hbm>>, %arg3: memref<1280000xi32, #tpu.memory_space<hbm>>, %arg4: memref<10112x128xf32, #tpu.memory_space<hbm>>, %arg5: memref<2x10112x128xf32, #tpu.memory_space<hbm>>, %arg6: memref<128xi32, #tpu.memory_space<vmem>>, %arg7: memref<128xi32, #tpu.memory_space<vmem>>, %arg8: memref<32xi32, #tpu.memory_space<vmem>>, %arg9: memref<128x128xf32, #tpu.memory_space<vmem>>, %arg10: memref<128x128xf32, #tpu.memory_space<vmem>>, %arg11: memref<32x128xf32, #tpu.memory_space<vmem>>, %arg12: memref<10112x128xf32, #tpu.memory_space<vmem_shared>>, %arg13: memref<!tpu.dma_semaphore, #tpu.memory_space<semaphore_mem>>, %arg14: memref<!tpu.dma_semaphore, #tpu.memory_space<semaphore_mem>>, %arg15: memref<!tpu.dma_semaphore, #tpu.memory_space<semaphore_mem>>, %arg16: memref<!tpu.dma_semaphore, #tpu.memory_space<semaphore_mem>>) attributes {dimension_semantics = [#tpu.dimension_semantics<core_parallel>, #tpu.dimension_semantics<subcore_parallel>], iteration_bounds = array<i64: 2, 16>, scalar_prefetch = 0 : i64, scratch_operands = 11 : i64, tpu.core_type = #tpu.core_type<sc_vector_subcore>, window_params = [{transform_indices = #map}, {transform_indices = #map1}, {transform_indices = #map}, {transform_indices = #map2}]} {
    %mul3A = arith.constant 16 : i32
    %mul3A_0 = arith.muli %arg0, %mul3A : i32
    %add3A = arith.addi %mul3A_0, %arg1 : i32
    %mul3A_1 = arith.constant 632 : i32
    %mul3A_2 = arith.muli %arg1, %mul3A_1 : i32
    %mul3A_3 = arith.constant 632 : i32
    %mul3A_4 = arith.muli %arg1, %mul3A_3 : i32
    "tpu.region"() ({
      %run_scoped3A = tpu.sem_alloc : memref<!tpu.dma_semaphore, #tpu.memory_space<semaphore_mem>>
      %dma_start3A_89 = arith.constant 0 : i32
      %dma_start3A_90 = tpu.memref_slice %arg12[%mul3A_4, %dma_start3A_89] : memref<10112x128xf32, #tpu.memory_space<vmem_shared>> -> memref<632x128xf32, #tpu.memory_space<vmem_shared>>
      %dma_start3A_91 = arith.constant 0 : i32
      %dma_start3A_92 = tpu.memref_slice %arg4[%mul3A_2, %dma_start3A_91] : memref<10112x128xf32, #tpu.memory_space<hbm>> -> memref<632x128xf32, #tpu.memory_space<hbm>>
      tpu.enqueue_dma source(%dma_start3A_92 : memref<632x128xf32, #tpu.memory_space<hbm>>) target(%dma_start3A_90 : memref<632x128xf32, #tpu.memory_space<vmem_shared>>) target_semaphore(%run_scoped3A : memref<!tpu.dma_semaphore, #tpu.memory_space<semaphore_mem>>)
      %dma_wait3A_93 = arith.constant 0 : i32
      %dma_wait3A_94 = tpu.memref_slice %arg12[%mul3A_4, %dma_wait3A_93] : memref<10112x128xf32, #tpu.memory_space<vmem_shared>> -> memref<632x128xf32, #tpu.memory_space<vmem_shared>>
      %dma_wait3A_95 = arith.constant 0 : i32
      %dma_wait3A_96 = tpu.memref_slice %arg4[%mul3A_2, %dma_wait3A_95] : memref<10112x128xf32, #tpu.memory_space<hbm>> -> memref<632x128xf32, #tpu.memory_space<hbm>>
      tpu.wait_dma2 semaphore(%run_scoped3A : memref<!tpu.dma_semaphore, #tpu.memory_space<semaphore_mem>>) src(%dma_wait3A_96 : memref<632x128xf32, #tpu.memory_space<hbm>>) dst(%dma_wait3A_94 : memref<632x128xf32, #tpu.memory_space<vmem_shared>>)
      tpu.yield
    }) : () -> ()
    %barrier3A = arith.constant 0 : index
    tpu.barrier barrier_id(%barrier3A)
    %mul3A_5 = arith.constant 20000 : i32
    %mul3A_6 = arith.muli %add3A, %mul3A_5 : i32
    %mul3A_7 = arith.constant 40000 : i32
    %mul3A_8 = arith.muli %add3A, %mul3A_7 : i32
    %add3A_9 = arith.constant 0 : i32
    %add3A_10 = arith.addi %mul3A_8, %add3A_9 : i32
    %add3A_11 = arith.constant 128 : i32
    %add3A_12 = arith.addi %add3A_10, %add3A_11 : i32
    %dma_start3A = tpu.memref_slice %arg3[%add3A_12] : memref<1280000xi32, #tpu.memory_space<hbm>> -> memref<128xi32, #tpu.memory_space<hbm>>
    %dma_start3A_13 = tpu.memref_slice %arg3[%add3A_12] : memref<1280000xi32, #tpu.memory_space<hbm>> -> memref<128xi32, #tpu.memory_space<hbm>>
    tpu.enqueue_dma source(%dma_start3A_13 : memref<128xi32, #tpu.memory_space<hbm>>) target(%arg6 : memref<128xi32, #tpu.memory_space<vmem>>) target_semaphore(%arg15 : memref<!tpu.dma_semaphore, #tpu.memory_space<semaphore_mem>>)
    %add3A_14 = arith.constant 0 : i32
    %add3A_15 = arith.addi %mul3A_6, %add3A_14 : i32
    %dma_start3A_16 = arith.constant 0 : i32
    %dma_start3A_17 = tpu.memref_slice %arg2[%add3A_15, %dma_start3A_16] : memref<640000x128xf32, #tpu.memory_space<hbm>> -> memref<128x128xf32, #tpu.memory_space<hbm>>
    %dma_start3A_18 = arith.constant 0 : i32
    %dma_start3A_19 = tpu.memref_slice %arg2[%add3A_15, %dma_start3A_18] : memref<640000x128xf32, #tpu.memory_space<hbm>> -> memref<128x128xf32, #tpu.memory_space<hbm>>
    tpu.enqueue_dma source(%dma_start3A_19 : memref<128x128xf32, #tpu.memory_space<hbm>>) target(%arg9 : memref<128x128xf32, #tpu.memory_space<vmem>>) target_semaphore(%arg13 : memref<!tpu.dma_semaphore, #tpu.memory_space<semaphore_mem>>)
    %scan3A = arith.constant 0 : i32
    %scan3A_20 = arith.constant 0 : i32
    %scan3A_21 = arith.constant 77 : i32
    %scan3A_22 = arith.addi %scan3A_20, %scan3A_21 : i32
    %scan3A_23 = arith.constant 1 : i32
    scf.for %scan3A_89 = %scan3A_20 to %scan3A_22 step %scan3A_23  : i32 {
      %mul3A_90 = arith.constant 2 : i32
      %mul3A_91 = arith.muli %scan3A_89, %mul3A_90 : i32
      %add3A_92 = arith.constant 0 : i32
      %add3A_93 = arith.addi %mul3A_91, %add3A_92 : i32
      %add3A_94 = arith.constant 1 : i32
      %add3A_95 = arith.addi %add3A_93, %add3A_94 : i32
      %mul3A_96 = arith.constant 256 : i32
      %mul3A_97 = arith.muli %add3A_95, %mul3A_96 : i32
      %add3A_98 = arith.addi %mul3A_8, %mul3A_97 : i32
      %add3A_99 = arith.constant 128 : i32
      %add3A_100 = arith.addi %add3A_98, %add3A_99 : i32
      %dma_start3A_101 = tpu.memref_slice %arg3[%add3A_100] : memref<1280000xi32, #tpu.memory_space<hbm>> -> memref<128xi32, #tpu.memory_space<hbm>>
      %dma_start3A_102 = tpu.memref_slice %arg3[%add3A_100] : memref<1280000xi32, #tpu.memory_space<hbm>> -> memref<128xi32, #tpu.memory_space<hbm>>
      tpu.enqueue_dma source(%dma_start3A_102 : memref<128xi32, #tpu.memory_space<hbm>>) target(%arg7 : memref<128xi32, #tpu.memory_space<vmem>>) target_semaphore(%arg16 : memref<!tpu.dma_semaphore, #tpu.memory_space<semaphore_mem>>)
      %mul3A_103 = arith.constant 128 : i32
      %mul3A_104 = arith.muli %add3A_95, %mul3A_103 : i32
      %add3A_105 = arith.addi %mul3A_6, %mul3A_104 : i32
      %dma_start3A_106 = arith.constant 0 : i32
      %dma_start3A_107 = tpu.memref_slice %arg2[%add3A_105, %dma_start3A_106] : memref<640000x128xf32, #tpu.memory_space<hbm>> -> memref<128x128xf32, #tpu.memory_space<hbm>>
      %dma_start3A_108 = arith.constant 0 : i32
      %dma_start3A_109 = tpu.memref_slice %arg2[%add3A_105, %dma_start3A_108] : memref<640000x128xf32, #tpu.memory_space<hbm>> -> memref<128x128xf32, #tpu.memory_space<hbm>>
      tpu.enqueue_dma source(%dma_start3A_109 : memref<128x128xf32, #tpu.memory_space<hbm>>) target(%arg10 : memref<128x128xf32, #tpu.memory_space<vmem>>) target_semaphore(%arg14 : memref<!tpu.dma_semaphore, #tpu.memory_space<semaphore_mem>>)
      %mul3A_110 = arith.constant 256 : i32
      %mul3A_111 = arith.muli %add3A_93, %mul3A_110 : i32
      %add3A_112 = arith.addi %mul3A_8, %mul3A_111 : i32
      %add3A_113 = arith.constant 128 : i32
      %add3A_114 = arith.addi %add3A_112, %add3A_113 : i32
      %dma_wait3A_115 = tpu.memref_slice %arg3[%add3A_114] : memref<1280000xi32, #tpu.memory_space<hbm>> -> memref<128xi32, #tpu.memory_space<hbm>>
      %dma_wait3A_116 = tpu.memref_slice %arg3[%add3A_114] : memref<1280000xi32, #tpu.memory_space<hbm>> -> memref<128xi32, #tpu.memory_space<hbm>>
      tpu.wait_dma2 semaphore(%arg15 : memref<!tpu.dma_semaphore, #tpu.memory_space<semaphore_mem>>) src(%dma_wait3A_116 : memref<128xi32, #tpu.memory_space<hbm>>) dst(%arg6 : memref<128xi32, #tpu.memory_space<vmem>>)
      %mul3A_117 = arith.constant 128 : i32
      %mul3A_118 = arith.muli %add3A_93, %mul3A_117 : i32
      %add3A_119 = arith.addi %mul3A_6, %mul3A_118 : i32
      %dma_wait3A_120 = arith.constant 0 : i32
      %dma_wait3A_121 = tpu.memref_slice %arg2[%add3A_119, %dma_wait3A_120] : memref<640000x128xf32, #tpu.memory_space<hbm>> -> memref<128x128xf32, #tpu.memory_space<hbm>>
      %dma_wait3A_122 = arith.constant 0 : i32
      %dma_wait3A_123 = tpu.memref_slice %arg2[%add3A_119, %dma_wait3A_122] : memref<640000x128xf32, #tpu.memory_space<hbm>> -> memref<128x128xf32, #tpu.memory_space<hbm>>
      tpu.wait_dma2 semaphore(%arg13 : memref<!tpu.dma_semaphore, #tpu.memory_space<semaphore_mem>>) src(%dma_wait3A_123 : memref<128x128xf32, #tpu.memory_space<hbm>>) dst(%arg9 : memref<128x128xf32, #tpu.memory_space<vmem>>)
      "tpu.region"() ({
        %run_scoped3A = tpu.sem_alloc : memref<!tpu.dma_semaphore, #tpu.memory_space<semaphore_mem>>
        %dma_start3A_158 = arith.constant 0 : i32
        %dma_start3A_159 = arith.constant 0 : i32
        %dma_start3A_160 = tpu.memref_slice %arg12[%dma_start3A_158, %dma_start3A_159] : memref<10112x128xf32, #tpu.memory_space<vmem_shared>> -> memref<10112x128xf32, #tpu.memory_space<vmem_shared>>
        tpu.enqueue_indirect_dma source(%arg9 : memref<128x128xf32, #tpu.memory_space<vmem>>) target(%dma_start3A_160 : memref<10112x128xf32, #tpu.memory_space<vmem_shared>>) offsets(%arg6 : memref<128xi32, #tpu.memory_space<vmem>>) semaphore(%run_scoped3A : memref<!tpu.dma_semaphore, #tpu.memory_space<semaphore_mem>>) {add = true}
        %dma_wait3A_161 = arith.constant 0 : i32
        %dma_wait3A_162 = arith.constant 0 : i32
        %dma_wait3A_163 = tpu.memref_slice %arg12[%dma_wait3A_161, %dma_wait3A_162] : memref<10112x128xf32, #tpu.memory_space<vmem_shared>> -> memref<10112x128xf32, #tpu.memory_space<vmem_shared>>
        tpu.wait_indirect_dma semaphore(%run_scoped3A : memref<!tpu.dma_semaphore, #tpu.memory_space<semaphore_mem>>) src(%arg9 : memref<128x128xf32, #tpu.memory_space<vmem>>) dst(%dma_wait3A_163 : memref<10112x128xf32, #tpu.memory_space<vmem_shared>>)
        tpu.yield
      }) : () -> ()
      %mul3A_124 = arith.constant 2 : i32
      %mul3A_125 = arith.muli %scan3A_89, %mul3A_124 : i32
      %add3A_126 = arith.constant 1 : i32
      %add3A_127 = arith.addi %mul3A_125, %add3A_126 : i32
      %add3A_128 = arith.constant 1 : i32
      %add3A_129 = arith.addi %add3A_127, %add3A_128 : i32
      %mul3A_130 = arith.constant 256 : i32
      %mul3A_131 = arith.muli %add3A_129, %mul3A_130 : i32
      %add3A_132 = arith.addi %mul3A_8, %mul3A_131 : i32
      %add3A_133 = arith.constant 128 : i32
      %add3A_134 = arith.addi %add3A_132, %add3A_133 : i32
      %dma_start3A_135 = tpu.memref_slice %arg3[%add3A_134] : memref<1280000xi32, #tpu.memory_space<hbm>> -> memref<128xi32, #tpu.memory_space<hbm>>
      %dma_start3A_136 = tpu.memref_slice %arg3[%add3A_134] : memref<1280000xi32, #tpu.memory_space<hbm>> -> memref<128xi32, #tpu.memory_space<hbm>>
      tpu.enqueue_dma source(%dma_start3A_136 : memref<128xi32, #tpu.memory_space<hbm>>) target(%arg6 : memref<128xi32, #tpu.memory_space<vmem>>) target_semaphore(%arg15 : memref<!tpu.dma_semaphore, #tpu.memory_space<semaphore_mem>>)
      %mul3A_137 = arith.constant 128 : i32
      %mul3A_138 = arith.muli %add3A_129, %mul3A_137 : i32
      %add3A_139 = arith.addi %mul3A_6, %mul3A_138 : i32
      %dma_start3A_140 = arith.constant 0 : i32
      %dma_start3A_141 = tpu.memref_slice %arg2[%add3A_139, %dma_start3A_140] : memref<640000x128xf32, #tpu.memory_space<hbm>> -> memref<128x128xf32, #tpu.memory_space<hbm>>
      %dma_start3A_142 = arith.constant 0 : i32
      %dma_start3A_143 = tpu.memref_slice %arg2[%add3A_139, %dma_start3A_142] : memref<640000x128xf32, #tpu.memory_space<hbm>> -> memref<128x128xf32, #tpu.memory_space<hbm>>
      tpu.enqueue_dma source(%dma_start3A_143 : memref<128x128xf32, #tpu.memory_space<hbm>>) target(%arg9 : memref<128x128xf32, #tpu.memory_space<vmem>>) target_semaphore(%arg13 : memref<!tpu.dma_semaphore, #tpu.memory_space<semaphore_mem>>)
      %mul3A_144 = arith.constant 256 : i32
      %mul3A_145 = arith.muli %add3A_127, %mul3A_144 : i32
      %add3A_146 = arith.addi %mul3A_8, %mul3A_145 : i32
      %add3A_147 = arith.constant 128 : i32
      %add3A_148 = arith.addi %add3A_146, %add3A_147 : i32
      %dma_wait3A_149 = tpu.memref_slice %arg3[%add3A_148] : memref<1280000xi32, #tpu.memory_space<hbm>> -> memref<128xi32, #tpu.memory_space<hbm>>
      %dma_wait3A_150 = tpu.memref_slice %arg3[%add3A_148] : memref<1280000xi32, #tpu.memory_space<hbm>> -> memref<128xi32, #tpu.memory_space<hbm>>
      tpu.wait_dma2 semaphore(%arg16 : memref<!tpu.dma_semaphore, #tpu.memory_space<semaphore_mem>>) src(%dma_wait3A_150 : memref<128xi32, #tpu.memory_space<hbm>>) dst(%arg7 : memref<128xi32, #tpu.memory_space<vmem>>)
      %mul3A_151 = arith.constant 128 : i32
      %mul3A_152 = arith.muli %add3A_127, %mul3A_151 : i32
      %add3A_153 = arith.addi %mul3A_6, %mul3A_152 : i32
      %dma_wait3A_154 = arith.constant 0 : i32
      %dma_wait3A_155 = tpu.memref_slice %arg2[%add3A_153, %dma_wait3A_154] : memref<640000x128xf32, #tpu.memory_space<hbm>> -> memref<128x128xf32, #tpu.memory_space<hbm>>
      %dma_wait3A_156 = arith.constant 0 : i32
      %dma_wait3A_157 = tpu.memref_slice %arg2[%add3A_153, %dma_wait3A_156] : memref<640000x128xf32, #tpu.memory_space<hbm>> -> memref<128x128xf32, #tpu.memory_space<hbm>>
      tpu.wait_dma2 semaphore(%arg14 : memref<!tpu.dma_semaphore, #tpu.memory_space<semaphore_mem>>) src(%dma_wait3A_157 : memref<128x128xf32, #tpu.memory_space<hbm>>) dst(%arg10 : memref<128x128xf32, #tpu.memory_space<vmem>>)
      "tpu.region"() ({
        %run_scoped3A = tpu.sem_alloc : memref<!tpu.dma_semaphore, #tpu.memory_space<semaphore_mem>>
        %dma_start3A_158 = arith.constant 0 : i32
        %dma_start3A_159 = arith.constant 0 : i32
        %dma_start3A_160 = tpu.memref_slice %arg12[%dma_start3A_158, %dma_start3A_159] : memref<10112x128xf32, #tpu.memory_space<vmem_shared>> -> memref<10112x128xf32, #tpu.memory_space<vmem_shared>>
        tpu.enqueue_indirect_dma source(%arg10 : memref<128x128xf32, #tpu.memory_space<vmem>>) target(%dma_start3A_160 : memref<10112x128xf32, #tpu.memory_space<vmem_shared>>) offsets(%arg7 : memref<128xi32, #tpu.memory_space<vmem>>) semaphore(%run_scoped3A : memref<!tpu.dma_semaphore, #tpu.memory_space<semaphore_mem>>) {add = true}
        %dma_wait3A_161 = arith.constant 0 : i32
        %dma_wait3A_162 = arith.constant 0 : i32
        %dma_wait3A_163 = tpu.memref_slice %arg12[%dma_wait3A_161, %dma_wait3A_162] : memref<10112x128xf32, #tpu.memory_space<vmem_shared>> -> memref<10112x128xf32, #tpu.memory_space<vmem_shared>>
        tpu.wait_indirect_dma semaphore(%run_scoped3A : memref<!tpu.dma_semaphore, #tpu.memory_space<semaphore_mem>>) src(%arg10 : memref<128x128xf32, #tpu.memory_space<vmem>>) dst(%dma_wait3A_163 : memref<10112x128xf32, #tpu.memory_space<vmem_shared>>)
        tpu.yield
      }) : () -> ()
    }
    %scan3A_24 = arith.constant 77 : i32
    %add3A_25 = arith.constant 39680 : i32
    %add3A_26 = arith.addi %mul3A_8, %add3A_25 : i32
    %add3A_27 = arith.constant 128 : i32
    %add3A_28 = arith.addi %add3A_26, %add3A_27 : i32
    %dma_start3A_29 = tpu.memref_slice %arg3[%add3A_28] : memref<1280000xi32, #tpu.memory_space<hbm>> -> memref<128xi32, #tpu.memory_space<hbm>>
    %dma_start3A_30 = tpu.memref_slice %arg3[%add3A_28] : memref<1280000xi32, #tpu.memory_space<hbm>> -> memref<128xi32, #tpu.memory_space<hbm>>
    tpu.enqueue_dma source(%dma_start3A_30 : memref<128xi32, #tpu.memory_space<hbm>>) target(%arg7 : memref<128xi32, #tpu.memory_space<vmem>>) target_semaphore(%arg16 : memref<!tpu.dma_semaphore, #tpu.memory_space<semaphore_mem>>)
    %add3A_31 = arith.constant 19840 : i32
    %add3A_32 = arith.addi %mul3A_6, %add3A_31 : i32
    %dma_start3A_33 = arith.constant 0 : i32
    %dma_start3A_34 = tpu.memref_slice %arg2[%add3A_32, %dma_start3A_33] : memref<640000x128xf32, #tpu.memory_space<hbm>> -> memref<128x128xf32, #tpu.memory_space<hbm>>
    %dma_start3A_35 = arith.constant 0 : i32
    %dma_start3A_36 = tpu.memref_slice %arg2[%add3A_32, %dma_start3A_35] : memref<640000x128xf32, #tpu.memory_space<hbm>> -> memref<128x128xf32, #tpu.memory_space<hbm>>
    tpu.enqueue_dma source(%dma_start3A_36 : memref<128x128xf32, #tpu.memory_space<hbm>>) target(%arg10 : memref<128x128xf32, #tpu.memory_space<vmem>>) target_semaphore(%arg14 : memref<!tpu.dma_semaphore, #tpu.memory_space<semaphore_mem>>)
    %add3A_37 = arith.constant 39424 : i32
    %add3A_38 = arith.addi %mul3A_8, %add3A_37 : i32
    %add3A_39 = arith.constant 128 : i32
    %add3A_40 = arith.addi %add3A_38, %add3A_39 : i32
    %dma_wait3A = tpu.memref_slice %arg3[%add3A_40] : memref<1280000xi32, #tpu.memory_space<hbm>> -> memref<128xi32, #tpu.memory_space<hbm>>
    %dma_wait3A_41 = tpu.memref_slice %arg3[%add3A_40] : memref<1280000xi32, #tpu.memory_space<hbm>> -> memref<128xi32, #tpu.memory_space<hbm>>
    tpu.wait_dma2 semaphore(%arg15 : memref<!tpu.dma_semaphore, #tpu.memory_space<semaphore_mem>>) src(%dma_wait3A_41 : memref<128xi32, #tpu.memory_space<hbm>>) dst(%arg6 : memref<128xi32, #tpu.memory_space<vmem>>)
    %add3A_42 = arith.constant 19712 : i32
    %add3A_43 = arith.addi %mul3A_6, %add3A_42 : i32
    %dma_wait3A_44 = arith.constant 0 : i32
    %dma_wait3A_45 = tpu.memref_slice %arg2[%add3A_43, %dma_wait3A_44] : memref<640000x128xf32, #tpu.memory_space<hbm>> -> memref<128x128xf32, #tpu.memory_space<hbm>>
    %dma_wait3A_46 = arith.constant 0 : i32
    %dma_wait3A_47 = tpu.memref_slice %arg2[%add3A_43, %dma_wait3A_46] : memref<640000x128xf32, #tpu.memory_space<hbm>> -> memref<128x128xf32, #tpu.memory_space<hbm>>
    tpu.wait_dma2 semaphore(%arg13 : memref<!tpu.dma_semaphore, #tpu.memory_space<semaphore_mem>>) src(%dma_wait3A_47 : memref<128x128xf32, #tpu.memory_space<hbm>>) dst(%arg9 : memref<128x128xf32, #tpu.memory_space<vmem>>)
    "tpu.region"() ({
      %run_scoped3A = tpu.sem_alloc : memref<!tpu.dma_semaphore, #tpu.memory_space<semaphore_mem>>
      %dma_start3A_89 = arith.constant 0 : i32
      %dma_start3A_90 = arith.constant 0 : i32
      %dma_start3A_91 = tpu.memref_slice %arg12[%dma_start3A_89, %dma_start3A_90] : memref<10112x128xf32, #tpu.memory_space<vmem_shared>> -> memref<10112x128xf32, #tpu.memory_space<vmem_shared>>
      tpu.enqueue_indirect_dma source(%arg9 : memref<128x128xf32, #tpu.memory_space<vmem>>) target(%dma_start3A_91 : memref<10112x128xf32, #tpu.memory_space<vmem_shared>>) offsets(%arg6 : memref<128xi32, #tpu.memory_space<vmem>>) semaphore(%run_scoped3A : memref<!tpu.dma_semaphore, #tpu.memory_space<semaphore_mem>>) {add = true}
      %dma_wait3A_92 = arith.constant 0 : i32
      %dma_wait3A_93 = arith.constant 0 : i32
      %dma_wait3A_94 = tpu.memref_slice %arg12[%dma_wait3A_92, %dma_wait3A_93] : memref<10112x128xf32, #tpu.memory_space<vmem_shared>> -> memref<10112x128xf32, #tpu.memory_space<vmem_shared>>
      tpu.wait_indirect_dma semaphore(%run_scoped3A : memref<!tpu.dma_semaphore, #tpu.memory_space<semaphore_mem>>) src(%arg9 : memref<128x128xf32, #tpu.memory_space<vmem>>) dst(%dma_wait3A_94 : memref<10112x128xf32, #tpu.memory_space<vmem_shared>>)
      tpu.yield
    }) : () -> ()
    %add3A_48 = arith.constant 39936 : i32
    %add3A_49 = arith.addi %mul3A_8, %add3A_48 : i32
    %add3A_50 = arith.constant 32 : i32
    %add3A_51 = arith.addi %add3A_49, %add3A_50 : i32
    %dma_start3A_52 = tpu.memref_slice %arg3[%add3A_51] : memref<1280000xi32, #tpu.memory_space<hbm>> -> memref<32xi32, #tpu.memory_space<hbm>>
    %dma_start3A_53 = tpu.memref_slice %arg3[%add3A_51] : memref<1280000xi32, #tpu.memory_space<hbm>> -> memref<32xi32, #tpu.memory_space<hbm>>
    tpu.enqueue_dma source(%dma_start3A_53 : memref<32xi32, #tpu.memory_space<hbm>>) target(%arg8 : memref<32xi32, #tpu.memory_space<vmem>>) target_semaphore(%arg15 : memref<!tpu.dma_semaphore, #tpu.memory_space<semaphore_mem>>)
    %add3A_54 = arith.constant 19968 : i32
    %add3A_55 = arith.addi %mul3A_6, %add3A_54 : i32
    %dma_start3A_56 = arith.constant 0 : i32
    %dma_start3A_57 = tpu.memref_slice %arg2[%add3A_55, %dma_start3A_56] : memref<640000x128xf32, #tpu.memory_space<hbm>> -> memref<32x128xf32, #tpu.memory_space<hbm>>
    %dma_start3A_58 = arith.constant 0 : i32
    %dma_start3A_59 = tpu.memref_slice %arg2[%add3A_55, %dma_start3A_58] : memref<640000x128xf32, #tpu.memory_space<hbm>> -> memref<32x128xf32, #tpu.memory_space<hbm>>
    tpu.enqueue_dma source(%dma_start3A_59 : memref<32x128xf32, #tpu.memory_space<hbm>>) target(%arg11 : memref<32x128xf32, #tpu.memory_space<vmem>>) target_semaphore(%arg13 : memref<!tpu.dma_semaphore, #tpu.memory_space<semaphore_mem>>)
    %add3A_60 = arith.constant 39680 : i32
    %add3A_61 = arith.addi %mul3A_8, %add3A_60 : i32
    %add3A_62 = arith.constant 128 : i32
    %add3A_63 = arith.addi %add3A_61, %add3A_62 : i32
    %dma_wait3A_64 = tpu.memref_slice %arg3[%add3A_63] : memref<1280000xi32, #tpu.memory_space<hbm>> -> memref<128xi32, #tpu.memory_space<hbm>>
    %dma_wait3A_65 = tpu.memref_slice %arg3[%add3A_63] : memref<1280000xi32, #tpu.memory_space<hbm>> -> memref<128xi32, #tpu.memory_space<hbm>>
    tpu.wait_dma2 semaphore(%arg16 : memref<!tpu.dma_semaphore, #tpu.memory_space<semaphore_mem>>) src(%dma_wait3A_65 : memref<128xi32, #tpu.memory_space<hbm>>) dst(%arg7 : memref<128xi32, #tpu.memory_space<vmem>>)
    %add3A_66 = arith.constant 19840 : i32
    %add3A_67 = arith.addi %mul3A_6, %add3A_66 : i32
    %dma_wait3A_68 = arith.constant 0 : i32
    %dma_wait3A_69 = tpu.memref_slice %arg2[%add3A_67, %dma_wait3A_68] : memref<640000x128xf32, #tpu.memory_space<hbm>> -> memref<128x128xf32, #tpu.memory_space<hbm>>
    %dma_wait3A_70 = arith.constant 0 : i32
    %dma_wait3A_71 = tpu.memref_slice %arg2[%add3A_67, %dma_wait3A_70] : memref<640000x128xf32, #tpu.memory_space<hbm>> -> memref<128x128xf32, #tpu.memory_space<hbm>>
    tpu.wait_dma2 semaphore(%arg14 : memref<!tpu.dma_semaphore, #tpu.memory_space<semaphore_mem>>) src(%dma_wait3A_71 : memref<128x128xf32, #tpu.memory_space<hbm>>) dst(%arg10 : memref<128x128xf32, #tpu.memory_space<vmem>>)
    "tpu.region"() ({
      %run_scoped3A = tpu.sem_alloc : memref<!tpu.dma_semaphore, #tpu.memory_space<semaphore_mem>>
      %dma_start3A_89 = arith.constant 0 : i32
      %dma_start3A_90 = arith.constant 0 : i32
      %dma_start3A_91 = tpu.memref_slice %arg12[%dma_start3A_89, %dma_start3A_90] : memref<10112x128xf32, #tpu.memory_space<vmem_shared>> -> memref<10112x128xf32, #tpu.memory_space<vmem_shared>>
      tpu.enqueue_indirect_dma source(%arg10 : memref<128x128xf32, #tpu.memory_space<vmem>>) target(%dma_start3A_91 : memref<10112x128xf32, #tpu.memory_space<vmem_shared>>) offsets(%arg7 : memref<128xi32, #tpu.memory_space<vmem>>) semaphore(%run_scoped3A : memref<!tpu.dma_semaphore, #tpu.memory_space<semaphore_mem>>) {add = true}
      %dma_wait3A_92 = arith.constant 0 : i32
      %dma_wait3A_93 = arith.constant 0 : i32
      %dma_wait3A_94 = tpu.memref_slice %arg12[%dma_wait3A_92, %dma_wait3A_93] : memref<10112x128xf32, #tpu.memory_space<vmem_shared>> -> memref<10112x128xf32, #tpu.memory_space<vmem_shared>>
      tpu.wait_indirect_dma semaphore(%run_scoped3A : memref<!tpu.dma_semaphore, #tpu.memory_space<semaphore_mem>>) src(%arg10 : memref<128x128xf32, #tpu.memory_space<vmem>>) dst(%dma_wait3A_94 : memref<10112x128xf32, #tpu.memory_space<vmem_shared>>)
      tpu.yield
    }) : () -> ()
    %add3A_72 = arith.constant 39936 : i32
    %add3A_73 = arith.addi %mul3A_8, %add3A_72 : i32
    %add3A_74 = arith.constant 32 : i32
    %add3A_75 = arith.addi %add3A_73, %add3A_74 : i32
    %dma_wait3A_76 = tpu.memref_slice %arg3[%add3A_75] : memref<1280000xi32, #tpu.memory_space<hbm>> -> memref<32xi32, #tpu.memory_space<hbm>>
    %dma_wait3A_77 = tpu.memref_slice %arg3[%add3A_75] : memref<1280000xi32, #tpu.memory_space<hbm>> -> memref<32xi32, #tpu.memory_space<hbm>>
    tpu.wait_dma2 semaphore(%arg15 : memref<!tpu.dma_semaphore, #tpu.memory_space<semaphore_mem>>) src(%dma_wait3A_77 : memref<32xi32, #tpu.memory_space<hbm>>) dst(%arg8 : memref<32xi32, #tpu.memory_space<vmem>>)
    %add3A_78 = arith.constant 19968 : i32
    %add3A_79 = arith.addi %mul3A_6, %add3A_78 : i32
    %dma_wait3A_80 = arith.constant 0 : i32
    %dma_wait3A_81 = tpu.memref_slice %arg2[%add3A_79, %dma_wait3A_80] : memref<640000x128xf32, #tpu.memory_space<hbm>> -> memref<32x128xf32, #tpu.memory_space<hbm>>
    %dma_wait3A_82 = arith.constant 0 : i32
    %dma_wait3A_83 = tpu.memref_slice %arg2[%add3A_79, %dma_wait3A_82] : memref<640000x128xf32, #tpu.memory_space<hbm>> -> memref<32x128xf32, #tpu.memory_space<hbm>>
    tpu.wait_dma2 semaphore(%arg13 : memref<!tpu.dma_semaphore, #tpu.memory_space<semaphore_mem>>) src(%dma_wait3A_83 : memref<32x128xf32, #tpu.memory_space<hbm>>) dst(%arg11 : memref<32x128xf32, #tpu.memory_space<vmem>>)
    "tpu.region"() ({
      %run_scoped3A = tpu.sem_alloc : memref<!tpu.dma_semaphore, #tpu.memory_space<semaphore_mem>>
      %dma_start3A_89 = arith.constant 0 : i32
      %dma_start3A_90 = arith.constant 0 : i32
      %dma_start3A_91 = tpu.memref_slice %arg12[%dma_start3A_89, %dma_start3A_90] : memref<10112x128xf32, #tpu.memory_space<vmem_shared>> -> memref<10112x128xf32, #tpu.memory_space<vmem_shared>>
      tpu.enqueue_indirect_dma source(%arg11 : memref<32x128xf32, #tpu.memory_space<vmem>>) target(%dma_start3A_91 : memref<10112x128xf32, #tpu.memory_space<vmem_shared>>) offsets(%arg8 : memref<32xi32, #tpu.memory_space<vmem>>) semaphore(%run_scoped3A : memref<!tpu.dma_semaphore, #tpu.memory_space<semaphore_mem>>) {add = true}
      %dma_wait3A_92 = arith.constant 0 : i32
      %dma_wait3A_93 = arith.constant 0 : i32
      %dma_wait3A_94 = tpu.memref_slice %arg12[%dma_wait3A_92, %dma_wait3A_93] : memref<10112x128xf32, #tpu.memory_space<vmem_shared>> -> memref<10112x128xf32, #tpu.memory_space<vmem_shared>>
      tpu.wait_indirect_dma semaphore(%run_scoped3A : memref<!tpu.dma_semaphore, #tpu.memory_space<semaphore_mem>>) src(%arg11 : memref<32x128xf32, #tpu.memory_space<vmem>>) dst(%dma_wait3A_94 : memref<10112x128xf32, #tpu.memory_space<vmem_shared>>)
      tpu.yield
    }) : () -> ()
    %barrier3A_84 = arith.constant 0 : index
    tpu.barrier barrier_id(%barrier3A_84)
    %mul3A_85 = arith.constant 632 : i32
    %mul3A_86 = arith.muli %arg1, %mul3A_85 : i32
    %mul3A_87 = arith.constant 632 : i32
    %mul3A_88 = arith.muli %arg1, %mul3A_87 : i32
    "tpu.region"() ({
      %run_scoped3A = tpu.sem_alloc : memref<!tpu.dma_semaphore, #tpu.memory_space<semaphore_mem>>
      %dma_start3A_89 = arith.constant 0 : i32
      %dma_start3A_90 = tpu.memref_slice %arg5[%arg0, %mul3A_88, %dma_start3A_89] : memref<2x10112x128xf32, #tpu.memory_space<hbm>> -> memref<1x632x128xf32, #tpu.memory_space<hbm>>
      %dma_start3A_91 = tpu.memref_squeeze %dma_start3A_90 : memref<1x632x128xf32, #tpu.memory_space<hbm>> -> memref<632x128xf32, #tpu.memory_space<hbm>>
      %dma_start3A_92 = arith.constant 0 : i32
      %dma_start3A_93 = tpu.memref_slice %arg12[%mul3A_86, %dma_start3A_92] : memref<10112x128xf32, #tpu.memory_space<vmem_shared>> -> memref<632x128xf32, #tpu.memory_space<vmem_shared>>
      tpu.enqueue_dma source(%dma_start3A_93 : memref<632x128xf32, #tpu.memory_space<vmem_shared>>) target(%dma_start3A_91 : memref<632x128xf32, #tpu.memory_space<hbm>>) target_semaphore(%run_scoped3A : memref<!tpu.dma_semaphore, #tpu.memory_space<semaphore_mem>>)
      %dma_wait3A_94 = arith.constant 0 : i32
      %dma_wait3A_95 = tpu.memref_slice %arg5[%arg0, %mul3A_88, %dma_wait3A_94] : memref<2x10112x128xf32, #tpu.memory_space<hbm>> -> memref<1x632x128xf32, #tpu.memory_space<hbm>>
      %dma_wait3A_96 = tpu.memref_squeeze %dma_wait3A_95 : memref<1x632x128xf32, #tpu.memory_space<hbm>> -> memref<632x128xf32, #tpu.memory_space<hbm>>
      %dma_wait3A_97 = arith.constant 0 : i32
      %dma_wait3A_98 = tpu.memref_slice %arg12[%mul3A_86, %dma_wait3A_97] : memref<10112x128xf32, #tpu.memory_space<vmem_shared>> -> memref<632x128xf32, #tpu.memory_space<vmem_shared>>
      tpu.wait_dma2 semaphore(%run_scoped3A : memref<!tpu.dma_semaphore, #tpu.memory_space<semaphore_mem>>) src(%dma_wait3A_98 : memref<632x128xf32, #tpu.memory_space<vmem_shared>>) dst(%dma_wait3A_96 : memref<632x128xf32, #tpu.memory_space<hbm>>)
      tpu.yield
    }) : () -> ()
    return
  }
}

module attributes {stable_mosaic.version = 14 : i64} {
  func.func @_tc_atom_body(%arg0: memref<10000x128xf32, #tpu.memory_space<vmem>>, %arg1: memref<128x128xf32, #tpu.memory_space<vmem>>, %arg2: memref<128xf32, #tpu.memory_space<vmem>>, %arg3: memref<10000x128xf32, #tpu.memory_space<vmem>>) attributes {dimension_semantics = [], scalar_prefetch = 0 : i64, scratch_operands = 0 : i64, tpu.core_type = #tpu.core_type<tc>} {
    %get3A = arith.constant 0 : index
    %get3A_0 = arith.constant 0 : index
    %get3A_1 = vector.load %arg0[%get3A, %get3A_0] : memref<10000x128xf32, #tpu.memory_space<vmem>>, vector<10000x128xf32>
    %get3A_2 = arith.constant 0 : index
    %get3A_3 = arith.constant 0 : index
    %get3A_4 = vector.load %arg1[%get3A_2, %get3A_3] : memref<128x128xf32, #tpu.memory_space<vmem>>, vector<128x128xf32>
    %dot_general3A = arith.constant dense<0.000000e+00> : vector<10000x128xf32>
    %dot_general3A_5 = tpu.matmul %get3A_1, %get3A_4, %dot_general3A {dimension_numbers = #tpu.dot_dimension_numbers<[1], [0], [0], [1], [0, 0, 1, 1], [], []>, transpose_lhs_hint = false} : vector<10000x128xf32>, vector<128x128xf32>, vector<10000x128xf32> -> vector<10000x128xf32>
    %get3A_6 = arith.constant 0 : index
    %get3A_7 = vector.load %arg2[%get3A_6] : memref<128xf32, #tpu.memory_space<vmem>>, vector<128xf32>
    %broadcast_in_dim3A = vector.shape_cast %get3A_7 : vector<128xf32> to vector<1x128xf32>
    %add3A = vector.broadcast %broadcast_in_dim3A : vector<1x128xf32> to vector<10000x128xf32>
    %add3A_8 = arith.addf %dot_general3A_5, %add3A : vector<10000x128xf32>
    %swap3A = arith.constant 0 : index
    %swap3A_9 = arith.constant 0 : index
    %swap3A_10 = vector.load %arg3[%swap3A, %swap3A_9] : memref<10000x128xf32, #tpu.memory_space<vmem>>, vector<10000x128xf32>
    tpu.vector_store %arg3[%swap3A, %swap3A_9], %add3A_8 {strides = array<i32>} : memref<10000x128xf32, #tpu.memory_space<vmem>>, vector<10000x128xf32>,
    return
  }
}

module attributes {stable_mosaic.version = 14 : i64} {
  func.func @_tc_first_body(%arg0: memref<10000x128xf32, #tpu.memory_space<vmem>>, %arg1: memref<2x10112x128xf32, #tpu.memory_space<vmem>>, %arg2: memref<16x128xf32, #tpu.memory_space<vmem>>, %arg3: memref<128xf32, #tpu.memory_space<vmem>>, %arg4: memref<128xf32, #tpu.memory_space<vmem>>, %arg5: memref<128xf32, #tpu.memory_space<vmem>>, %arg6: memref<10000x128xf32, #tpu.memory_space<vmem>>) attributes {dimension_semantics = [], scalar_prefetch = 0 : i64, scratch_operands = 0 : i64, tpu.core_type = #tpu.core_type<tc>} {
    %get3A = arith.constant 0 : index
    %get3A_0 = arith.constant 0 : index
    %get3A_1 = arith.constant 0 : index
    %get3A_2 = vector.load %arg1[%get3A, %get3A_0, %get3A_1] : memref<2x10112x128xf32, #tpu.memory_space<vmem>>, vector<1x10000x16xf32>
    %get3A_3 = vector.shape_cast %get3A_2 : vector<1x10000x16xf32> to vector<10000x16xf32>
    %get3A_4 = arith.constant 1 : index
    %get3A_5 = arith.constant 0 : index
    %get3A_6 = arith.constant 0 : index
    %get3A_7 = vector.load %arg1[%get3A_4, %get3A_5, %get3A_6] : memref<2x10112x128xf32, #tpu.memory_space<vmem>>, vector<1x10000x16xf32>
    %get3A_8 = vector.shape_cast %get3A_7 : vector<1x10000x16xf32> to vector<10000x16xf32>
    %add3A = arith.addf %get3A_3, %get3A_8 : vector<10000x16xf32>
    %get3A_9 = arith.constant 0 : index
    %get3A_10 = arith.constant 0 : index
    %get3A_11 = arith.constant 16 : index
    %get3A_12 = vector.load %arg1[%get3A_9, %get3A_10, %get3A_11] : memref<2x10112x128xf32, #tpu.memory_space<vmem>>, vector<1x10000x1xf32>
    %get3A_13 = vector.shape_cast %get3A_12 : vector<1x10000x1xf32> to vector<10000x1xf32>
    %get3A_14 = arith.constant 1 : index
    %get3A_15 = arith.constant 0 : index
    %get3A_16 = arith.constant 16 : index
    %get3A_17 = vector.load %arg1[%get3A_14, %get3A_15, %get3A_16] : memref<2x10112x128xf32, #tpu.memory_space<vmem>>, vector<1x10000x1xf32>
    %get3A_18 = vector.shape_cast %get3A_17 : vector<1x10000x1xf32> to vector<10000x1xf32>
    %add3A_19 = arith.addf %get3A_13, %get3A_18 : vector<10000x1xf32>
    %get3A_20 = arith.constant 0 : index
    %get3A_21 = arith.constant 0 : index
    %get3A_22 = vector.load %arg2[%get3A_20, %get3A_21] : memref<16x128xf32, #tpu.memory_space<vmem>>, vector<16x128xf32>
    %dot_general3A = arith.constant dense<0.000000e+00> : vector<10000x128xf32>
    %dot_general3A_23 = tpu.matmul %add3A, %get3A_22, %dot_general3A {dimension_numbers = #tpu.dot_dimension_numbers<[1], [0], [0], [1], [0, 0, 1, 1], [], []>, transpose_lhs_hint = false} : vector<10000x16xf32>, vector<16x128xf32>, vector<10000x128xf32> -> vector<10000x128xf32>
    %get3A_24 = arith.constant 0 : index
    %get3A_25 = vector.load %arg3[%get3A_24] : memref<128xf32, #tpu.memory_space<vmem>>, vector<128xf32>
    %broadcast_in_dim3A = vector.shape_cast %get3A_25 : vector<128xf32> to vector<1x128xf32>
    %mul3A = vector.broadcast %add3A_19 : vector<10000x1xf32> to vector<10000x128xf32>
    %mul3A_26 = vector.broadcast %broadcast_in_dim3A : vector<1x128xf32> to vector<10000x128xf32>
    %mul3A_27 = arith.mulf %mul3A, %mul3A_26 : vector<10000x128xf32>
    %add3A_28 = arith.addf %dot_general3A_23, %mul3A_27 : vector<10000x128xf32>
    %get3A_29 = arith.constant 0 : index
    %get3A_30 = arith.constant 0 : index
    %get3A_31 = vector.load %arg0[%get3A_29, %get3A_30] : memref<10000x128xf32, #tpu.memory_space<vmem>>, vector<10000x128xf32>
    %add3A_32 = arith.addf %add3A_28, %get3A_31 : vector<10000x128xf32>
    %max3A = arith.constant 0.000000e+00 : f32
    %max3A_33 = vector.broadcast %max3A : f32 to vector<10000x128xf32>
    %max3A_34 = arith.maximumf %add3A_32, %max3A_33 : vector<10000x128xf32>
    %get3A_35 = arith.constant 0 : index
    %get3A_36 = vector.load %arg4[%get3A_35] : memref<128xf32, #tpu.memory_space<vmem>>, vector<128xf32>
    %get3A_37 = arith.constant 0 : index
    %get3A_38 = vector.load %arg5[%get3A_37] : memref<128xf32, #tpu.memory_space<vmem>>, vector<128xf32>
    %reduce_sum3A = arith.constant dense<0.000000e+00> : vector<128xf32>
    %reduce_sum3A_39 = vector.multi_reduction <add>, %max3A_34, %reduce_sum3A [0] : vector<10000x128xf32> to vector<128xf32>
    %div3A = arith.constant 1.000000e+04 : f32
    %div3A_40 = vector.broadcast %div3A : f32 to vector<128xf32>
    %div3A_41 = arith.divf %reduce_sum3A_39, %div3A_40 : vector<128xf32>
    %jit3A = arith.constant 0 : i32
    %reduce_sum3A_42 = arith.constant dense<0.000000e+00> : vector<128xf32>
    %reduce_sum3A_43 = vector.multi_reduction <add>, %max3A_34, %reduce_sum3A_42 [0] : vector<10000x128xf32> to vector<128xf32>
    %broadcast_in_dim3A_44 = vector.shape_cast %reduce_sum3A_43 : vector<128xf32> to vector<1x128xf32>
    %div3A_45 = arith.constant 1.000000e+04 : f32
    %div3A_46 = vector.broadcast %div3A_45 : f32 to vector<1x128xf32>
    %div3A_47 = arith.divf %broadcast_in_dim3A_44, %div3A_46 : vector<1x128xf32>
    %sub3A = vector.broadcast %div3A_47 : vector<1x128xf32> to vector<10000x128xf32>
    %sub3A_48 = arith.subf %max3A_34, %sub3A : vector<10000x128xf32>
    %square3A = arith.mulf %sub3A_48, %sub3A_48 : vector<10000x128xf32>
    %convert_element_type3A = arith.sitofp %jit3A : i32 to f32
    %sub3A_49 = arith.constant 1.000000e+04 : f32
    %sub3A_50 = arith.subf %sub3A_49, %convert_element_type3A : f32
    %reduce_sum3A_51 = arith.constant dense<0.000000e+00> : vector<128xf32>
    %reduce_sum3A_52 = vector.multi_reduction <add>, %square3A, %reduce_sum3A_51 [0] : vector<10000x128xf32> to vector<128xf32>
    %div3A_53 = vector.broadcast %sub3A_50 : f32 to vector<128xf32>
    %div3A_54 = arith.divf %reduce_sum3A_52, %div3A_53 : vector<128xf32>
    %gt3A = arith.constant 0.000000e+00 : f32
    %gt3A_55 = arith.cmpf ogt, %sub3A_50, %gt3A : f32
    %jit3A_56 = arith.constant 0x7FC00000 : f32
    %broadcast_in_dim3A_57 = vector.broadcast %jit3A_56 : f32 to vector<128xf32>
    %select_n3A = arith.select %gt3A_55, %div3A_54, %broadcast_in_dim3A_57 : vector<128xf32>
    %broadcast_in_dim3A_58 = vector.shape_cast %div3A_41 : vector<128xf32> to vector<1x128xf32>
    %sub3A_59 = vector.broadcast %broadcast_in_dim3A_58 : vector<1x128xf32> to vector<10000x128xf32>
    %sub3A_60 = arith.subf %max3A_34, %sub3A_59 : vector<10000x128xf32>
    %broadcast_in_dim3A_61 = vector.shape_cast %get3A_36 : vector<128xf32> to vector<1x128xf32>
    %mul3A_62 = vector.broadcast %broadcast_in_dim3A_61 : vector<1x128xf32> to vector<10000x128xf32>
    %mul3A_63 = arith.mulf %mul3A_62, %sub3A_60 : vector<10000x128xf32>
    %add3A_64 = arith.constant 9.99999974E-6 : f32
    %add3A_65 = vector.broadcast %add3A_64 : f32 to vector<128xf32>
    %add3A_66 = arith.addf %select_n3A, %add3A_65 : vector<128xf32>
    %rsqrt3A = math.rsqrt %add3A_66 : vector<128xf32>
    %broadcast_in_dim3A_67 = vector.shape_cast %rsqrt3A : vector<128xf32> to vector<1x128xf32>
    %mul3A_68 = vector.broadcast %broadcast_in_dim3A_67 : vector<1x128xf32> to vector<10000x128xf32>
    %mul3A_69 = arith.mulf %mul3A_63, %mul3A_68 : vector<10000x128xf32>
    %broadcast_in_dim3A_70 = vector.shape_cast %get3A_38 : vector<128xf32> to vector<1x128xf32>
    %add3A_71 = vector.broadcast %broadcast_in_dim3A_70 : vector<1x128xf32> to vector<10000x128xf32>
    %add3A_72 = arith.addf %mul3A_69, %add3A_71 : vector<10000x128xf32>
    %swap3A = arith.constant 0 : index
    %swap3A_73 = arith.constant 0 : index
    %swap3A_74 = vector.load %arg6[%swap3A, %swap3A_73] : memref<10000x128xf32, #tpu.memory_space<vmem>>, vector<10000x128xf32>
    tpu.vector_store %arg6[%swap3A, %swap3A_73], %add3A_72 {strides = array<i32>} : memref<10000x128xf32, #tpu.memory_space<vmem>>, vector<10000x128xf32>,
    return
  }
}

module attributes {stable_mosaic.version = 14 : i64} {
  func.func @_tc_bond_body(%arg0: memref<2x10112x128xf32, #tpu.memory_space<vmem>>, %arg1: memref<16x128xf32, #tpu.memory_space<vmem>>, %arg2: memref<128xf32, #tpu.memory_space<vmem>>, %arg3: memref<10000x128xf32, #tpu.memory_space<vmem>>) attributes {dimension_semantics = [], scalar_prefetch = 0 : i64, scratch_operands = 0 : i64, tpu.core_type = #tpu.core_type<tc>} {
    %get3A = arith.constant 0 : index
    %get3A_0 = arith.constant 0 : index
    %get3A_1 = arith.constant 0 : index
    %get3A_2 = vector.load %arg0[%get3A, %get3A_0, %get3A_1] : memref<2x10112x128xf32, #tpu.memory_space<vmem>>, vector<1x10000x16xf32>
    %get3A_3 = vector.shape_cast %get3A_2 : vector<1x10000x16xf32> to vector<10000x16xf32>
    %get3A_4 = arith.constant 1 : index
    %get3A_5 = arith.constant 0 : index
    %get3A_6 = arith.constant 0 : index
    %get3A_7 = vector.load %arg0[%get3A_4, %get3A_5, %get3A_6] : memref<2x10112x128xf32, #tpu.memory_space<vmem>>, vector<1x10000x16xf32>
    %get3A_8 = vector.shape_cast %get3A_7 : vector<1x10000x16xf32> to vector<10000x16xf32>
    %add3A = arith.addf %get3A_3, %get3A_8 : vector<10000x16xf32>
    %get3A_9 = arith.constant 0 : index
    %get3A_10 = arith.constant 0 : index
    %get3A_11 = arith.constant 16 : index
    %get3A_12 = vector.load %arg0[%get3A_9, %get3A_10, %get3A_11] : memref<2x10112x128xf32, #tpu.memory_space<vmem>>, vector<1x10000x1xf32>
    %get3A_13 = vector.shape_cast %get3A_12 : vector<1x10000x1xf32> to vector<10000x1xf32>
    %get3A_14 = arith.constant 1 : index
    %get3A_15 = arith.constant 0 : index
    %get3A_16 = arith.constant 16 : index
    %get3A_17 = vector.load %arg0[%get3A_14, %get3A_15, %get3A_16] : memref<2x10112x128xf32, #tpu.memory_space<vmem>>, vector<1x10000x1xf32>
    %get3A_18 = vector.shape_cast %get3A_17 : vector<1x10000x1xf32> to vector<10000x1xf32>
    %add3A_19 = arith.addf %get3A_13, %get3A_18 : vector<10000x1xf32>
    %get3A_20 = arith.constant 0 : index
    %get3A_21 = arith.constant 0 : index
    %get3A_22 = vector.load %arg1[%get3A_20, %get3A_21] : memref<16x128xf32, #tpu.memory_space<vmem>>, vector<16x128xf32>
    %dot_general3A = arith.constant dense<0.000000e+00> : vector<10000x128xf32>
    %dot_general3A_23 = tpu.matmul %add3A, %get3A_22, %dot_general3A {dimension_numbers = #tpu.dot_dimension_numbers<[1], [0], [0], [1], [0, 0, 1, 1], [], []>, transpose_lhs_hint = false} : vector<10000x16xf32>, vector<16x128xf32>, vector<10000x128xf32> -> vector<10000x128xf32>
    %get3A_24 = arith.constant 0 : index
    %get3A_25 = vector.load %arg2[%get3A_24] : memref<128xf32, #tpu.memory_space<vmem>>, vector<128xf32>
    %broadcast_in_dim3A = vector.shape_cast %get3A_25 : vector<128xf32> to vector<1x128xf32>
    %mul3A = vector.broadcast %add3A_19 : vector<10000x1xf32> to vector<10000x128xf32>
    %mul3A_26 = vector.broadcast %broadcast_in_dim3A : vector<1x128xf32> to vector<10000x128xf32>
    %mul3A_27 = arith.mulf %mul3A, %mul3A_26 : vector<10000x128xf32>
    %add3A_28 = arith.addf %dot_general3A_23, %mul3A_27 : vector<10000x128xf32>
    %swap3A = arith.constant 0 : index
    %swap3A_29 = arith.constant 0 : index
    %swap3A_30 = vector.load %arg3[%swap3A, %swap3A_29] : memref<10000x128xf32, #tpu.memory_space<vmem>>, vector<10000x128xf32>
    tpu.vector_store %arg3[%swap3A, %swap3A_29], %add3A_28 {strides = array<i32>} : memref<10000x128xf32, #tpu.memory_space<vmem>>, vector<10000x128xf32>,
    return
  }
}

module attributes {stable_mosaic.version = 14 : i64} {
  func.func @_tc_layer_body(%arg0: memref<2x10112x128xf32, #tpu.memory_space<vmem>>, %arg1: memref<10000x128xf32, #tpu.memory_space<vmem>>, %arg2: memref<10000x128xf32, #tpu.memory_space<vmem>>, %arg3: memref<128x128xf32, #tpu.memory_space<vmem>>, %arg4: memref<128xf32, #tpu.memory_space<vmem>>, %arg5: memref<128x128xf32, #tpu.memory_space<vmem>>, %arg6: memref<128xf32, #tpu.memory_space<vmem>>, %arg7: memref<128xf32, #tpu.memory_space<vmem>>, %arg8: memref<128xf32, #tpu.memory_space<vmem>>, %arg9: memref<128xf32, #tpu.memory_space<vmem>>, %arg10: memref<128xf32, #tpu.memory_space<vmem>>, %arg11: memref<10000x128xf32, #tpu.memory_space<vmem>>) attributes {dimension_semantics = [], scalar_prefetch = 0 : i64, scratch_operands = 0 : i64, tpu.core_type = #tpu.core_type<tc>} {
    %get3A = arith.constant 0 : index
    %get3A_0 = arith.constant 0 : index
    %get3A_1 = arith.constant 0 : index
    %get3A_2 = vector.load %arg0[%get3A, %get3A_0, %get3A_1] : memref<2x10112x128xf32, #tpu.memory_space<vmem>>, vector<1x10000x128xf32>
    %get3A_3 = vector.shape_cast %get3A_2 : vector<1x10000x128xf32> to vector<10000x128xf32>
    %get3A_4 = arith.constant 1 : index
    %get3A_5 = arith.constant 0 : index
    %get3A_6 = arith.constant 0 : index
    %get3A_7 = vector.load %arg0[%get3A_4, %get3A_5, %get3A_6] : memref<2x10112x128xf32, #tpu.memory_space<vmem>>, vector<1x10000x128xf32>
    %get3A_8 = vector.shape_cast %get3A_7 : vector<1x10000x128xf32> to vector<10000x128xf32>
    %add3A = arith.addf %get3A_3, %get3A_8 : vector<10000x128xf32>
    %get3A_9 = arith.constant 0 : index
    %get3A_10 = arith.constant 0 : index
    %get3A_11 = vector.load %arg3[%get3A_9, %get3A_10] : memref<128x128xf32, #tpu.memory_space<vmem>>, vector<128x128xf32>
    %dot_general3A = arith.constant dense<0.000000e+00> : vector<10000x128xf32>
    %dot_general3A_12 = tpu.matmul %add3A, %get3A_11, %dot_general3A {dimension_numbers = #tpu.dot_dimension_numbers<[1], [0], [0], [1], [0, 0, 1, 1], [], []>, transpose_lhs_hint = false} : vector<10000x128xf32>, vector<128x128xf32>, vector<10000x128xf32> -> vector<10000x128xf32>
    %get3A_13 = arith.constant 0 : index
    %get3A_14 = vector.load %arg4[%get3A_13] : memref<128xf32, #tpu.memory_space<vmem>>, vector<128xf32>
    %broadcast_in_dim3A = vector.shape_cast %get3A_14 : vector<128xf32> to vector<1x128xf32>
    %add3A_15 = vector.broadcast %broadcast_in_dim3A : vector<1x128xf32> to vector<10000x128xf32>
    %add3A_16 = arith.addf %dot_general3A_12, %add3A_15 : vector<10000x128xf32>
    %get3A_17 = arith.constant 0 : index
    %get3A_18 = arith.constant 0 : index
    %get3A_19 = vector.load %arg1[%get3A_17, %get3A_18] : memref<10000x128xf32, #tpu.memory_space<vmem>>, vector<10000x128xf32>
    %add3A_20 = arith.addf %add3A_16, %get3A_19 : vector<10000x128xf32>
    %max3A = arith.constant 0.000000e+00 : f32
    %max3A_21 = vector.broadcast %max3A : f32 to vector<10000x128xf32>
    %max3A_22 = arith.maximumf %add3A_20, %max3A_21 : vector<10000x128xf32>
    %get3A_23 = arith.constant 0 : index
    %get3A_24 = vector.load %arg7[%get3A_23] : memref<128xf32, #tpu.memory_space<vmem>>, vector<128xf32>
    %get3A_25 = arith.constant 0 : index
    %get3A_26 = vector.load %arg8[%get3A_25] : memref<128xf32, #tpu.memory_space<vmem>>, vector<128xf32>
    %reduce_sum3A = arith.constant dense<0.000000e+00> : vector<128xf32>
    %reduce_sum3A_27 = vector.multi_reduction <add>, %max3A_22, %reduce_sum3A [0] : vector<10000x128xf32> to vector<128xf32>
    %div3A = arith.constant 1.000000e+04 : f32
    %div3A_28 = vector.broadcast %div3A : f32 to vector<128xf32>
    %div3A_29 = arith.divf %reduce_sum3A_27, %div3A_28 : vector<128xf32>
    %jit3A = arith.constant 0 : i32
    %reduce_sum3A_30 = arith.constant dense<0.000000e+00> : vector<128xf32>
    %reduce_sum3A_31 = vector.multi_reduction <add>, %max3A_22, %reduce_sum3A_30 [0] : vector<10000x128xf32> to vector<128xf32>
    %broadcast_in_dim3A_32 = vector.shape_cast %reduce_sum3A_31 : vector<128xf32> to vector<1x128xf32>
    %div3A_33 = arith.constant 1.000000e+04 : f32
    %div3A_34 = vector.broadcast %div3A_33 : f32 to vector<1x128xf32>
    %div3A_35 = arith.divf %broadcast_in_dim3A_32, %div3A_34 : vector<1x128xf32>
    %sub3A = vector.broadcast %div3A_35 : vector<1x128xf32> to vector<10000x128xf32>
    %sub3A_36 = arith.subf %max3A_22, %sub3A : vector<10000x128xf32>
    %square3A = arith.mulf %sub3A_36, %sub3A_36 : vector<10000x128xf32>
    %convert_element_type3A = arith.sitofp %jit3A : i32 to f32
    %sub3A_37 = arith.constant 1.000000e+04 : f32
    %sub3A_38 = arith.subf %sub3A_37, %convert_element_type3A : f32
    %reduce_sum3A_39 = arith.constant dense<0.000000e+00> : vector<128xf32>
    %reduce_sum3A_40 = vector.multi_reduction <add>, %square3A, %reduce_sum3A_39 [0] : vector<10000x128xf32> to vector<128xf32>
    %div3A_41 = vector.broadcast %sub3A_38 : f32 to vector<128xf32>
    %div3A_42 = arith.divf %reduce_sum3A_40, %div3A_41 : vector<128xf32>
    %gt3A = arith.constant 0.000000e+00 : f32
    %gt3A_43 = arith.cmpf ogt, %sub3A_38, %gt3A : f32
    %jit3A_44 = arith.constant 0x7FC00000 : f32
    %broadcast_in_dim3A_45 = vector.broadcast %jit3A_44 : f32 to vector<128xf32>
    %select_n3A = arith.select %gt3A_43, %div3A_42, %broadcast_in_dim3A_45 : vector<128xf32>
    %broadcast_in_dim3A_46 = vector.shape_cast %div3A_29 : vector<128xf32> to vector<1x128xf32>
    %sub3A_47 = vector.broadcast %broadcast_in_dim3A_46 : vector<1x128xf32> to vector<10000x128xf32>
    %sub3A_48 = arith.subf %max3A_22, %sub3A_47 : vector<10000x128xf32>
    %broadcast_in_dim3A_49 = vector.shape_cast %get3A_24 : vector<128xf32> to vector<1x128xf32>
    %mul3A = vector.broadcast %broadcast_in_dim3A_49 : vector<1x128xf32> to vector<10000x128xf32>
    %mul3A_50 = arith.mulf %mul3A, %sub3A_48 : vector<10000x128xf32>
    %add3A_51 = arith.constant 9.99999974E-6 : f32
    %add3A_52 = vector.broadcast %add3A_51 : f32 to vector<128xf32>
    %add3A_53 = arith.addf %select_n3A, %add3A_52 : vector<128xf32>
    %rsqrt3A = math.rsqrt %add3A_53 : vector<128xf32>
    %broadcast_in_dim3A_54 = vector.shape_cast %rsqrt3A : vector<128xf32> to vector<1x128xf32>
    %mul3A_55 = vector.broadcast %broadcast_in_dim3A_54 : vector<1x128xf32> to vector<10000x128xf32>
    %mul3A_56 = arith.mulf %mul3A_50, %mul3A_55 : vector<10000x128xf32>
    %broadcast_in_dim3A_57 = vector.shape_cast %get3A_26 : vector<128xf32> to vector<1x128xf32>
    %add3A_58 = vector.broadcast %broadcast_in_dim3A_57 : vector<1x128xf32> to vector<10000x128xf32>
    %add3A_59 = arith.addf %mul3A_56, %add3A_58 : vector<10000x128xf32>
    %get3A_60 = arith.constant 0 : index
    %get3A_61 = arith.constant 0 : index
    %get3A_62 = vector.load %arg5[%get3A_60, %get3A_61] : memref<128x128xf32, #tpu.memory_space<vmem>>, vector<128x128xf32>
    %dot_general3A_63 = arith.constant dense<0.000000e+00> : vector<10000x128xf32>
    %dot_general3A_64 = tpu.matmul %add3A_59, %get3A_62, %dot_general3A_63 {dimension_numbers = #tpu.dot_dimension_numbers<[1], [0], [0], [1], [0, 0, 1, 1], [], []>, transpose_lhs_hint = false} : vector<10000x128xf32>, vector<128x128xf32>, vector<10000x128xf32> -> vector<10000x128xf32>
    %get3A_65 = arith.constant 0 : index
    %get3A_66 = vector.load %arg6[%get3A_65] : memref<128xf32, #tpu.memory_space<vmem>>, vector<128xf32>
    %broadcast_in_dim3A_67 = vector.shape_cast %get3A_66 : vector<128xf32> to vector<1x128xf32>
    %add3A_68 = vector.broadcast %broadcast_in_dim3A_67 : vector<1x128xf32> to vector<10000x128xf32>
    %add3A_69 = arith.addf %dot_general3A_64, %add3A_68 : vector<10000x128xf32>
    %get3A_70 = arith.constant 0 : index
    %get3A_71 = arith.constant 0 : index
    %get3A_72 = vector.load %arg2[%get3A_70, %get3A_71] : memref<10000x128xf32, #tpu.memory_space<vmem>>, vector<10000x128xf32>
    %add3A_73 = arith.addf %add3A_69, %get3A_72 : vector<10000x128xf32>
    %max3A_74 = arith.constant 0.000000e+00 : f32
    %max3A_75 = vector.broadcast %max3A_74 : f32 to vector<10000x128xf32>
    %max3A_76 = arith.maximumf %add3A_73, %max3A_75 : vector<10000x128xf32>
    %get3A_77 = arith.constant 0 : index
    %get3A_78 = vector.load %arg9[%get3A_77] : memref<128xf32, #tpu.memory_space<vmem>>, vector<128xf32>
    %get3A_79 = arith.constant 0 : index
    %get3A_80 = vector.load %arg10[%get3A_79] : memref<128xf32, #tpu.memory_space<vmem>>, vector<128xf32>
    %reduce_sum3A_81 = arith.constant dense<0.000000e+00> : vector<128xf32>
    %reduce_sum3A_82 = vector.multi_reduction <add>, %max3A_76, %reduce_sum3A_81 [0] : vector<10000x128xf32> to vector<128xf32>
    %div3A_83 = arith.constant 1.000000e+04 : f32
    %div3A_84 = vector.broadcast %div3A_83 : f32 to vector<128xf32>
    %div3A_85 = arith.divf %reduce_sum3A_82, %div3A_84 : vector<128xf32>
    %jit3A_86 = arith.constant 0 : i32
    %reduce_sum3A_87 = arith.constant dense<0.000000e+00> : vector<128xf32>
    %reduce_sum3A_88 = vector.multi_reduction <add>, %max3A_76, %reduce_sum3A_87 [0] : vector<10000x128xf32> to vector<128xf32>
    %broadcast_in_dim3A_89 = vector.shape_cast %reduce_sum3A_88 : vector<128xf32> to vector<1x128xf32>
    %div3A_90 = arith.constant 1.000000e+04 : f32
    %div3A_91 = vector.broadcast %div3A_90 : f32 to vector<1x128xf32>
    %div3A_92 = arith.divf %broadcast_in_dim3A_89, %div3A_91 : vector<1x128xf32>
    %sub3A_93 = vector.broadcast %div3A_92 : vector<1x128xf32> to vector<10000x128xf32>
    %sub3A_94 = arith.subf %max3A_76, %sub3A_93 : vector<10000x128xf32>
    %square3A_95 = arith.mulf %sub3A_94, %sub3A_94 : vector<10000x128xf32>
    %convert_element_type3A_96 = arith.sitofp %jit3A_86 : i32 to f32
    %sub3A_97 = arith.constant 1.000000e+04 : f32
    %sub3A_98 = arith.subf %sub3A_97, %convert_element_type3A_96 : f32
    %reduce_sum3A_99 = arith.constant dense<0.000000e+00> : vector<128xf32>
    %reduce_sum3A_100 = vector.multi_reduction <add>, %square3A_95, %reduce_sum3A_99 [0] : vector<10000x128xf32> to vector<128xf32>
    %div3A_101 = vector.broadcast %sub3A_98 : f32 to vector<128xf32>
    %div3A_102 = arith.divf %reduce_sum3A_100, %div3A_101 : vector<128xf32>
    %gt3A_103 = arith.constant 0.000000e+00 : f32
    %gt3A_104 = arith.cmpf ogt, %sub3A_98, %gt3A_103 : f32
    %jit3A_105 = arith.constant 0x7FC00000 : f32
    %broadcast_in_dim3A_106 = vector.broadcast %jit3A_105 : f32 to vector<128xf32>
    %select_n3A_107 = arith.select %gt3A_104, %div3A_102, %broadcast_in_dim3A_106 : vector<128xf32>
    %broadcast_in_dim3A_108 = vector.shape_cast %div3A_85 : vector<128xf32> to vector<1x128xf32>
    %sub3A_109 = vector.broadcast %broadcast_in_dim3A_108 : vector<1x128xf32> to vector<10000x128xf32>
    %sub3A_110 = arith.subf %max3A_76, %sub3A_109 : vector<10000x128xf32>
    %broadcast_in_dim3A_111 = vector.shape_cast %get3A_78 : vector<128xf32> to vector<1x128xf32>
    %mul3A_112 = vector.broadcast %broadcast_in_dim3A_111 : vector<1x128xf32> to vector<10000x128xf32>
    %mul3A_113 = arith.mulf %mul3A_112, %sub3A_110 : vector<10000x128xf32>
    %add3A_114 = arith.constant 9.99999974E-6 : f32
    %add3A_115 = vector.broadcast %add3A_114 : f32 to vector<128xf32>
    %add3A_116 = arith.addf %select_n3A_107, %add3A_115 : vector<128xf32>
    %rsqrt3A_117 = math.rsqrt %add3A_116 : vector<128xf32>
    %broadcast_in_dim3A_118 = vector.shape_cast %rsqrt3A_117 : vector<128xf32> to vector<1x128xf32>
    %mul3A_119 = vector.broadcast %broadcast_in_dim3A_118 : vector<1x128xf32> to vector<10000x128xf32>
    %mul3A_120 = arith.mulf %mul3A_113, %mul3A_119 : vector<10000x128xf32>
    %broadcast_in_dim3A_121 = vector.shape_cast %get3A_80 : vector<128xf32> to vector<1x128xf32>
    %add3A_122 = vector.broadcast %broadcast_in_dim3A_121 : vector<1x128xf32> to vector<10000x128xf32>
    %add3A_123 = arith.addf %mul3A_120, %add3A_122 : vector<10000x128xf32>
    %swap3A = arith.constant 0 : index
    %swap3A_124 = arith.constant 0 : index
    %swap3A_125 = vector.load %arg11[%swap3A, %swap3A_124] : memref<10000x128xf32, #tpu.memory_space<vmem>>, vector<10000x128xf32>
    tpu.vector_store %arg11[%swap3A, %swap3A_124], %add3A_123 {strides = array<i32>} : memref<10000x128xf32, #tpu.memory_space<vmem>>, vector<10000x128xf32>,
    return
  }
}

module attributes {stable_mosaic.version = 14 : i64} {
  func.func @_tc_layer_body(%arg0: memref<2x10112x128xf32, #tpu.memory_space<vmem>>, %arg1: memref<10000x128xf32, #tpu.memory_space<vmem>>, %arg2: memref<10000x128xf32, #tpu.memory_space<vmem>>, %arg3: memref<128x128xf32, #tpu.memory_space<vmem>>, %arg4: memref<128xf32, #tpu.memory_space<vmem>>, %arg5: memref<128x128xf32, #tpu.memory_space<vmem>>, %arg6: memref<128xf32, #tpu.memory_space<vmem>>, %arg7: memref<128xf32, #tpu.memory_space<vmem>>, %arg8: memref<128xf32, #tpu.memory_space<vmem>>, %arg9: memref<128xf32, #tpu.memory_space<vmem>>, %arg10: memref<128xf32, #tpu.memory_space<vmem>>, %arg11: memref<10000x128xf32, #tpu.memory_space<vmem>>) attributes {dimension_semantics = [], scalar_prefetch = 0 : i64, scratch_operands = 0 : i64, tpu.core_type = #tpu.core_type<tc>} {
    %get3A = arith.constant 0 : index
    %get3A_0 = arith.constant 0 : index
    %get3A_1 = arith.constant 0 : index
    %get3A_2 = vector.load %arg0[%get3A, %get3A_0, %get3A_1] : memref<2x10112x128xf32, #tpu.memory_space<vmem>>, vector<1x10000x128xf32>
    %get3A_3 = vector.shape_cast %get3A_2 : vector<1x10000x128xf32> to vector<10000x128xf32>
    %get3A_4 = arith.constant 1 : index
    %get3A_5 = arith.constant 0 : index
    %get3A_6 = arith.constant 0 : index
    %get3A_7 = vector.load %arg0[%get3A_4, %get3A_5, %get3A_6] : memref<2x10112x128xf32, #tpu.memory_space<vmem>>, vector<1x10000x128xf32>
    %get3A_8 = vector.shape_cast %get3A_7 : vector<1x10000x128xf32> to vector<10000x128xf32>
    %add3A = arith.addf %get3A_3, %get3A_8 : vector<10000x128xf32>
    %get3A_9 = arith.constant 0 : index
    %get3A_10 = arith.constant 0 : index
    %get3A_11 = vector.load %arg3[%get3A_9, %get3A_10] : memref<128x128xf32, #tpu.memory_space<vmem>>, vector<128x128xf32>
    %dot_general3A = arith.constant dense<0.000000e+00> : vector<10000x128xf32>
    %dot_general3A_12 = tpu.matmul %add3A, %get3A_11, %dot_general3A {dimension_numbers = #tpu.dot_dimension_numbers<[1], [0], [0], [1], [0, 0, 1, 1], [], []>, transpose_lhs_hint = false} : vector<10000x128xf32>, vector<128x128xf32>, vector<10000x128xf32> -> vector<10000x128xf32>
    %get3A_13 = arith.constant 0 : index
    %get3A_14 = vector.load %arg4[%get3A_13] : memref<128xf32, #tpu.memory_space<vmem>>, vector<128xf32>
    %broadcast_in_dim3A = vector.shape_cast %get3A_14 : vector<128xf32> to vector<1x128xf32>
    %add3A_15 = vector.broadcast %broadcast_in_dim3A : vector<1x128xf32> to vector<10000x128xf32>
    %add3A_16 = arith.addf %dot_general3A_12, %add3A_15 : vector<10000x128xf32>
    %get3A_17 = arith.constant 0 : index
    %get3A_18 = arith.constant 0 : index
    %get3A_19 = vector.load %arg1[%get3A_17, %get3A_18] : memref<10000x128xf32, #tpu.memory_space<vmem>>, vector<10000x128xf32>
    %add3A_20 = arith.addf %add3A_16, %get3A_19 : vector<10000x128xf32>
    %max3A = arith.constant 0.000000e+00 : f32
    %max3A_21 = vector.broadcast %max3A : f32 to vector<10000x128xf32>
    %max3A_22 = arith.maximumf %add3A_20, %max3A_21 : vector<10000x128xf32>
    %get3A_23 = arith.constant 0 : index
    %get3A_24 = vector.load %arg7[%get3A_23] : memref<128xf32, #tpu.memory_space<vmem>>, vector<128xf32>
    %get3A_25 = arith.constant 0 : index
    %get3A_26 = vector.load %arg8[%get3A_25] : memref<128xf32, #tpu.memory_space<vmem>>, vector<128xf32>
    %reduce_sum3A = arith.constant dense<0.000000e+00> : vector<128xf32>
    %reduce_sum3A_27 = vector.multi_reduction <add>, %max3A_22, %reduce_sum3A [0] : vector<10000x128xf32> to vector<128xf32>
    %div3A = arith.constant 1.000000e+04 : f32
    %div3A_28 = vector.broadcast %div3A : f32 to vector<128xf32>
    %div3A_29 = arith.divf %reduce_sum3A_27, %div3A_28 : vector<128xf32>
    %jit3A = arith.constant 0 : i32
    %reduce_sum3A_30 = arith.constant dense<0.000000e+00> : vector<128xf32>
    %reduce_sum3A_31 = vector.multi_reduction <add>, %max3A_22, %reduce_sum3A_30 [0] : vector<10000x128xf32> to vector<128xf32>
    %broadcast_in_dim3A_32 = vector.shape_cast %reduce_sum3A_31 : vector<128xf32> to vector<1x128xf32>
    %div3A_33 = arith.constant 1.000000e+04 : f32
    %div3A_34 = vector.broadcast %div3A_33 : f32 to vector<1x128xf32>
    %div3A_35 = arith.divf %broadcast_in_dim3A_32, %div3A_34 : vector<1x128xf32>
    %sub3A = vector.broadcast %div3A_35 : vector<1x128xf32> to vector<10000x128xf32>
    %sub3A_36 = arith.subf %max3A_22, %sub3A : vector<10000x128xf32>
    %square3A = arith.mulf %sub3A_36, %sub3A_36 : vector<10000x128xf32>
    %convert_element_type3A = arith.sitofp %jit3A : i32 to f32
    %sub3A_37 = arith.constant 1.000000e+04 : f32
    %sub3A_38 = arith.subf %sub3A_37, %convert_element_type3A : f32
    %reduce_sum3A_39 = arith.constant dense<0.000000e+00> : vector<128xf32>
    %reduce_sum3A_40 = vector.multi_reduction <add>, %square3A, %reduce_sum3A_39 [0] : vector<10000x128xf32> to vector<128xf32>
    %div3A_41 = vector.broadcast %sub3A_38 : f32 to vector<128xf32>
    %div3A_42 = arith.divf %reduce_sum3A_40, %div3A_41 : vector<128xf32>
    %gt3A = arith.constant 0.000000e+00 : f32
    %gt3A_43 = arith.cmpf ogt, %sub3A_38, %gt3A : f32
    %jit3A_44 = arith.constant 0x7FC00000 : f32
    %broadcast_in_dim3A_45 = vector.broadcast %jit3A_44 : f32 to vector<128xf32>
    %select_n3A = arith.select %gt3A_43, %div3A_42, %broadcast_in_dim3A_45 : vector<128xf32>
    %broadcast_in_dim3A_46 = vector.shape_cast %div3A_29 : vector<128xf32> to vector<1x128xf32>
    %sub3A_47 = vector.broadcast %broadcast_in_dim3A_46 : vector<1x128xf32> to vector<10000x128xf32>
    %sub3A_48 = arith.subf %max3A_22, %sub3A_47 : vector<10000x128xf32>
    %broadcast_in_dim3A_49 = vector.shape_cast %get3A_24 : vector<128xf32> to vector<1x128xf32>
    %mul3A = vector.broadcast %broadcast_in_dim3A_49 : vector<1x128xf32> to vector<10000x128xf32>
    %mul3A_50 = arith.mulf %mul3A, %sub3A_48 : vector<10000x128xf32>
    %add3A_51 = arith.constant 9.99999974E-6 : f32
    %add3A_52 = vector.broadcast %add3A_51 : f32 to vector<128xf32>
    %add3A_53 = arith.addf %select_n3A, %add3A_52 : vector<128xf32>
    %rsqrt3A = math.rsqrt %add3A_53 : vector<128xf32>
    %broadcast_in_dim3A_54 = vector.shape_cast %rsqrt3A : vector<128xf32> to vector<1x128xf32>
    %mul3A_55 = vector.broadcast %broadcast_in_dim3A_54 : vector<1x128xf32> to vector<10000x128xf32>
    %mul3A_56 = arith.mulf %mul3A_50, %mul3A_55 : vector<10000x128xf32>
    %broadcast_in_dim3A_57 = vector.shape_cast %get3A_26 : vector<128xf32> to vector<1x128xf32>
    %add3A_58 = vector.broadcast %broadcast_in_dim3A_57 : vector<1x128xf32> to vector<10000x128xf32>
    %add3A_59 = arith.addf %mul3A_56, %add3A_58 : vector<10000x128xf32>
    %get3A_60 = arith.constant 0 : index
    %get3A_61 = arith.constant 0 : index
    %get3A_62 = vector.load %arg5[%get3A_60, %get3A_61] : memref<128x128xf32, #tpu.memory_space<vmem>>, vector<128x128xf32>
    %dot_general3A_63 = arith.constant dense<0.000000e+00> : vector<10000x128xf32>
    %dot_general3A_64 = tpu.matmul %add3A_59, %get3A_62, %dot_general3A_63 {dimension_numbers = #tpu.dot_dimension_numbers<[1], [0], [0], [1], [0, 0, 1, 1], [], []>, transpose_lhs_hint = false} : vector<10000x128xf32>, vector<128x128xf32>, vector<10000x128xf32> -> vector<10000x128xf32>
    %get3A_65 = arith.constant 0 : index
    %get3A_66 = vector.load %arg6[%get3A_65] : memref<128xf32, #tpu.memory_space<vmem>>, vector<128xf32>
    %broadcast_in_dim3A_67 = vector.shape_cast %get3A_66 : vector<128xf32> to vector<1x128xf32>
    %add3A_68 = vector.broadcast %broadcast_in_dim3A_67 : vector<1x128xf32> to vector<10000x128xf32>
    %add3A_69 = arith.addf %dot_general3A_64, %add3A_68 : vector<10000x128xf32>
    %get3A_70 = arith.constant 0 : index
    %get3A_71 = arith.constant 0 : index
    %get3A_72 = vector.load %arg2[%get3A_70, %get3A_71] : memref<10000x128xf32, #tpu.memory_space<vmem>>, vector<10000x128xf32>
    %add3A_73 = arith.addf %add3A_69, %get3A_72 : vector<10000x128xf32>
    %max3A_74 = arith.constant 0.000000e+00 : f32
    %max3A_75 = vector.broadcast %max3A_74 : f32 to vector<10000x128xf32>
    %max3A_76 = arith.maximumf %add3A_73, %max3A_75 : vector<10000x128xf32>
    %get3A_77 = arith.constant 0 : index
    %get3A_78 = vector.load %arg9[%get3A_77] : memref<128xf32, #tpu.memory_space<vmem>>, vector<128xf32>
    %get3A_79 = arith.constant 0 : index
    %get3A_80 = vector.load %arg10[%get3A_79] : memref<128xf32, #tpu.memory_space<vmem>>, vector<128xf32>
    %reduce_sum3A_81 = arith.constant dense<0.000000e+00> : vector<128xf32>
    %reduce_sum3A_82 = vector.multi_reduction <add>, %max3A_76, %reduce_sum3A_81 [0] : vector<10000x128xf32> to vector<128xf32>
    %div3A_83 = arith.constant 1.000000e+04 : f32
    %div3A_84 = vector.broadcast %div3A_83 : f32 to vector<128xf32>
    %div3A_85 = arith.divf %reduce_sum3A_82, %div3A_84 : vector<128xf32>
    %jit3A_86 = arith.constant 0 : i32
    %reduce_sum3A_87 = arith.constant dense<0.000000e+00> : vector<128xf32>
    %reduce_sum3A_88 = vector.multi_reduction <add>, %max3A_76, %reduce_sum3A_87 [0] : vector<10000x128xf32> to vector<128xf32>
    %broadcast_in_dim3A_89 = vector.shape_cast %reduce_sum3A_88 : vector<128xf32> to vector<1x128xf32>
    %div3A_90 = arith.constant 1.000000e+04 : f32
    %div3A_91 = vector.broadcast %div3A_90 : f32 to vector<1x128xf32>
    %div3A_92 = arith.divf %broadcast_in_dim3A_89, %div3A_91 : vector<1x128xf32>
    %sub3A_93 = vector.broadcast %div3A_92 : vector<1x128xf32> to vector<10000x128xf32>
    %sub3A_94 = arith.subf %max3A_76, %sub3A_93 : vector<10000x128xf32>
    %square3A_95 = arith.mulf %sub3A_94, %sub3A_94 : vector<10000x128xf32>
    %convert_element_type3A_96 = arith.sitofp %jit3A_86 : i32 to f32
    %sub3A_97 = arith.constant 1.000000e+04 : f32
    %sub3A_98 = arith.subf %sub3A_97, %convert_element_type3A_96 : f32
    %reduce_sum3A_99 = arith.constant dense<0.000000e+00> : vector<128xf32>
    %reduce_sum3A_100 = vector.multi_reduction <add>, %square3A_95, %reduce_sum3A_99 [0] : vector<10000x128xf32> to vector<128xf32>
    %div3A_101 = vector.broadcast %sub3A_98 : f32 to vector<128xf32>
    %div3A_102 = arith.divf %reduce_sum3A_100, %div3A_101 : vector<128xf32>
    %gt3A_103 = arith.constant 0.000000e+00 : f32
    %gt3A_104 = arith.cmpf ogt, %sub3A_98, %gt3A_103 : f32
    %jit3A_105 = arith.constant 0x7FC00000 : f32
    %broadcast_in_dim3A_106 = vector.broadcast %jit3A_105 : f32 to vector<128xf32>
    %select_n3A_107 = arith.select %gt3A_104, %div3A_102, %broadcast_in_dim3A_106 : vector<128xf32>
    %broadcast_in_dim3A_108 = vector.shape_cast %div3A_85 : vector<128xf32> to vector<1x128xf32>
    %sub3A_109 = vector.broadcast %broadcast_in_dim3A_108 : vector<1x128xf32> to vector<10000x128xf32>
    %sub3A_110 = arith.subf %max3A_76, %sub3A_109 : vector<10000x128xf32>
    %broadcast_in_dim3A_111 = vector.shape_cast %get3A_78 : vector<128xf32> to vector<1x128xf32>
    %mul3A_112 = vector.broadcast %broadcast_in_dim3A_111 : vector<1x128xf32> to vector<10000x128xf32>
    %mul3A_113 = arith.mulf %mul3A_112, %sub3A_110 : vector<10000x128xf32>
    %add3A_114 = arith.constant 9.99999974E-6 : f32
    %add3A_115 = vector.broadcast %add3A_114 : f32 to vector<128xf32>
    %add3A_116 = arith.addf %select_n3A_107, %add3A_115 : vector<128xf32>
    %rsqrt3A_117 = math.rsqrt %add3A_116 : vector<128xf32>
    %broadcast_in_dim3A_118 = vector.shape_cast %rsqrt3A_117 : vector<128xf32> to vector<1x128xf32>
    %mul3A_119 = vector.broadcast %broadcast_in_dim3A_118 : vector<1x128xf32> to vector<10000x128xf32>
    %mul3A_120 = arith.mulf %mul3A_113, %mul3A_119 : vector<10000x128xf32>
    %broadcast_in_dim3A_121 = vector.shape_cast %get3A_80 : vector<128xf32> to vector<1x128xf32>
    %add3A_122 = vector.broadcast %broadcast_in_dim3A_121 : vector<1x128xf32> to vector<10000x128xf32>
    %add3A_123 = arith.addf %mul3A_120, %add3A_122 : vector<10000x128xf32>
    %swap3A = arith.constant 0 : index
    %swap3A_124 = arith.constant 0 : index
    %swap3A_125 = vector.load %arg11[%swap3A, %swap3A_124] : memref<10000x128xf32, #tpu.memory_space<vmem>>, vector<10000x128xf32>
    tpu.vector_store %arg11[%swap3A, %swap3A_124], %add3A_123 {strides = array<i32>} : memref<10000x128xf32, #tpu.memory_space<vmem>>, vector<10000x128xf32>,
    return
  }
}

</mosaic_0001>

<sc_bundles>
// kernel: kernel.14.cloned.1.call-start
scs
__scs_entry_jumppad:
0x0: {  	(pc) =	sbr.rel $0x88, $3  }
0x1: {  	(tag) =	ssettag $0x0;
	lr =	simm.s32 $0x1  }
0x2: {  	[smem:$0x3F7A] =	sst lr;
	_ =	strace $0xD0000000  }
0x3: {  	_ = 	snop  }
0x4: {  	_ = 	snop  }
0x5: {  	_ = 	snop  }
0x6: {  	_ = 	snop  }
0x7: {  	_ = 	snop  }
__scs_overlays_trampoline_lowered:
0x8: {  	[smem:$0x3F89] =	sst s0  }
0x9: {  	[smem:$0x3F8A] =	sst s1  }
0xa: {  	[smem:$0x3F8B] =	sst s2  }
0xb: {  	[smem:$0x3F8C] =	sst s3  }
0xc: {  	[smem:$0x3F8D] =	sst s4  }
0xd: {  	[smem:$0x3F8E] =	sst s5  }
0xe: {  	[smem:$0x3F8F] =	sst s6  }
0xf: {  	[smem:$0x3F90] =	sst s7  }
0x10: {  	[smem:$0x3F91] =	sst s8  }
0x11: {  	[smem:$0x3F92] =	sst s9;
	s0 =	simm.s32 @!p0 $0x0  }
0x12: {  	s1 =	sld [smem:$0x3F78];
	s0 =	simm.s32 @p0 $0x1  }
0x13: {  	[smem:$0x3F93] =	sst s0;
	s0 =	simm.s32 @!p1 $0x0  }
0x14: {  	s2 =	sld [smem:$0x3F77];
	s0 =	simm.s32 @p1 $0x1  }
0x15: {  	[smem:$0x3F94] =	sst s0;
	s0 =	simm.s32 @!p2 $0x0  }
0x16: {  	s3 =	sld [smem:$0x3FDB];
	s0 =	simm.s32 @p2 $0x1  }
0x17: {  	s4 =	simm.s32 $0x1BF5;
	[smem:$0x3F96] =	sst s0  }
0x18: {  	s0 =	sld [smem:$0x3F79];
	_ =	swait.ge [sflag:s4], $0x0  }
0x19: {  	s7 =	sld [smem:$0x3F7A]  }
0x1a: {  	s8 =	sadd.s32 $0xFFFFE003, lr  }
0x1b: {  	s9 =	sadd.s32 $0xFFFFFEF7, lr;
	s5 =	simm.s32 $0xFFFFFFFF;
	p2 =	slt.u32 s8, $0xFFFFF086  }
0x1c: {  	p1 =	slt.u32 s9, $0xF7A;
	s5 =	simm.s32 @!p2 $0x0  }
0x1d: {  	s5 =	simm.s32 @p1 $0x1;
	p0 =	seq.s32 s7, s2  }
0x1e: {  	s7 =	smul.u32 @!p0 $0xF7A, s2;
	p2 =	seq.s32 @!p0 s5, $0x0  }
0x1f: {  	s9 =	smul.u32 $0xF7A, s1;
	s8 =	simm.s32 @!p0 $0x1BF5;
	p2 =	por !p2, p0  }
0x20: {  	[sflag:s8] =	ssyncset.s32 @!p0 $0xFFFFF086;
	s6 =	sadd.s32 @!p0 s3, s7;
	s7 =	simm.s32 @!p0 $0x108  }
0x21: {  	s3 =	sadd.s32 s3, s9;
	s6 =	sadd.s32 @!p0 $0x88, s6;
	s7 =	simm.s32 @p2 $0x1082  }
0x22: {  	[simem:s7], [sflag:s8] =	dma.local @!p0 [hbm:s6], $0xF7A  }
0x23: {  	s9 =	sor.u32 $0xD0000000, s2;
	s6 =	simm.s32 $0x108;
	_ =	swait.ge @!p0 [sflag:s8], $0x0  }
0x24: {  	s3 =	sadd.s32 $0x88, s3;
	s6 =	simm.s32 @!p1 $0x1082;
	[sflag:s4] =	ssyncset.s32 $0xFFFFF086  }
0x25: {  	[simem:s6], [sflag:s4] =	dma.local [hbm:s3], $0xF7A  }
0x26: {  	[smem:$0x3F7A] =	sst s1;
	(tag) =	ssettag s2;
	_ =	strace s9  }
0x27: {  	s1 =	sld [smem:$0x3F8A]  }
0x28: {  	s2 =	sld [smem:$0x3F8B]  }
0x29: {  	s4 =	sld [smem:$0x3F8D]  }
0x2a: {  	p0 =	seq.s32 s5, $0x0;
	s5 =	sld [smem:$0x3F8E]  }
0x2b: {  	s6 =	sld [smem:$0x3F8F]  }
0x2c: {  	s7 =	sld [smem:$0x3F90]  }
0x2d: {  	s3 =	simm.s32 $0x108;
	s8 =	sld [smem:$0x3F91]  }
0x2e: {  	s3 =	simm.s32 @!p0 $0x1082;
	s9 =	sld [smem:$0x3F92]  }
0x2f: {  	lr =	sadd.s32 s0, s3;
	s0 =	sld [smem:$0x3F89]  }
0x30: {  	s3 =	sld [smem:$0x3F8C]  }
0x31: {  	[smem:$0x3F95] =	sst s10  }
0x32: {  	s10 =	sld [smem:$0x3F93];
	_ =	sdelay $0x3  }
0x33: {  	p0 =	seq.s32 s10, $0x1;
	s10 =	sld [smem:$0x3F95];
	_ =	sdelay $0x3  }
0x34: {  	[smem:$0x3F95] =	sst s10  }
0x35: {  	s10 =	sld [smem:$0x3F94];
	_ =	sdelay $0x3  }
0x36: {  	p1 =	seq.s32 s10, $0x1;
	s10 =	sld [smem:$0x3F95];
	_ =	sdelay $0x3  }
0x37: {  	[smem:$0x3F95] =	sst s10  }
0x38: {  	s10 =	sld [smem:$0x3F96]  }
0x39: {  	_ = 	snop;
	(pc) =	sbr.ind lr, $3  }
0x3a: {  	_ = 	snop  }
0x3b: {  	_ = 	snop  }
0x3c: {  	p2 =	seq.s32 s10, $0x1;
	s10 =	sld [smem:$0x3F95]  }
0x3d: {  	_ =	shalt  }
0x3e: {  	_ =	shalt  }
0x3f: {  	_ =	shalt  }
0x40: {  	_ =	shalt  }
0x41: {  	_ =	shalt  }
0x42: {  	_ =	shalt  }
0x43: {  	_ =	shalt  }
0x44: {  	_ =	shalt  }
0x45: {  	_ =	shalt  }
0x46: {  	_ =	shalt  }
0x47: {  	_ =	shalt  }
0x48: {  	_ =	shalt  }
0x49: {  	_ =	shalt  }
0x4a: {  	_ =	shalt  }
0x4b: {  	_ =	shalt  }
0x4c: {  	_ =	shalt  }
0x4d: {  	_ =	shalt  }
0x4e: {  	_ =	shalt  }
0x4f: {  	_ =	shalt  }
0x50: {  	_ =	shalt  }
0x51: {  	_ =	shalt  }
0x52: {  	_ =	shalt  }
0x53: {  	_ =	shalt  }
0x54: {  	_ =	shalt  }
0x55: {  	_ =	shalt  }
0x56: {  	_ =	shalt  }
0x57: {  	_ =	shalt  }
0x58: {  	_ =	shalt  }
0x59: {  	_ =	shalt  }
0x5a: {  	_ =	shalt  }
0x5b: {  	_ =	shalt  }
0x5c: {  	_ =	shalt  }
0x5d: {  	_ =	shalt  }
0x5e: {  	_ =	shalt  }
0x5f: {  	_ =	shalt  }
0x60: {  	_ =	shalt  }
0x61: {  	_ =	shalt  }
0x62: {  	_ =	shalt  }
0x63: {  	_ =	shalt  }
0x64: {  	_ =	shalt  }
0x65: {  	_ =	shalt  }
0x66: {  	_ =	shalt  }
0x67: {  	_ =	shalt  }
0x68: {  	_ =	shalt  }
0x69: {  	_ =	shalt  }
0x6a: {  	_ =	shalt  }
0x6b: {  	_ =	shalt  }
0x6c: {  	_ =	shalt  }
0x6d: {  	_ =	shalt  }
0x6e: {  	_ =	shalt  }
0x6f: {  	_ =	shalt  }
0x70: {  	_ =	shalt  }
0x71: {  	_ =	shalt  }
0x72: {  	_ =	shalt  }
0x73: {  	_ =	shalt  }
0x74: {  	_ =	shalt  }
0x75: {  	_ =	shalt  }
0x76: {  	_ =	shalt  }
0x77: {  	_ =	shalt  }
0x78: {  	_ =	shalt  }
0x79: {  	_ =	shalt  }
0x7a: {  	_ =	shalt  }
0x7b: {  	_ =	shalt  }
0x7c: {  	_ =	shalt  }
0x7d: {  	_ =	shalt  }
0x7e: {  	_ =	shalt  }
0x7f: {  	_ =	shalt  }
0x80: {  	_ =	shalt  }
0x81: {  	_ =	shalt  }
0x82: {  	_ =	shalt  }
0x83: {  	_ =	shalt  }
0x84: {  	_ =	shalt  }
0x85: {  	_ =	shalt  }
0x86: {  	_ =	shalt  }
0x87: {  	_ =	shalt  }
.Lfunc_end0:
.L_simem_size_0:
called_computation_lowered:
.L_overlay_start_0:
0x88: {  	s2 =	sld [smem:$0x3FD9]  }
0x89: {  	s3 =	sld [smem:$0x3FFE];
	_ =	sdelay $0x1  }
0x8a: {  	s1 =	srdreg.scid  }
0x8b: {  	s0 =	sand.u32 $0x1, s1  }
0x8c: {  	s17 =	sshll.u32 s0, $0xA;
	s2 =	sadd.s32 s3, s2  }
0x8d: {  	s2 =	sadd.s32 s2, s17  }
0x8e: {  	[smem:$0x3FA1] =	sst s2  }
0x8f: {  	_ = 	snop  }
0x90: {  	s2 =	sld [smem:$0x3FD0];
	(tm) =	ssettm $0x1  }
0x91: {  	s18 =	sld [smem:$0x3FFB];
	_ =	sdelay $0x3  }
0x92: {  	_ =	strace s18  }
0x93: {  	s3 =	sld [smem:$0x3FFC];
	_ =	sdelay $0x3  }
0x94: {  	_ =	strace s3  }
0x95: {  	s3 =	sld [smem:$0x3FFD];
	_ =	sdelay $0x3  }
0x96: {  	_ =	strace s3  }
0x97: {  	_ =	strace $0x8FFFFFFF  }
0x98: {  	s19 =	sld [smem:$0x3FDB];
	_ =	sdelay $0x1  }
0x99: {  	s4 =	simm.s32 $_scs_section_size  }
0x9a: {  	s5 =	simm.s32 $_size__tile_overlayer_lowered;
	s6 =	simm.s32 $_tile_overlayer_lowered  }
0x9b: {  	s22 =	simm.s32 $0x1BFF;
	s21 =	sshll.u32 s6, $0x1;
	s3 =	sadd.s32 s4, s19  }
0x9c: {  	s7 =	simm.s32 $0x0;
	s20 =	sshll.u32 s5, $0x1;
	s5 =	sadd.s32 s21, s3  }
0x9d: {  	[timem:s7], [sflag:s22] =	dma.local [hbm:s5], s20  }
0x9e: {  	_ =	swait.ge [sflag:s22], s20  }
0x9f: {  	s4 =	ssub.s32 $0x0, s20;
	[sflag:s22] =	ssyncset.done $0x0  }
0xa0: {  	[sflag:s22] =	ssyncadd.s32 s4;
	_ =	sdelay $0x1  }
0xa1: {  	s23 =	simm.s32 $0x1B8B  }
0xa2: {  	_ =	swait.ge [sflag:s23], $0x1  }
0xa3: {  	[sflag:s23] =	ssyncset.done $0x0  }
0xa4: {  	s25 =	simm.s32 $0x1B8E;
	s24 =	sld [smem:$0x3FFE];
	[sflag:s23] =	ssyncadd.s32 $0xFFFFFFFF  }
0xa5: {  	s26 =	simm.s32 $execute0_lowered;
	[smem:$0x3FD2] =	sst s25  }
0xa6: {  	s5 =	sshll.u32 s26, $0x1;
	_ =	strace $0x80000046;
	[dreg:$0x1] =	wrdreg $0xFFFFFFFF  }
0xa7: {  	s28 =	simm.s32 $_size_execute0_lowered;
	s3 =	sadd.s32 s3, s5;
	[dreg:$0x0] =	wrdreg $0x0  }
0xa8: {  	s5 =	sshll.u32 s28, $0x1;
	[dreg:$0x2] =	wrdreg s3  }
0xa9: {  	[dreg:$0x3] =	wrdreg s5  }
0xaa: {  	[dreg:$0x4] =	wrdreg $0xC0  }
0xab: {  	_ =	task [dreg:s7], $0x5FFFF  }
0xac: {  	[dreg:$0x1] =	wrdreg $0xFFFFFFFF  }
0xad: {  	[dreg:$0x0] =	wrdreg $0x60  }
0xae: {  	[dreg:$0x2] =	wrdreg s24  }
0xaf: {  	[dreg:$0x3] =	wrdreg s2  }
0xb0: {  	[dreg:$0x4] =	wrdreg $0x91800  }
0xb1: {  	[dreg:$0x5] =	wrdreg $0x9  }
0xb2: {  	_ =	task.clear_ibuf [dreg:s7], $0x6FFFF;
	_ =	strace $0x90000046  }
0xb3: {  	s29 =	simm.s32 $0x9;
	_ =	strace $0x80000048  }
0xb4: {  	_ =	swait.ge [sflag:s29], $0x1  }
0xb5: {  	[sflag:s29] =	ssyncadd.s32 $0xFFFFFFFF  }
0xb6: {  	_ =	strace $0x90000048  }
0xb7: {  	_ =	sfence  }
0xb8: {  	s30 =	sld [smem:$0x0];
	_ =	sdelay $0x2  }
0xb9: {  	s31 =	sshll.u32 s1, $0xD;
	s1 =	sshrl.u32 s1, $0x2  }
0xba: {  	s3 =	sand.u32 $0x4000, s31;
	s1 =	sadd.s32 s1, s30  }
0xbb: {  	s0 =	sor.u32 s3, s0;
	s1 =	sshll.u32 s1, $0x11  }
0xbc: {  	s0 =	sor.u32 s1, s0  }
0xbd: {  	s0 =	sadd.s32 $0x8F2B, s0  }
0xbe: {  	[sflag:s0] =	ssyncadd.remote.s32 $0x1  }
0xbf: {  	_ =	sfence.sel $0xFFFF  }
0xc0: {  	[dreg:$0x0] =	wrdreg $0xFFFFFFFF;
	(pc) =	sbr.abs _section_cstart, $3  }
0xc1: {  	[dreg:$0x1] =	wrdreg $0xFFFFFFFF  }
0xc2: {  	_ =	task.clear_ibuf [dreg:s7], $0x2FFFF;
	_ =	strace $0x9FFFFFFF  }
0xc3: {  	(tm) =	ssettm $0x7FFFFFFF  }
tec
execute0_lowered:
.L_overlay_start_1:
0x0: {  	(tag) =	ssettag $0x1  }
0x1: {  	s0 =	rddreg [dreg:$0x0]  }
0x2: {  	s1 =	rddreg [dreg:$0x1]  }
0x3: {  	s2 =	rddreg [dreg:$0x2];
	s13 =	stileid.u32  }
0x4: {  	s4 =	srdreg.scid;
	s3 =	simm.s32 $0x0;
	s5 =	smul.u32 $0x13C00, s13  }
0x5: {  	s28 =	simm.s32 $0x2;
	s29 =	simm.s32 $0x100;
	s9 =	smul.u32 $0x4F000, s13  }
0x6: {  	s30 =	simm.s32 $0x8180;
	s7 =	sand.u32 $0x1, s4;
	s15 =	smul.u32 $0x271000, s13  }
0x7: {  	[smem:$0x7FF] =	sst s3;
	s4 =	sadd.s32 $0x9DF800, s0;
	s6 =	smul.u32 $0x13C000, s7  }
0x8: {  	s18 =	sshll.u32 s13, $0x6;
	_ =	strace $0x80000047;
	s14 =	smul.u32 $0x2710000, s7  }
0x9: {  	s26 =	sshll.u32 s7, $0x4;
	s31 =	ssub.s32 $0x2, s7;
	s7 =	smul.u32 $0x9C400, s7  }
0xa: {  	s8 =	sshrl.u32 s5, $0x3;
	s10 =	sshrl.u32 s31, $0x1;
	s9 =	sshrl.u32 s9, $0x2  }
0xb: {  	s8 =	sadd.s32 s8, s0;
	s5 =	sadd.s32 s5, s6;
	s6 =	sor.u32 s13, s26  }
0xc: {  	s19 =	sadd.s32 s9, s2;
	s23 =	sadd.s32 s15, s14;
	s11 =	smul.u32 $0x9C40, s6  }
0xd: {  	s5 =	sshrl.u32 s5, $0x3;
	s12 =	smul.u32 $0x4E200, s6;
	s8 =	sadd.s32 $0x7E00, s8  }
0xe: {  	s17 =	smul.u32 $0x271000, s6;
	s6 =	sor.u32 $0x1C05, s18;
	s24 =	sadd.s32 $0x4000, s23  }
0xf: {  	s19 =	sshrl.u32 s19, $0x3;
	s0 =	sadd.s32 s5, s0;
	s5 =	ssub.s32 s31, s10  }
0x10: {  	[dreg:$0x4] =	wrdreg s8;
	s16 =	sshrl.u32 s11, $0x3;
	s20 =	sadd.s32 s4, s12  }
0x11: {  	s10 =	sshrl.u32 s17, $0x3;
	s14 =	smax.u32 s5, $0x1;
	s5 =	sshrl.u32 s24, $0x3  }
0x12: {  	s17 =	sadd.s32 $0x8000, s23;
	s23 =	simm.s32 $0x4180;
	s24 =	simm.s32 $0x3  }
0x13: {  	s11 =	sadd.s32 s1, s16;
	[dreg:$0x6] =	wrdreg s20;
	s12 =	sadd.s32 s4, s10  }
0x14: {  	s16 =	smul.u32 $0x9C40, s13;
	s13 =	sadd.s32 $0x2F600, s0;
	s15 =	sadd.s32 s5, s4  }
0x15: {  	s20 =	simm.s32 $0x5;
	s0 =	simm.s32 $0x0;
	s8 =	sadd.s32 $0x10, s11  }
0x16: {  	s21 =	sadd.s32 $0x1370, s11;
	s22 =	sadd.s32 $0x4D800, s12;
	[dreg:$0x5] =	wrdreg s8  }
0x17: {  	s11 =	sadd.s32 $0x1384, s11;
	s12 =	sadd.s32 $0x4E000, s12;
	[dreg:$0x7] =	wrdreg s21  }
0x18: {  	[dreg:$0x8] =	wrdreg s22;
	s7 =	sadd.s32 s16, s7;
	s21 =	simm.s32 $0x180  }
0x19: {  	s22 =	simm.s32 $0x80;
	s25 =	sadd.s32 $0x180, s7;
	s7 =	sadd.s32 $0x280, s7  }
0x1a: {  	s26 =	sshrl.u32 s25, $0x3;
	s31 =	sshrl.u32 s7, $0x3;
	s25 =	simm.s32 $0x1  }
0x1b: {  	s16 =	sadd.s32 s26, s1;
	s18 =	sadd.s32 s31, s1;
	s26 =	simm.s32 $0x4  }
.LBB2_1:
0x1c: {  	s1 =	rddreg [dreg:$0x4]  }
0x1d: {  	[spmem:s19], [sflag:s6] =	dma.local [hbm:s1], $0x2780  }
0x1e: {  	_ =	swait.ge [sflag:s20], $0x2780  }
0x1f: {  	[sflag:s20] =	ssyncset.done $0x0  }
0x20: {  	[sflag:s20] =	ssyncadd.s32 $0xFFFFD880  }
0x21: {  	[bflag:$0x0] =	sbarrier.arrive $0xFFFF  }
0x22: {  	s5 =	rddreg [dreg:$0x5]  }
0x23: {  	[tilespmem:s3], [sflag:$0x3] =	stream.linear.gather [hbm4b:s5+s3], $0x80, $0x38;
	[tilespmem:$0x1CD80] =	vst v63  }
0x24: {  	s7 =	rddreg [dreg:$0x6]  }
0x25: {  	[tilespmem:s21], [sflag:$0x1] =	stream.linear.gather [hbm4b:s7+s3], $0x4000, $0x38;
	[tilespmem:$0x1CD80] =	vst v63  }
0x26: {  	s8 =	sadd.s32 $0x0, s16  }
0x27: {  	[tilespmem:s22], [sflag:$0x4] =	stream.linear.gather [hbm4b:s8+s3], $0x80, $0x38;
	[tilespmem:$0x1CD80] =	vst v63  }
0x28: {  	_ = 	snop  }
0x29: {  	[tilespmem:s23], [sflag:$0x2] =	stream.linear.gather [hbm4b:s15+s3], $0x4000, $0x38;
	[tilespmem:$0x1CD80] =	vst v63  }
0x2a: {  	_ =	swait.ge [sflag:s24], $0x80  }
0x2b: {  	[sflag:s24] =	ssyncset.done $0x0  }
0x2c: {  	[sflag:s24] =	ssyncadd.s32 $0xFFFFFF80  }
0x2d: {  	_ =	swait.ge [sflag:s25], $0x4000  }
0x2e: {  	[sflag:s25] =	ssyncset.done $0x0  }
0x2f: {  	[sflag:s25] =	ssyncadd.s32 $0xFFFFC000  }
0x30: {  	[spmem:s2] =	stream.indirect.scatter.add.f32 [tilespmem:s21], [sflag:$0x5], $0x80, s3, s22, $0xb8;
	[tilespmem:$0x1CD80] =	vst v63  }
0x31: {  	_ =	swait.ge [sflag:s20], $0x4000  }
0x32: {  	[sflag:s20] =	ssyncset.done $0x0  }
0x33: {  	s9 =	sadd.s32 $0x0, s18;
	s5 =	sshrl.u32 s17, $0x3;
	[sflag:s20] =	ssyncadd.s32 $0xFFFFC000  }
0x34: {  	[tilespmem:s3], [sflag:$0x3] =	stream.linear.gather [hbm4b:s9+s3], $0x80, $0x38;
	[tilespmem:$0x1CD80] =	vst v63  }
0x35: {  	s10 =	sadd.s32 s4, s5  }
0x36: {  	[tilespmem:s21], [sflag:$0x1] =	stream.linear.gather [hbm4b:s10+s3], $0x4000, $0x38;
	[tilespmem:$0x1CD80] =	vst v63  }
0x37: {  	_ =	swait.ge [sflag:s26], $0x80  }
0x38: {  	[sflag:s26] =	ssyncset.done $0x0  }
0x39: {  	[sflag:s26] =	ssyncadd.s32 $0xFFFFFF80  }
0x3a: {  	_ =	swait.ge [sflag:s28], $0x4000  }
0x3b: {  	[sflag:s28] =	ssyncset.done $0x0  }
0x3c: {  	[sflag:s28] =	ssyncadd.s32 $0xFFFFC000  }
0x3d: {  	[spmem:s2] =	stream.indirect.scatter.add.f32 [tilespmem:s23], [sflag:$0x5], $0x80, s22, s22, $0xb8;
	[tilespmem:$0x1CD80] =	vst v63  }
0x3e: {  	s31 =	simm.s32 $0x40;
	s1 =	sadd.s32 $0x8000, s17;
	_ =	swait.ge [sflag:s20], $0x4000  }
0x3f: {  	s5 =	sadd.s32 $0x1000, s15;
	s7 =	simm.s32 $0x80;
	[sflag:s20] =	ssyncset.done $0x0  }
.LBB2_2:
0x40: {  	s8 =	sadd.s32 s31, s16  }
0x41: {  	[sflag:s20] =	ssyncadd.s32 $0xFFFFC000;
	s9 =	smov.u32 s7;
	s10 =	sadd.s32 $0x40, s7  }
0x42: {  	[tilespmem:s22], [sflag:$0x4] =	stream.linear.gather [hbm4b:s8+s3], $0x80, $0x38;
	[tilespmem:$0x1CD80] =	vst v63  }
0x43: {  	p0 =	sne.s32 s7, $0x1300  }
0x44: {  	[tilespmem:s23], [sflag:$0x2] =	stream.linear.gather [hbm4b:s5+s3], $0x4000, $0x38;
	[tilespmem:$0x1CD80] =	vst v63  }
0x45: {  	_ =	swait.ge [sflag:s24], $0x80  }
0x46: {  	[sflag:s24] =	ssyncset.done $0x0  }
0x47: {  	[sflag:s24] =	ssyncadd.s32 $0xFFFFFF80  }
0x48: {  	_ =	swait.ge [sflag:s25], $0x4000  }
0x49: {  	[sflag:s25] =	ssyncset.done $0x0  }
0x4a: {  	[sflag:s25] =	ssyncadd.s32 $0xFFFFC000  }
0x4b: {  	[spmem:s2] =	stream.indirect.scatter.add.f32 [tilespmem:s21], [sflag:$0x5], $0x80, s3, s22, $0xb8;
	[tilespmem:$0x1CD80] =	vst v63  }
0x4c: {  	_ =	swait.ge [sflag:s20], $0x4000  }
0x4d: {  	[sflag:s20] =	ssyncset.done $0x0  }
0x4e: {  	s7 =	sadd.s32 s31, s18;
	s8 =	sshrl.u32 s1, $0x3;
	[sflag:s20] =	ssyncadd.s32 $0xFFFFC000  }
0x4f: {  	[tilespmem:s3], [sflag:$0x3] =	stream.linear.gather [hbm4b:s7+s3], $0x80, $0x38;
	[tilespmem:$0x1CD80] =	vst v63  }
0x50: {  	s31 =	smov.u32 s9;
	s7 =	sadd.s32 s4, s8  }
0x51: {  	[tilespmem:s21], [sflag:$0x1] =	stream.linear.gather [hbm4b:s7+s3], $0x4000, $0x38;
	[tilespmem:$0x1CD80] =	vst v63  }
0x52: {  	_ =	swait.ge [sflag:s26], $0x80  }
0x53: {  	[sflag:s26] =	ssyncset.done $0x0  }
0x54: {  	[sflag:s26] =	ssyncadd.s32 $0xFFFFFF80  }
0x55: {  	_ =	swait.ge [sflag:s28], $0x4000  }
.Ltmp0:
0x56: {  	[sflag:s28] =	ssyncset.done $0x0;
	(pc) =	sbr.rel @p0 .LBB2_2-.Ltmp0, $4  }
0x57: {  	[sflag:s28] =	ssyncadd.s32 $0xFFFFC000  }
0x58: {  	[spmem:s2] =	stream.indirect.scatter.add.f32 [tilespmem:s23], [sflag:$0x5], $0x80, s22, s22, $0xb8;
	[tilespmem:$0x1CD80] =	vst v63  }
0x59: {  	s1 =	sadd.s32 $0x8000, s1;
	_ =	swait.ge [sflag:s20], $0x4000  }
0x5a: {  	s5 =	sadd.s32 $0x1000, s5;
	s7 =	smov.u32 s10;
	[sflag:s20] =	ssyncset.done $0x0  }
0x5b: {  	s7 =	sadd.s32 s31, s16;
	[sflag:s20] =	ssyncadd.s32 $0xFFFFC000  }
0x5c: {  	[tilespmem:s22], [sflag:$0x4] =	stream.linear.gather [hbm4b:s7+s3], $0x80, $0x38;
	[tilespmem:$0x1CD80] =	vst v63  }
0x5d: {  	_ = 	snop  }
0x5e: {  	[tilespmem:s23], [sflag:$0x2] =	stream.linear.gather [hbm4b:s5+s3], $0x4000, $0x38;
	[tilespmem:$0x1CD80] =	vst v63  }
0x5f: {  	_ =	swait.ge [sflag:s24], $0x80  }
0x60: {  	[sflag:s24] =	ssyncset.done $0x0  }
0x61: {  	[sflag:s24] =	ssyncadd.s32 $0xFFFFFF80  }
0x62: {  	_ =	swait.ge [sflag:s25], $0x4000  }
0x63: {  	[sflag:s25] =	ssyncset.done $0x0  }
0x64: {  	[sflag:s25] =	ssyncadd.s32 $0xFFFFC000  }
0x65: {  	[spmem:s2] =	stream.indirect.scatter.add.f32 [tilespmem:s21], [sflag:$0x5], $0x80, s3, s22, $0xb8;
	[tilespmem:$0x1CD80] =	vst v63  }
0x66: {  	_ =	swait.ge [sflag:s20], $0x4000  }
0x67: {  	[sflag:s20] =	ssyncset.done $0x0  }
0x68: {  	s8 =	sadd.s32 s31, s18;
	s1 =	sshrl.u32 s1, $0x3;
	[sflag:s20] =	ssyncadd.s32 $0xFFFFC000  }
0x69: {  	[tilespmem:s3], [sflag:$0x3] =	stream.linear.gather [hbm4b:s8+s3], $0x80, $0x38;
	[tilespmem:$0x1CD80] =	vst v63  }
0x6a: {  	s1 =	sadd.s32 s4, s1  }
0x6b: {  	[tilespmem:s21], [sflag:$0x1] =	stream.linear.gather [hbm4b:s1+s3], $0x4000, $0x38;
	[tilespmem:$0x1CD80] =	vst v63  }
0x6c: {  	_ =	swait.ge [sflag:s26], $0x80  }
0x6d: {  	[sflag:s26] =	ssyncset.done $0x0  }
0x6e: {  	[sflag:s26] =	ssyncadd.s32 $0xFFFFFF80  }
0x6f: {  	_ =	swait.ge [sflag:s28], $0x4000  }
0x70: {  	[sflag:s28] =	ssyncset.done $0x0  }
0x71: {  	[sflag:s28] =	ssyncadd.s32 $0xFFFFC000  }
0x72: {  	[spmem:s2] =	stream.indirect.scatter.add.f32 [tilespmem:s23], [sflag:$0x5], $0x80, s22, s22, $0xb8;
	[tilespmem:$0x1CD80] =	vst v63  }
0x73: {  	_ =	swait.ge [sflag:s20], $0x4000  }
0x74: {  	[sflag:s20] =	ssyncset.done $0x0  }
0x75: {  	s9 =	rddreg [dreg:$0x7];
	[sflag:s20] =	ssyncadd.s32 $0xFFFFC000  }
0x76: {  	[tilespmem:s22], [sflag:$0x4] =	stream.linear.gather [hbm4b:s9+s3], $0x80, $0x38;
	[tilespmem:$0x1CD80] =	vst v63  }
0x77: {  	s10 =	rddreg [dreg:$0x8]  }
0x78: {  	[tilespmem:s23], [sflag:$0x2] =	stream.linear.gather [hbm4b:s10+s3], $0x4000, $0x38;
	[tilespmem:$0x1CD80] =	vst v63  }
0x79: {  	_ =	swait.ge [sflag:s24], $0x80  }
0x7a: {  	[sflag:s24] =	ssyncset.done $0x0  }
0x7b: {  	[sflag:s24] =	ssyncadd.s32 $0xFFFFFF80  }
0x7c: {  	_ =	swait.ge [sflag:s25], $0x4000  }
0x7d: {  	[sflag:s25] =	ssyncset.done $0x0  }
0x7e: {  	[sflag:s25] =	ssyncadd.s32 $0xFFFFC000  }
0x7f: {  	[spmem:s2] =	stream.indirect.scatter.add.f32 [tilespmem:s21], [sflag:$0x5], $0x80, s3, s22, $0xb8;
	[tilespmem:$0x1CD80] =	vst v63  }
0x80: {  	_ =	swait.ge [sflag:s20], $0x4000  }
0x81: {  	[sflag:s20] =	ssyncset.done $0x0  }
0x82: {  	[sflag:s20] =	ssyncadd.s32 $0xFFFFC000  }
0x83: {  	[tilespmem:s29], [sflag:$0x3] =	stream.linear.gather [hbm4b:s11+s3], $0x20, $0x38;
	[tilespmem:$0x1CD80] =	vst v63  }
0x84: {  	_ = 	snop  }
0x85: {  	[tilespmem:s30], [sflag:$0x1] =	stream.linear.gather [hbm4b:s12+s3], $0x1000, $0x38;
	[tilespmem:$0x1CD80] =	vst v63  }
0x86: {  	_ =	swait.ge [sflag:s26], $0x80  }
0x87: {  	[sflag:s26] =	ssyncset.done $0x0  }
0x88: {  	[sflag:s26] =	ssyncadd.s32 $0xFFFFFF80  }
0x89: {  	_ =	swait.ge [sflag:s28], $0x4000  }
0x8a: {  	[sflag:s28] =	ssyncset.done $0x0  }
0x8b: {  	[sflag:s28] =	ssyncadd.s32 $0xFFFFC000  }
0x8c: {  	[spmem:s2] =	stream.indirect.scatter.add.f32 [tilespmem:s23], [sflag:$0x5], $0x80, s22, s22, $0xb8;
	[tilespmem:$0x1CD80] =	vst v63  }
0x8d: {  	_ =	swait.ge [sflag:s20], $0x4000  }
0x8e: {  	[sflag:s20] =	ssyncset.done $0x0  }
0x8f: {  	[sflag:s20] =	ssyncadd.s32 $0xFFFFC000  }
0x90: {  	_ =	swait.ge [sflag:s24], $0x20  }
0x91: {  	[sflag:s24] =	ssyncset.done $0x0  }
0x92: {  	[sflag:s24] =	ssyncadd.s32 $0xFFFFFFE0  }
0x93: {  	_ =	swait.ge [sflag:s25], $0x1000  }
0x94: {  	[sflag:s25] =	ssyncset.done $0x0  }
0x95: {  	s31 =	simm.s32 $0x20;
	[sflag:s25] =	ssyncadd.s32 $0xFFFFF000  }
0x96: {  	[spmem:s2] =	stream.indirect.scatter.add.f32 [tilespmem:s30], [sflag:$0x5], $0x80, s29, s31, $0xb8;
	[tilespmem:$0x1CD80] =	vst v63  }
0x97: {  	_ =	swait.ge [sflag:s20], $0x1000  }
0x98: {  	s0 =	sadd.s32 $0x1, s0;
	[sflag:s20] =	ssyncset.done $0x0  }
0x99: {  	p0 =	sne.s32 s0, s14;
	[sflag:s20] =	ssyncadd.s32 $0xFFFFF000  }
.Ltmp1:
0x9a: {  	[bflag:$0x0] =	sbarrier.arrive $0xFFFF;
	(pc) =	sbr.rel @p0 .LBB2_1-.Ltmp1, $4  }
0x9b: {  	[hbm:s13], [sflag:s6] =	dma.local [spmem:s19], $0x2780  }
0x9c: {  	_ =	swait.ge [sflag:s20], $0x2780  }
0x9d: {  	[sflag:s20] =	ssyncset.done $0x0  }
0x9e: {  	[sflag:s20] =	ssyncadd.s32 $0xFFFFD880  }
0x9f: {  	_ =	sfence.sel $0x180000  }
0xa0: {  	[bflag:$0x0] =	sbarrier.arrive $0xFFFF  }
0xa1: {  	_ =	strace $0x90000047  }
0xa2: {  	s0 =	stileid.u32;
	[bflag:$0x2] =	sbarrier.arrive $0xFFFF  }
0xa3: {  	p0 =	sne.s32 s0, $0x0;
	s0 =	rddreg [dreg:$0x3]  }
0xa4: {  	s0 =	sadd.s32 @!p0 $0x100000, s0  }
0xa5: {  	[sflag:s0] =	ssyncadd.tile.s32 @!p0 $0x1;
	_ =	shalt  }
.Lfunc_end2:
_tile_overlayer_lowered:
.L_overlay_start_2:
0xa6: {  	(tag) =	ssettag $0x2  }
0xa7: {  	s0 =	rddreg [dreg:$0x0];
	s2 =	stileid.u32  }
0xa8: {  	s1 =	rddreg [dreg:$0x1];
	p0 =	sne.s32 s2, $0x0  }
0xa9: {  	s3 =	rddreg [dreg:$0x2];
	[bflag:$0x3] =	sbarrier.arrive $0xFFFF;
	s2 =	simm.s32 @!p0 $0x1C05  }
0xaa: {  	[timem:s3], [sflag:s2] =	dma.local @!p0 [hbm:s0], s1  }
0xab: {  	s0 =	simm.s32 @!p0 $0x5  }
0xac: {  	_ =	swait.ge @!p0 [sflag:s0], s1  }
0xad: {  	s1 =	ssub.s32 @!p0 $0x0, s1;
	[sflag:s0] =	ssyncset.done @!p0 $0x0  }
0xae: {  	[sflag:s0] =	ssyncadd.s32 @!p0 s1  }
0xaf: {  	[bflag:$0x3] =	sbarrier.arrive $0xFFFF  }
0xb0: {  	_ =	shalt  }

// kernel: kernel.17.cloned.1.call-start
scs
__scs_entry_jumppad:
0x0: {  	(pc) =	sbr.rel $0x88, $3  }
0x1: {  	(tag) =	ssettag $0x0;
	lr =	simm.s32 $0x1  }
0x2: {  	[smem:$0x3F7A] =	sst lr;
	_ =	strace $0xD0000000  }
0x3: {  	_ = 	snop  }
0x4: {  	_ = 	snop  }
0x5: {  	_ = 	snop  }
0x6: {  	_ = 	snop  }
0x7: {  	_ = 	snop  }
__scs_overlays_trampoline_lowered:
0x8: {  	[smem:$0x3F89] =	sst s0  }
0x9: {  	[smem:$0x3F8A] =	sst s1  }
0xa: {  	[smem:$0x3F8B] =	sst s2  }
0xb: {  	[smem:$0x3F8C] =	sst s3  }
0xc: {  	[smem:$0x3F8D] =	sst s4  }
0xd: {  	[smem:$0x3F8E] =	sst s5  }
0xe: {  	[smem:$0x3F8F] =	sst s6  }
0xf: {  	[smem:$0x3F90] =	sst s7  }
0x10: {  	[smem:$0x3F91] =	sst s8  }
0x11: {  	[smem:$0x3F92] =	sst s9;
	s0 =	simm.s32 @!p0 $0x0  }
0x12: {  	s1 =	sld [smem:$0x3F78];
	s0 =	simm.s32 @p0 $0x1  }
0x13: {  	[smem:$0x3F93] =	sst s0;
	s0 =	simm.s32 @!p1 $0x0  }
0x14: {  	s2 =	sld [smem:$0x3F77];
	s0 =	simm.s32 @p1 $0x1  }
0x15: {  	[smem:$0x3F94] =	sst s0;
	s0 =	simm.s32 @!p2 $0x0  }
0x16: {  	s3 =	sld [smem:$0x3FDB];
	s0 =	simm.s32 @p2 $0x1  }
0x17: {  	s4 =	simm.s32 $0x1BF5;
	[smem:$0x3F96] =	sst s0  }
0x18: {  	s0 =	sld [smem:$0x3F79];
	_ =	swait.ge [sflag:s4], $0x0  }
0x19: {  	s7 =	sld [smem:$0x3F7A]  }
0x1a: {  	s8 =	sadd.s32 $0xFFFFE003, lr  }
0x1b: {  	s9 =	sadd.s32 $0xFFFFFEF7, lr;
	s5 =	simm.s32 $0xFFFFFFFF;
	p2 =	slt.u32 s8, $0xFFFFF086  }
0x1c: {  	p1 =	slt.u32 s9, $0xF7A;
	s5 =	simm.s32 @!p2 $0x0  }
0x1d: {  	s5 =	simm.s32 @p1 $0x1;
	p0 =	seq.s32 s7, s2  }
0x1e: {  	s7 =	smul.u32 @!p0 $0xF7A, s2;
	p2 =	seq.s32 @!p0 s5, $0x0  }
0x1f: {  	s9 =	smul.u32 $0xF7A, s1;
	s8 =	simm.s32 @!p0 $0x1BF5;
	p2 =	por !p2, p0  }
0x20: {  	[sflag:s8] =	ssyncset.s32 @!p0 $0xFFFFF086;
	s6 =	sadd.s32 @!p0 s3, s7;
	s7 =	simm.s32 @!p0 $0x108  }
0x21: {  	s3 =	sadd.s32 s3, s9;
	s6 =	sadd.s32 @!p0 $0x88, s6;
	s7 =	simm.s32 @p2 $0x1082  }
0x22: {  	[simem:s7], [sflag:s8] =	dma.local @!p0 [hbm:s6], $0xF7A  }
0x23: {  	s9 =	sor.u32 $0xD0000000, s2;
	s6 =	simm.s32 $0x108;
	_ =	swait.ge @!p0 [sflag:s8], $0x0  }
0x24: {  	s3 =	sadd.s32 $0x88, s3;
	s6 =	simm.s32 @!p1 $0x1082;
	[sflag:s4] =	ssyncset.s32 $0xFFFFF086  }
0x25: {  	[simem:s6], [sflag:s4] =	dma.local [hbm:s3], $0xF7A  }
0x26: {  	[smem:$0x3F7A] =	sst s1;
	(tag) =	ssettag s2;
	_ =	strace s9  }
0x27: {  	s1 =	sld [smem:$0x3F8A]  }
0x28: {  	s2 =	sld [smem:$0x3F8B]  }
0x29: {  	s4 =	sld [smem:$0x3F8D]  }
0x2a: {  	p0 =	seq.s32 s5, $0x0;
	s5 =	sld [smem:$0x3F8E]  }
0x2b: {  	s6 =	sld [smem:$0x3F8F]  }
0x2c: {  	s7 =	sld [smem:$0x3F90]  }
0x2d: {  	s3 =	simm.s32 $0x108;
	s8 =	sld [smem:$0x3F91]  }
0x2e: {  	s3 =	simm.s32 @!p0 $0x1082;
	s9 =	sld [smem:$0x3F92]  }
0x2f: {  	lr =	sadd.s32 s0, s3;
	s0 =	sld [smem:$0x3F89]  }
0x30: {  	s3 =	sld [smem:$0x3F8C]  }
0x31: {  	[smem:$0x3F95] =	sst s10  }
0x32: {  	s10 =	sld [smem:$0x3F93];
	_ =	sdelay $0x3  }
0x33: {  	p0 =	seq.s32 s10, $0x1;
	s10 =	sld [smem:$0x3F95];
	_ =	sdelay $0x3  }
0x34: {  	[smem:$0x3F95] =	sst s10  }
0x35: {  	s10 =	sld [smem:$0x3F94];
	_ =	sdelay $0x3  }
0x36: {  	p1 =	seq.s32 s10, $0x1;
	s10 =	sld [smem:$0x3F95];
	_ =	sdelay $0x3  }
0x37: {  	[smem:$0x3F95] =	sst s10  }
0x38: {  	s10 =	sld [smem:$0x3F96]  }
0x39: {  	_ = 	snop;
	(pc) =	sbr.ind lr, $3  }
0x3a: {  	_ = 	snop  }
0x3b: {  	_ = 	snop  }
0x3c: {  	p2 =	seq.s32 s10, $0x1;
	s10 =	sld [smem:$0x3F95]  }
0x3d: {  	_ =	shalt  }
0x3e: {  	_ =	shalt  }
0x3f: {  	_ =	shalt  }
0x40: {  	_ =	shalt  }
0x41: {  	_ =	shalt  }
0x42: {  	_ =	shalt  }
0x43: {  	_ =	shalt  }
0x44: {  	_ =	shalt  }
0x45: {  	_ =	shalt  }
0x46: {  	_ =	shalt  }
0x47: {  	_ =	shalt  }
0x48: {  	_ =	shalt  }
0x49: {  	_ =	shalt  }
0x4a: {  	_ =	shalt  }
0x4b: {  	_ =	shalt  }
0x4c: {  	_ =	shalt  }
0x4d: {  	_ =	shalt  }
0x4e: {  	_ =	shalt  }
0x4f: {  	_ =	shalt  }
0x50: {  	_ =	shalt  }
0x51: {  	_ =	shalt  }
0x52: {  	_ =	shalt  }
0x53: {  	_ =	shalt  }
0x54: {  	_ =	shalt  }
0x55: {  	_ =	shalt  }
0x56: {  	_ =	shalt  }
0x57: {  	_ =	shalt  }
0x58: {  	_ =	shalt  }
0x59: {  	_ =	shalt  }
0x5a: {  	_ =	shalt  }
0x5b: {  	_ =	shalt  }
0x5c: {  	_ =	shalt  }
0x5d: {  	_ =	shalt  }
0x5e: {  	_ =	shalt  }
0x5f: {  	_ =	shalt  }
0x60: {  	_ =	shalt  }
0x61: {  	_ =	shalt  }
0x62: {  	_ =	shalt  }
0x63: {  	_ =	shalt  }
0x64: {  	_ =	shalt  }
0x65: {  	_ =	shalt  }
0x66: {  	_ =	shalt  }
0x67: {  	_ =	shalt  }
0x68: {  	_ =	shalt  }
0x69: {  	_ =	shalt  }
0x6a: {  	_ =	shalt  }
0x6b: {  	_ =	shalt  }
0x6c: {  	_ =	shalt  }
0x6d: {  	_ =	shalt  }
0x6e: {  	_ =	shalt  }
0x6f: {  	_ =	shalt  }
0x70: {  	_ =	shalt  }
0x71: {  	_ =	shalt  }
0x72: {  	_ =	shalt  }
0x73: {  	_ =	shalt  }
0x74: {  	_ =	shalt  }
0x75: {  	_ =	shalt  }
0x76: {  	_ =	shalt  }
0x77: {  	_ =	shalt  }
0x78: {  	_ =	shalt  }
0x79: {  	_ =	shalt  }
0x7a: {  	_ =	shalt  }
0x7b: {  	_ =	shalt  }
0x7c: {  	_ =	shalt  }
0x7d: {  	_ =	shalt  }
0x7e: {  	_ =	shalt  }
0x7f: {  	_ =	shalt  }
0x80: {  	_ =	shalt  }
0x81: {  	_ =	shalt  }
0x82: {  	_ =	shalt  }
0x83: {  	_ =	shalt  }
0x84: {  	_ =	shalt  }
0x85: {  	_ =	shalt  }
0x86: {  	_ =	shalt  }
0x87: {  	_ =	shalt  }
.Lfunc_end0:
.L_simem_size_0:
called_computation.1_lowered:
.L_overlay_start_0:
0x88: {  	s2 =	sld [smem:$0x3FD9]  }
0x89: {  	s3 =	sld [smem:$0x3FFE];
	_ =	sdelay $0x1  }
0x8a: {  	s1 =	srdreg.scid  }
0x8b: {  	s0 =	sand.u32 $0x1, s1  }
0x8c: {  	s17 =	sshll.u32 s0, $0xA;
	s2 =	sadd.s32 s3, s2  }
0x8d: {  	s2 =	sadd.s32 s2, s17  }
0x8e: {  	[smem:$0x3FA1] =	sst s2  }
0x8f: {  	_ = 	snop  }
0x90: {  	s2 =	sld [smem:$0x3FD0];
	(tm) =	ssettm $0x1  }
0x91: {  	s18 =	sld [smem:$0x3FFB];
	_ =	sdelay $0x3  }
0x92: {  	_ =	strace s18  }
0x93: {  	s3 =	sld [smem:$0x3FFC];
	_ =	sdelay $0x3  }
0x94: {  	_ =	strace s3  }
0x95: {  	s3 =	sld [smem:$0x3FFD];
	_ =	sdelay $0x3  }
0x96: {  	_ =	strace s3  }
0x97: {  	_ =	strace $0x8FFFFFFF  }
0x98: {  	s19 =	sld [smem:$0x3FDB];
	_ =	sdelay $0x1  }
0x99: {  	s4 =	simm.s32 $_scs_section_size  }
0x9a: {  	s5 =	simm.s32 $_size__tile_overlayer_lowered;
	s6 =	simm.s32 $_tile_overlayer_lowered  }
0x9b: {  	s22 =	simm.s32 $0x1BFF;
	s21 =	sshll.u32 s6, $0x1;
	s3 =	sadd.s32 s4, s19  }
0x9c: {  	s7 =	simm.s32 $0x0;
	s20 =	sshll.u32 s5, $0x1;
	s5 =	sadd.s32 s21, s3  }
0x9d: {  	[timem:s7], [sflag:s22] =	dma.local [hbm:s5], s20  }
0x9e: {  	_ =	swait.ge [sflag:s22], s20  }
0x9f: {  	s4 =	ssub.s32 $0x0, s20;
	[sflag:s22] =	ssyncset.done $0x0  }
0xa0: {  	[sflag:s22] =	ssyncadd.s32 s4;
	_ =	sdelay $0x1  }
0xa1: {  	s23 =	simm.s32 $0x1B8B  }
0xa2: {  	_ =	swait.ge [sflag:s23], $0x1  }
0xa3: {  	[sflag:s23] =	ssyncset.done $0x0  }
0xa4: {  	s25 =	simm.s32 $0x1B8E;
	s24 =	sld [smem:$0x3FFE];
	[sflag:s23] =	ssyncadd.s32 $0xFFFFFFFF  }
0xa5: {  	s26 =	simm.s32 $execute0_lowered;
	[smem:$0x3FD2] =	sst s25  }
0xa6: {  	s5 =	sshll.u32 s26, $0x1;
	_ =	strace $0x80000049;
	[dreg:$0x1] =	wrdreg $0xFFFFFFFF  }
0xa7: {  	s28 =	simm.s32 $_size_execute0_lowered;
	s3 =	sadd.s32 s3, s5;
	[dreg:$0x0] =	wrdreg $0x0  }
0xa8: {  	s5 =	sshll.u32 s28, $0x1;
	[dreg:$0x2] =	wrdreg s3  }
0xa9: {  	[dreg:$0x3] =	wrdreg s5  }
0xaa: {  	[dreg:$0x4] =	wrdreg $0xC0  }
0xab: {  	_ =	task [dreg:s7], $0x5FFFF  }
0xac: {  	[dreg:$0x1] =	wrdreg $0xFFFFFFFF  }
0xad: {  	[dreg:$0x0] =	wrdreg $0x60  }
0xae: {  	[dreg:$0x2] =	wrdreg s24  }
0xaf: {  	[dreg:$0x3] =	wrdreg s2  }
0xb0: {  	[dreg:$0x4] =	wrdreg $0xC3000  }
0xb1: {  	[dreg:$0x5] =	wrdreg $0x9  }
0xb2: {  	_ =	task.clear_ibuf [dreg:s7], $0x6FFFF;
	_ =	strace $0x90000049  }
0xb3: {  	s29 =	simm.s32 $0x9;
	_ =	strace $0x8000004B  }
0xb4: {  	_ =	swait.ge [sflag:s29], $0x1  }
0xb5: {  	[sflag:s29] =	ssyncadd.s32 $0xFFFFFFFF  }
0xb6: {  	_ =	strace $0x9000004B  }
0xb7: {  	_ =	sfence  }
0xb8: {  	s30 =	sld [smem:$0x0];
	_ =	sdelay $0x2  }
0xb9: {  	s31 =	sshll.u32 s1, $0xD;
	s1 =	sshrl.u32 s1, $0x2  }
0xba: {  	s3 =	sand.u32 $0x4000, s31;
	s1 =	sadd.s32 s1, s30  }
0xbb: {  	s0 =	sor.u32 s3, s0;
	s1 =	sshll.u32 s1, $0x11  }
0xbc: {  	s0 =	sor.u32 s1, s0  }
0xbd: {  	s0 =	sadd.s32 $0x8F2B, s0  }
0xbe: {  	[sflag:s0] =	ssyncadd.remote.s32 $0x1  }
0xbf: {  	_ =	sfence.sel $0xFFFF  }
0xc0: {  	[dreg:$0x0] =	wrdreg $0xFFFFFFFF;
	(pc) =	sbr.abs _section_cstart, $3  }
0xc1: {  	[dreg:$0x1] =	wrdreg $0xFFFFFFFF  }
0xc2: {  	_ =	task.clear_ibuf [dreg:s7], $0x2FFFF;
	_ =	strace $0x9FFFFFFF  }
0xc3: {  	(tm) =	ssettm $0x7FFFFFFF  }
tec
execute0_lowered:
.L_overlay_start_1:
0x0: {  	(tag) =	ssettag $0x1  }
0x1: {  	s0 =	rddreg [dreg:$0x0]  }
0x2: {  	s2 =	rddreg [dreg:$0x1]  }
0x3: {  	s3 =	rddreg [dreg:$0x2];
	s12 =	stileid.u32  }
0x4: {  	s1 =	srdreg.scid;
	s4 =	simm.s32 $0x0;
	s28 =	simm.s32 $0x8300  }
0x5: {  	s29 =	simm.s32 $0x1;
	s30 =	simm.s32 $0x2;
	s6 =	smul.u32 $0x13C00, s12  }
0x6: {  	s31 =	simm.s32 $0x180;
	s1 =	sand.u32 $0x1, s1;
	s10 =	smul.u32 $0x4F000, s12  }
0x7: {  	[smem:$0x7FF] =	sst s4;
	s5 =	sadd.s32 $0x7E600, s0;
	s21 =	smul.u32 $0x9C40, s12  }
0x8: {  	s20 =	sshll.u32 s12, $0x6;
	s7 =	smul.u32 $0x13C000, s1;
	_ =	strace $0x8000004A  }
0x9: {  	s17 =	sshll.u32 s1, $0x4;
	s9 =	ssub.s32 $0x2, s1;
	s1 =	smul.u32 $0x9C400, s1  }
0xa: {  	s8 =	sshrl.u32 s6, $0x3;
	s11 =	sshrl.u32 s9, $0x1;
	s18 =	sshrl.u32 s10, $0x2  }
0xb: {  	s8 =	sadd.s32 s8, s0;
	s6 =	sadd.s32 s6, s7;
	s7 =	sor.u32 s12, s17  }
0xc: {  	s9 =	ssub.s32 s9, s11;
	s10 =	sadd.s32 s18, s3;
	s1 =	sadd.s32 s21, s1  }
0xd: {  	s18 =	simm.s32 $0x7;
	s21 =	simm.s32 $0x300;
	s6 =	sshrl.u32 s6, $0x3  }
0xe: {  	s7 =	smul.u32 $0x9C40, s7;
	s8 =	sadd.s32 $0x7E00, s8;
	s25 =	sadd.s32 $0x500, s1  }
0xf: {  	s26 =	sadd.s32 $0x400, s1;
	s9 =	smax.u32 s9, $0x1;
	s16 =	sadd.s32 $0x300, s1  }
0x10: {  	s17 =	sshrl.u32 s10, $0x3;
	s1 =	simm.s32 $0x280;
	[dreg:$0x4] =	wrdreg s8  }
0x11: {  	s0 =	sadd.s32 s6, s0;
	s8 =	sor.u32 $0x1C07, s20;
	[dreg:$0x9] =	wrdreg s9  }
0x12: {  	s20 =	simm.s32 $0x80;
	s9 =	simm.s32 $0x0;
	s19 =	sshrl.u32 s7, $0x3  }
0x13: {  	s0 =	sadd.s32 $0xA5800, s0;
	s7 =	sshrl.u32 s26, $0x3;
	s26 =	simm.s32 $0x6  }
0x14: {  	s6 =	sadd.s32 s2, s19;
	[dreg:$0x8] =	wrdreg s0;
	s0 =	sshrl.u32 s25, $0x3  }
0x15: {  	s15 =	sadd.s32 s7, s2;
	s19 =	simm.s32 $0x4;
	s22 =	sadd.s32 $0x20, s6  }
0x16: {  	s25 =	simm.s32 $0x200;
	s23 =	sadd.s32 $0x40, s6;
	[dreg:$0x5] =	wrdreg s22  }
0x17: {  	s7 =	simm.s32 $0x20;
	s24 =	sadd.s32 $0x1380, s6;
	[dreg:$0x6] =	wrdreg s23  }
0x18: {  	s14 =	sadd.s32 s0, s2;
	s0 =	simm.s32 $0x3;
	[dreg:$0x7] =	wrdreg s24  }
0x19: {  	s22 =	simm.s32 $0x100;
	s23 =	simm.s32 $0x5;
	s24 =	simm.s32 $0x4300  }
.LBB2_1:
0x1a: {  	s10 =	rddreg [dreg:$0x4]  }
0x1b: {  	[spmem:s17], [sflag:s8] =	dma.local [hbm:s10], $0x2780  }
0x1c: {  	_ =	swait.ge [sflag:s18], $0x2780  }
0x1d: {  	[sflag:s18] =	ssyncset.done $0x0  }
0x1e: {  	[sflag:s18] =	ssyncadd.s32 $0xFFFFD880  }
0x1f: {  	[bflag:$0x0] =	sbarrier.arrive $0xFFFF  }
0x20: {  	[tilespmem:s4], [sflag:$0x4] =	stream.linear.gather [hbm4b:s6+s4], $0x100, $0x38;
	[tilespmem:$0x1FF00] =	vst v63  }
0x21: {  	_ =	swait.ge [sflag:s19], $0x100  }
0x22: {  	[sflag:s19] =	ssyncset.done $0x0  }
0x23: {  	[sflag:s19] =	ssyncadd.s32 $0xFFFFFF00  }
0x24: {  	[tilespmem:s21], [sflag:$0x1] =	stream.indirect.gather [hbm4b:s5+s20], $0x80, s4, s20, $0xb8;
	[tilespmem:$0x1FF00] =	vst v63  }
0x25: {  	s13 =	rddreg [dreg:$0x5]  }
0x26: {  	[tilespmem:s22], [sflag:$0x5] =	stream.linear.gather [hbm4b:s13+s4], $0x100, $0x38;
	[tilespmem:$0x1FF00] =	vst v63  }
0x27: {  	_ =	swait.ge [sflag:s23], $0x100  }
0x28: {  	[sflag:s23] =	ssyncset.done $0x0  }
0x29: {  	[sflag:s23] =	ssyncadd.s32 $0xFFFFFF00  }
0x2a: {  	[tilespmem:s24], [sflag:$0x2] =	stream.indirect.gather [hbm4b:s5+s20], $0x80, s22, s20, $0xb8;
	[tilespmem:$0x1FF00] =	vst v63  }
0x2b: {  	s11 =	rddreg [dreg:$0x6]  }
0x2c: {  	[tilespmem:s25], [sflag:$0x6] =	stream.linear.gather [hbm4b:s11+s4], $0x100, $0x38;
	[tilespmem:$0x1FF00] =	vst v63  }
0x2d: {  	_ =	swait.ge [sflag:s26], $0x100  }
0x2e: {  	[sflag:s26] =	ssyncset.done $0x0  }
0x2f: {  	[sflag:s26] =	ssyncadd.s32 $0xFFFFFF00  }
0x30: {  	[tilespmem:s28], [sflag:$0x3] =	stream.indirect.gather [hbm4b:s5+s20], $0x80, s25, s20, $0xb8;
	[tilespmem:$0x1FF00] =	vst v63  }
0x31: {  	_ =	swait.ge [sflag:s29], $0x4000  }
0x32: {  	[sflag:s29] =	ssyncset.done $0x0  }
0x33: {  	[sflag:s29] =	ssyncadd.s32 $0xFFFFC000  }
0x34: {  	[spmem:s3] =	stream.indirect.scatter.add.f32 [tilespmem:s21], [sflag:$0x7], $0x80, s20, s20, $0xb8;
	[tilespmem:$0x1FF00] =	vst v63  }
0x35: {  	_ =	swait.ge [sflag:s18], $0x4000  }
0x36: {  	s12 =	sshrl.u32 s16, $0x3;
	[sflag:s18] =	ssyncset.done $0x0  }
0x37: {  	s10 =	sadd.s32 s2, s12;
	[sflag:s18] =	ssyncadd.s32 $0xFFFFC000  }
0x38: {  	[tilespmem:s4], [sflag:$0x4] =	stream.linear.gather [hbm4b:s10+s4], $0x100, $0x38;
	[tilespmem:$0x1FF00] =	vst v63  }
0x39: {  	_ =	swait.ge [sflag:s19], $0x100  }
0x3a: {  	[sflag:s19] =	ssyncset.done $0x0  }
0x3b: {  	[sflag:s19] =	ssyncadd.s32 $0xFFFFFF00  }
0x3c: {  	[tilespmem:s21], [sflag:$0x1] =	stream.indirect.gather [hbm4b:s5+s20], $0x80, s4, s20, $0xb8;
	[tilespmem:$0x1FF00] =	vst v63  }
0x3d: {  	_ =	swait.ge [sflag:s30], $0x4000  }
0x3e: {  	[sflag:s30] =	ssyncset.done $0x0  }
0x3f: {  	[sflag:s30] =	ssyncadd.s32 $0xFFFFC000  }
0x40: {  	[spmem:s3] =	stream.indirect.scatter.add.f32 [tilespmem:s24], [sflag:$0x7], $0x80, s31, s20, $0xb8;
	[tilespmem:$0x1FF00] =	vst v63  }
0x41: {  	_ =	swait.ge [sflag:s18], $0x4000  }
0x42: {  	[sflag:s18] =	ssyncset.done $0x0  }
0x43: {  	s13 =	sadd.s32 $0x0, s15;
	[sflag:s18] =	ssyncadd.s32 $0xFFFFC000  }
0x44: {  	[tilespmem:s22], [sflag:$0x5] =	stream.linear.gather [hbm4b:s13+s4], $0x100, $0x38;
	[tilespmem:$0x1FF00] =	vst v63  }
0x45: {  	_ =	swait.ge [sflag:s23], $0x100  }
0x46: {  	[sflag:s23] =	ssyncset.done $0x0  }
0x47: {  	[sflag:s23] =	ssyncadd.s32 $0xFFFFFF00  }
0x48: {  	[tilespmem:s24], [sflag:$0x2] =	stream.indirect.gather [hbm4b:s5+s20], $0x80, s22, s20, $0xb8;
	[tilespmem:$0x1FF00] =	vst v63  }
0x49: {  	_ =	swait.ge [sflag:s0], $0x4000  }
0x4a: {  	[sflag:s0] =	ssyncset.done $0x0  }
0x4b: {  	[sflag:s0] =	ssyncadd.s32 $0xFFFFC000  }
0x4c: {  	[spmem:s3] =	stream.indirect.scatter.add.f32 [tilespmem:s28], [sflag:$0x7], $0x80, s1, s20, $0xb8;
	[tilespmem:$0x1FF00] =	vst v63  }
0x4d: {  	_ =	swait.ge [sflag:s18], $0x4000  }
0x4e: {  	s12 =	sadd.s32 $0x0, s14;
	[sflag:s18] =	ssyncset.done $0x0  }
0x4f: {  	s11 =	sadd.s32 $0x300, s16;
	s10 =	simm.s32 $0x60;
	[sflag:s18] =	ssyncadd.s32 $0xFFFFC000  }
.LBB2_2:
0x50: {  	[tilespmem:s25], [sflag:$0x6] =	stream.linear.gather [hbm4b:s12+s4], $0x100, $0x38;
	[tilespmem:$0x1FF00] =	vst v63  }
0x51: {  	s12 =	smov.u32 s10  }
0x52: {  	p0 =	sne.s32 s10, $0x12C0;
	s10 =	sadd.s32 $0x60, s10;
	_ =	swait.ge [sflag:s26], $0x100  }
0x53: {  	[sflag:s26] =	ssyncset.done $0x0  }
0x54: {  	[sflag:s26] =	ssyncadd.s32 $0xFFFFFF00  }
0x55: {  	[tilespmem:s28], [sflag:$0x3] =	stream.indirect.gather [hbm4b:s5+s20], $0x80, s25, s20, $0xb8;
	[tilespmem:$0x1FF00] =	vst v63  }
0x56: {  	_ =	swait.ge [sflag:s29], $0x4000  }
0x57: {  	[sflag:s29] =	ssyncset.done $0x0  }
0x58: {  	[sflag:s29] =	ssyncadd.s32 $0xFFFFC000  }
0x59: {  	[spmem:s3] =	stream.indirect.scatter.add.f32 [tilespmem:s21], [sflag:$0x7], $0x80, s20, s20, $0xb8;
	[tilespmem:$0x1FF00] =	vst v63  }
0x5a: {  	_ =	swait.ge [sflag:s18], $0x4000  }
0x5b: {  	s13 =	sshrl.u32 s11, $0x3;
	[sflag:s18] =	ssyncset.done $0x0  }
0x5c: {  	s13 =	sadd.s32 s2, s13;
	[sflag:s18] =	ssyncadd.s32 $0xFFFFC000  }
0x5d: {  	[tilespmem:s4], [sflag:$0x4] =	stream.linear.gather [hbm4b:s13+s4], $0x100, $0x38;
	[tilespmem:$0x1FF00] =	vst v63  }
0x5e: {  	_ =	swait.ge [sflag:s19], $0x100  }
0x5f: {  	[sflag:s19] =	ssyncset.done $0x0  }
0x60: {  	[sflag:s19] =	ssyncadd.s32 $0xFFFFFF00  }
0x61: {  	[tilespmem:s21], [sflag:$0x1] =	stream.indirect.gather [hbm4b:s5+s20], $0x80, s4, s20, $0xb8;
	[tilespmem:$0x1FF00] =	vst v63  }
0x62: {  	_ =	swait.ge [sflag:s30], $0x4000  }
0x63: {  	[sflag:s30] =	ssyncset.done $0x0  }
0x64: {  	[sflag:s30] =	ssyncadd.s32 $0xFFFFC000  }
0x65: {  	[spmem:s3] =	stream.indirect.scatter.add.f32 [tilespmem:s24], [sflag:$0x7], $0x80, s31, s20, $0xb8;
	[tilespmem:$0x1FF00] =	vst v63  }
0x66: {  	_ =	swait.ge [sflag:s18], $0x4000  }
0x67: {  	[sflag:s18] =	ssyncset.done $0x0  }
0x68: {  	s13 =	sadd.s32 s12, s15;
	[sflag:s18] =	ssyncadd.s32 $0xFFFFC000  }
0x69: {  	[tilespmem:s22], [sflag:$0x5] =	stream.linear.gather [hbm4b:s13+s4], $0x100, $0x38;
	[tilespmem:$0x1FF00] =	vst v63  }
0x6a: {  	_ =	swait.ge [sflag:s23], $0x100  }
0x6b: {  	[sflag:s23] =	ssyncset.done $0x0  }
0x6c: {  	[sflag:s23] =	ssyncadd.s32 $0xFFFFFF00  }
0x6d: {  	[tilespmem:s24], [sflag:$0x2] =	stream.indirect.gather [hbm4b:s5+s20], $0x80, s22, s20, $0xb8;
	[tilespmem:$0x1FF00] =	vst v63  }
0x6e: {  	_ =	swait.ge [sflag:s0], $0x4000  }
0x6f: {  	[sflag:s0] =	ssyncset.done $0x0  }
.Ltmp0:
0x70: {  	[sflag:s0] =	ssyncadd.s32 $0xFFFFC000;
	(pc) =	sbr.rel @p0 .LBB2_2-.Ltmp0, $4  }
0x71: {  	[spmem:s3] =	stream.indirect.scatter.add.f32 [tilespmem:s28], [sflag:$0x7], $0x80, s1, s20, $0xb8;
	[tilespmem:$0x1FF00] =	vst v63  }
0x72: {  	_ =	swait.ge [sflag:s18], $0x4000  }
0x73: {  	[sflag:s18] =	ssyncset.done $0x0  }
0x74: {  	s11 =	sadd.s32 $0x300, s11;
	s12 =	sadd.s32 s12, s14;
	[sflag:s18] =	ssyncadd.s32 $0xFFFFC000  }
0x75: {  	[tilespmem:s25], [sflag:$0x6] =	stream.linear.gather [hbm4b:s12+s4], $0x100, $0x38;
	[tilespmem:$0x1FF00] =	vst v63  }
0x76: {  	_ =	swait.ge [sflag:s26], $0x100  }
0x77: {  	[sflag:s26] =	ssyncset.done $0x0  }
0x78: {  	[sflag:s26] =	ssyncadd.s32 $0xFFFFFF00  }
0x79: {  	[tilespmem:s28], [sflag:$0x3] =	stream.indirect.gather [hbm4b:s5+s20], $0x80, s25, s20, $0xb8;
	[tilespmem:$0x1FF00] =	vst v63  }
0x7a: {  	_ =	swait.ge [sflag:s29], $0x4000  }
0x7b: {  	[sflag:s29] =	ssyncset.done $0x0  }
0x7c: {  	[sflag:s29] =	ssyncadd.s32 $0xFFFFC000  }
0x7d: {  	[spmem:s3] =	stream.indirect.scatter.add.f32 [tilespmem:s21], [sflag:$0x7], $0x80, s20, s20, $0xb8;
	[tilespmem:$0x1FF00] =	vst v63  }
0x7e: {  	_ =	swait.ge [sflag:s18], $0x4000  }
0x7f: {  	[sflag:s18] =	ssyncset.done $0x0  }
0x80: {  	s10 =	rddreg [dreg:$0x7];
	[sflag:s18] =	ssyncadd.s32 $0xFFFFC000  }
0x81: {  	[tilespmem:s4], [sflag:$0x4] =	stream.linear.gather [hbm4b:s10+s4], $0x40, $0x38;
	[tilespmem:$0x1FF00] =	vst v63  }
0x82: {  	_ =	swait.ge [sflag:s30], $0x4000  }
0x83: {  	[sflag:s30] =	ssyncset.done $0x0  }
0x84: {  	[sflag:s30] =	ssyncadd.s32 $0xFFFFC000  }
0x85: {  	[spmem:s3] =	stream.indirect.scatter.add.f32 [tilespmem:s24], [sflag:$0x7], $0x80, s31, s20, $0xb8;
	[tilespmem:$0x1FF00] =	vst v63  }
0x86: {  	_ =	swait.ge [sflag:s18], $0x4000  }
0x87: {  	[sflag:s18] =	ssyncset.done $0x0  }
0x88: {  	[sflag:s18] =	ssyncadd.s32 $0xFFFFC000  }
0x89: {  	_ =	swait.ge [sflag:s19], $0x40  }
0x8a: {  	[sflag:s19] =	ssyncset.done $0x0  }
0x8b: {  	[sflag:s19] =	ssyncadd.s32 $0xFFFFFFC0  }
0x8c: {  	[tilespmem:s21], [sflag:$0x1] =	stream.indirect.gather [hbm4b:s5+s7], $0x80, s4, s7, $0xb8;
	[tilespmem:$0x1FF00] =	vst v63  }
0x8d: {  	_ =	swait.ge [sflag:s0], $0x4000  }
0x8e: {  	[sflag:s0] =	ssyncset.done $0x0  }
0x8f: {  	[sflag:s0] =	ssyncadd.s32 $0xFFFFC000  }
0x90: {  	[spmem:s3] =	stream.indirect.scatter.add.f32 [tilespmem:s28], [sflag:$0x7], $0x80, s1, s20, $0xb8;
	[tilespmem:$0x1FF00] =	vst v63  }
0x91: {  	_ =	swait.ge [sflag:s18], $0x4000  }
0x92: {  	[sflag:s18] =	ssyncset.done $0x0  }
0x93: {  	[sflag:s18] =	ssyncadd.s32 $0xFFFFC000  }
0x94: {  	_ =	swait.ge [sflag:s29], $0x1000  }
0x95: {  	[sflag:s29] =	ssyncset.done $0x0  }
0x96: {  	[sflag:s29] =	ssyncadd.s32 $0xFFFFF000  }
0x97: {  	[spmem:s3] =	stream.indirect.scatter.add.f32 [tilespmem:s21], [sflag:$0x7], $0x80, s7, s7, $0xb8;
	[tilespmem:$0x1FF00] =	vst v63  }
0x98: {  	_ =	swait.ge [sflag:s18], $0x1000  }
0x99: {  	[sflag:s18] =	ssyncset.done $0x0  }
0x9a: {  	[sflag:s18] =	ssyncadd.s32 $0xFFFFF000  }
0x9b: {  	[bflag:$0x0] =	sbarrier.arrive $0xFFFF  }
0x9c: {  	s12 =	rddreg [dreg:$0x8]  }
0x9d: {  	[hbm:s12], [sflag:s8] =	dma.local [spmem:s17], $0x2780  }
0x9e: {  	_ =	swait.ge [sflag:s18], $0x2780  }
0x9f: {  	s9 =	sadd.s32 $0x1, s9;
	s13 =	rddreg [dreg:$0x9]  }
0xa0: {  	p0 =	sne.s32 s9, s13  }
.Ltmp1:
0xa1: {  	_ = 	snop;
	(pc) =	sbr.rel @p0 .LBB2_1-.Ltmp1, $3  }
0xa2: {  	_ =	sdelay $0x1  }
0xa3: {  	[sflag:s18] =	ssyncset.done $0x0  }
0xa4: {  	[sflag:s18] =	ssyncadd.s32 $0xFFFFD880  }
0xa5: {  	_ =	sfence.sel $0x180000  }
0xa6: {  	[bflag:$0x0] =	sbarrier.arrive $0xFFFF  }
0xa7: {  	_ =	strace $0x9000004A  }
0xa8: {  	s0 =	stileid.u32;
	[bflag:$0x2] =	sbarrier.arrive $0xFFFF  }
0xa9: {  	p0 =	sne.s32 s0, $0x0;
	s0 =	rddreg [dreg:$0x3]  }
0xaa: {  	s0 =	sadd.s32 @!p0 $0x100000, s0  }
0xab: {  	[sflag:s0] =	ssyncadd.tile.s32 @!p0 $0x1;
	_ =	shalt  }
.Lfunc_end2:
_tile_overlayer_lowered:
.L_overlay_start_2:
0xac: {  	(tag) =	ssettag $0x2  }
0xad: {  	s0 =	rddreg [dreg:$0x0];
	s2 =	stileid.u32  }
0xae: {  	s1 =	rddreg [dreg:$0x1];
	p0 =	sne.s32 s2, $0x0  }
0xaf: {  	s3 =	rddreg [dreg:$0x2];
	[bflag:$0x3] =	sbarrier.arrive $0xFFFF;
	s2 =	simm.s32 @!p0 $0x1C07  }
0xb0: {  	[timem:s3], [sflag:s2] =	dma.local @!p0 [hbm:s0], s1  }
0xb1: {  	s0 =	simm.s32 @!p0 $0x7  }
0xb2: {  	_ =	swait.ge @!p0 [sflag:s0], s1  }
0xb3: {  	s1 =	ssub.s32 @!p0 $0x0, s1;
	[sflag:s0] =	ssyncset.done @!p0 $0x0  }
0xb4: {  	[sflag:s0] =	ssyncadd.s32 @!p0 s1  }
0xb5: {  	[bflag:$0x3] =	sbarrier.arrive $0xFFFF  }
0xb6: {  	_ =	shalt  }

// kernel: kernel.20.cloned.1.call-start
scs
__scs_entry_jumppad:
0x0: {  	(pc) =	sbr.rel $0x88, $3  }
0x1: {  	(tag) =	ssettag $0x0;
	lr =	simm.s32 $0x1  }
0x2: {  	[smem:$0x3F7A] =	sst lr;
	_ =	strace $0xD0000000  }
0x3: {  	_ = 	snop  }
0x4: {  	_ = 	snop  }
0x5: {  	_ = 	snop  }
0x6: {  	_ = 	snop  }
0x7: {  	_ = 	snop  }
__scs_overlays_trampoline_lowered:
0x8: {  	[smem:$0x3F89] =	sst s0  }
0x9: {  	[smem:$0x3F8A] =	sst s1  }
0xa: {  	[smem:$0x3F8B] =	sst s2  }
0xb: {  	[smem:$0x3F8C] =	sst s3  }
0xc: {  	[smem:$0x3F8D] =	sst s4  }
0xd: {  	[smem:$0x3F8E] =	sst s5  }
0xe: {  	[smem:$0x3F8F] =	sst s6  }
0xf: {  	[smem:$0x3F90] =	sst s7  }
0x10: {  	[smem:$0x3F91] =	sst s8  }
0x11: {  	[smem:$0x3F92] =	sst s9;
	s0 =	simm.s32 @!p0 $0x0  }
0x12: {  	s1 =	sld [smem:$0x3F78];
	s0 =	simm.s32 @p0 $0x1  }
0x13: {  	[smem:$0x3F93] =	sst s0;
	s0 =	simm.s32 @!p1 $0x0  }
0x14: {  	s2 =	sld [smem:$0x3F77];
	s0 =	simm.s32 @p1 $0x1  }
0x15: {  	[smem:$0x3F94] =	sst s0;
	s0 =	simm.s32 @!p2 $0x0  }
0x16: {  	s3 =	sld [smem:$0x3FDB];
	s0 =	simm.s32 @p2 $0x1  }
0x17: {  	s4 =	simm.s32 $0x1BF5;
	[smem:$0x3F96] =	sst s0  }
0x18: {  	s0 =	sld [smem:$0x3F79];
	_ =	swait.ge [sflag:s4], $0x0  }
0x19: {  	s7 =	sld [smem:$0x3F7A]  }
0x1a: {  	s8 =	sadd.s32 $0xFFFFE003, lr  }
0x1b: {  	s9 =	sadd.s32 $0xFFFFFEF7, lr;
	s5 =	simm.s32 $0xFFFFFFFF;
	p2 =	slt.u32 s8, $0xFFFFF086  }
0x1c: {  	p1 =	slt.u32 s9, $0xF7A;
	s5 =	simm.s32 @!p2 $0x0  }
0x1d: {  	s5 =	simm.s32 @p1 $0x1;
	p0 =	seq.s32 s7, s2  }
0x1e: {  	s7 =	smul.u32 @!p0 $0xF7A, s2;
	p2 =	seq.s32 @!p0 s5, $0x0  }
0x1f: {  	s9 =	smul.u32 $0xF7A, s1;
	s8 =	simm.s32 @!p0 $0x1BF5;
	p2 =	por !p2, p0  }
0x20: {  	[sflag:s8] =	ssyncset.s32 @!p0 $0xFFFFF086;
	s6 =	sadd.s32 @!p0 s3, s7;
	s7 =	simm.s32 @!p0 $0x108  }
0x21: {  	s3 =	sadd.s32 s3, s9;
	s6 =	sadd.s32 @!p0 $0x88, s6;
	s7 =	simm.s32 @p2 $0x1082  }
0x22: {  	[simem:s7], [sflag:s8] =	dma.local @!p0 [hbm:s6], $0xF7A  }
0x23: {  	s9 =	sor.u32 $0xD0000000, s2;
	s6 =	simm.s32 $0x108;
	_ =	swait.ge @!p0 [sflag:s8], $0x0  }
0x24: {  	s3 =	sadd.s32 $0x88, s3;
	s6 =	simm.s32 @!p1 $0x1082;
	[sflag:s4] =	ssyncset.s32 $0xFFFFF086  }
0x25: {  	[simem:s6], [sflag:s4] =	dma.local [hbm:s3], $0xF7A  }
0x26: {  	[smem:$0x3F7A] =	sst s1;
	(tag) =	ssettag s2;
	_ =	strace s9  }
0x27: {  	s1 =	sld [smem:$0x3F8A]  }
0x28: {  	s2 =	sld [smem:$0x3F8B]  }
0x29: {  	s4 =	sld [smem:$0x3F8D]  }
0x2a: {  	p0 =	seq.s32 s5, $0x0;
	s5 =	sld [smem:$0x3F8E]  }
0x2b: {  	s6 =	sld [smem:$0x3F8F]  }
0x2c: {  	s7 =	sld [smem:$0x3F90]  }
0x2d: {  	s3 =	simm.s32 $0x108;
	s8 =	sld [smem:$0x3F91]  }
0x2e: {  	s3 =	simm.s32 @!p0 $0x1082;
	s9 =	sld [smem:$0x3F92]  }
0x2f: {  	lr =	sadd.s32 s0, s3;
	s0 =	sld [smem:$0x3F89]  }
0x30: {  	s3 =	sld [smem:$0x3F8C]  }
0x31: {  	[smem:$0x3F95] =	sst s10  }
0x32: {  	s10 =	sld [smem:$0x3F93];
	_ =	sdelay $0x3  }
0x33: {  	p0 =	seq.s32 s10, $0x1;
	s10 =	sld [smem:$0x3F95];
	_ =	sdelay $0x3  }
0x34: {  	[smem:$0x3F95] =	sst s10  }
0x35: {  	s10 =	sld [smem:$0x3F94];
	_ =	sdelay $0x3  }
0x36: {  	p1 =	seq.s32 s10, $0x1;
	s10 =	sld [smem:$0x3F95];
	_ =	sdelay $0x3  }
0x37: {  	[smem:$0x3F95] =	sst s10  }
0x38: {  	s10 =	sld [smem:$0x3F96]  }
0x39: {  	_ = 	snop;
	(pc) =	sbr.ind lr, $3  }
0x3a: {  	_ = 	snop  }
0x3b: {  	_ = 	snop  }
0x3c: {  	p2 =	seq.s32 s10, $0x1;
	s10 =	sld [smem:$0x3F95]  }
0x3d: {  	_ =	shalt  }
0x3e: {  	_ =	shalt  }
0x3f: {  	_ =	shalt  }
0x40: {  	_ =	shalt  }
0x41: {  	_ =	shalt  }
0x42: {  	_ =	shalt  }
0x43: {  	_ =	shalt  }
0x44: {  	_ =	shalt  }
0x45: {  	_ =	shalt  }
0x46: {  	_ =	shalt  }
0x47: {  	_ =	shalt  }
0x48: {  	_ =	shalt  }
0x49: {  	_ =	shalt  }
0x4a: {  	_ =	shalt  }
0x4b: {  	_ =	shalt  }
0x4c: {  	_ =	shalt  }
0x4d: {  	_ =	shalt  }
0x4e: {  	_ =	shalt  }
0x4f: {  	_ =	shalt  }
0x50: {  	_ =	shalt  }
0x51: {  	_ =	shalt  }
0x52: {  	_ =	shalt  }
0x53: {  	_ =	shalt  }
0x54: {  	_ =	shalt  }
0x55: {  	_ =	shalt  }
0x56: {  	_ =	shalt  }
0x57: {  	_ =	shalt  }
0x58: {  	_ =	shalt  }
0x59: {  	_ =	shalt  }
0x5a: {  	_ =	shalt  }
0x5b: {  	_ =	shalt  }
0x5c: {  	_ =	shalt  }
0x5d: {  	_ =	shalt  }
0x5e: {  	_ =	shalt  }
0x5f: {  	_ =	shalt  }
0x60: {  	_ =	shalt  }
0x61: {  	_ =	shalt  }
0x62: {  	_ =	shalt  }
0x63: {  	_ =	shalt  }
0x64: {  	_ =	shalt  }
0x65: {  	_ =	shalt  }
0x66: {  	_ =	shalt  }
0x67: {  	_ =	shalt  }
0x68: {  	_ =	shalt  }
0x69: {  	_ =	shalt  }
0x6a: {  	_ =	shalt  }
0x6b: {  	_ =	shalt  }
0x6c: {  	_ =	shalt  }
0x6d: {  	_ =	shalt  }
0x6e: {  	_ =	shalt  }
0x6f: {  	_ =	shalt  }
0x70: {  	_ =	shalt  }
0x71: {  	_ =	shalt  }
0x72: {  	_ =	shalt  }
0x73: {  	_ =	shalt  }
0x74: {  	_ =	shalt  }
0x75: {  	_ =	shalt  }
0x76: {  	_ =	shalt  }
0x77: {  	_ =	shalt  }
0x78: {  	_ =	shalt  }
0x79: {  	_ =	shalt  }
0x7a: {  	_ =	shalt  }
0x7b: {  	_ =	shalt  }
0x7c: {  	_ =	shalt  }
0x7d: {  	_ =	shalt  }
0x7e: {  	_ =	shalt  }
0x7f: {  	_ =	shalt  }
0x80: {  	_ =	shalt  }
0x81: {  	_ =	shalt  }
0x82: {  	_ =	shalt  }
0x83: {  	_ =	shalt  }
0x84: {  	_ =	shalt  }
0x85: {  	_ =	shalt  }
0x86: {  	_ =	shalt  }
0x87: {  	_ =	shalt  }
.Lfunc_end0:
.L_simem_size_0:
called_computation.2_lowered:
.L_overlay_start_0:
0x88: {  	s2 =	sld [smem:$0x3FD9]  }
0x89: {  	s3 =	sld [smem:$0x3FFE];
	_ =	sdelay $0x1  }
0x8a: {  	s1 =	srdreg.scid  }
0x8b: {  	s0 =	sand.u32 $0x1, s1  }
0x8c: {  	s17 =	sshll.u32 s0, $0xA;
	s2 =	sadd.s32 s3, s2  }
0x8d: {  	s2 =	sadd.s32 s2, s17  }
0x8e: {  	[smem:$0x3FA1] =	sst s2  }
0x8f: {  	_ = 	snop  }
0x90: {  	s2 =	sld [smem:$0x3FD0];
	(tm) =	ssettm $0x1  }
0x91: {  	s18 =	sld [smem:$0x3FFB];
	_ =	sdelay $0x3  }
0x92: {  	_ =	strace s18  }
0x93: {  	s3 =	sld [smem:$0x3FFC];
	_ =	sdelay $0x3  }
0x94: {  	_ =	strace s3  }
0x95: {  	s3 =	sld [smem:$0x3FFD];
	_ =	sdelay $0x3  }
0x96: {  	_ =	strace s3  }
0x97: {  	_ =	strace $0x8FFFFFFF  }
0x98: {  	s19 =	sld [smem:$0x3FDB];
	_ =	sdelay $0x1  }
0x99: {  	s4 =	simm.s32 $_scs_section_size  }
0x9a: {  	s5 =	simm.s32 $_size__tile_overlayer_lowered;
	s6 =	simm.s32 $_tile_overlayer_lowered  }
0x9b: {  	s22 =	simm.s32 $0x1BFF;
	s21 =	sshll.u32 s6, $0x1;
	s3 =	sadd.s32 s4, s19  }
0x9c: {  	s7 =	simm.s32 $0x0;
	s20 =	sshll.u32 s5, $0x1;
	s5 =	sadd.s32 s21, s3  }
0x9d: {  	[timem:s7], [sflag:s22] =	dma.local [hbm:s5], s20  }
0x9e: {  	_ =	swait.ge [sflag:s22], s20  }
0x9f: {  	s4 =	ssub.s32 $0x0, s20;
	[sflag:s22] =	ssyncset.done $0x0  }
0xa0: {  	[sflag:s22] =	ssyncadd.s32 s4;
	_ =	sdelay $0x1  }
0xa1: {  	s23 =	simm.s32 $0x1B8B  }
0xa2: {  	_ =	swait.ge [sflag:s23], $0x1  }
0xa3: {  	[sflag:s23] =	ssyncset.done $0x0  }
0xa4: {  	s25 =	simm.s32 $0x1B8E;
	s24 =	sld [smem:$0x3FFE];
	[sflag:s23] =	ssyncadd.s32 $0xFFFFFFFF  }
0xa5: {  	s26 =	simm.s32 $execute0_lowered;
	[smem:$0x3FD2] =	sst s25  }
0xa6: {  	s5 =	sshll.u32 s26, $0x1;
	_ =	strace $0x8000004C;
	[dreg:$0x1] =	wrdreg $0xFFFFFFFF  }
0xa7: {  	s28 =	simm.s32 $_size_execute0_lowered;
	s3 =	sadd.s32 s3, s5;
	[dreg:$0x0] =	wrdreg $0x0  }
0xa8: {  	s5 =	sshll.u32 s28, $0x1;
	[dreg:$0x2] =	wrdreg s3  }
0xa9: {  	[dreg:$0x3] =	wrdreg s5  }
0xaa: {  	[dreg:$0x4] =	wrdreg $0xC0  }
0xab: {  	_ =	task [dreg:s7], $0x5FFFF  }
0xac: {  	[dreg:$0x1] =	wrdreg $0xFFFFFFFF  }
0xad: {  	[dreg:$0x0] =	wrdreg $0x60  }
0xae: {  	[dreg:$0x2] =	wrdreg s24  }
0xaf: {  	[dreg:$0x3] =	wrdreg s2  }
0xb0: {  	[dreg:$0x4] =	wrdreg $0xC3000  }
0xb1: {  	[dreg:$0x5] =	wrdreg $0x9  }
0xb2: {  	_ =	task.clear_ibuf [dreg:s7], $0x6FFFF;
	_ =	strace $0x9000004C  }
0xb3: {  	s29 =	simm.s32 $0x9;
	_ =	strace $0x8000004E  }
0xb4: {  	_ =	swait.ge [sflag:s29], $0x1  }
0xb5: {  	[sflag:s29] =	ssyncadd.s32 $0xFFFFFFFF  }
0xb6: {  	_ =	strace $0x9000004E  }
0xb7: {  	_ =	sfence  }
0xb8: {  	s30 =	sld [smem:$0x0];
	_ =	sdelay $0x2  }
0xb9: {  	s31 =	sshll.u32 s1, $0xD;
	s1 =	sshrl.u32 s1, $0x2  }
0xba: {  	s3 =	sand.u32 $0x4000, s31;
	s1 =	sadd.s32 s1, s30  }
0xbb: {  	s0 =	sor.u32 s3, s0;
	s1 =	sshll.u32 s1, $0x11  }
0xbc: {  	s0 =	sor.u32 s1, s0  }
0xbd: {  	s0 =	sadd.s32 $0x8F2B, s0  }
0xbe: {  	[sflag:s0] =	ssyncadd.remote.s32 $0x1  }
0xbf: {  	_ =	sfence.sel $0xFFFF  }
0xc0: {  	[dreg:$0x0] =	wrdreg $0xFFFFFFFF;
	(pc) =	sbr.abs _section_cstart, $3  }
0xc1: {  	[dreg:$0x1] =	wrdreg $0xFFFFFFFF  }
0xc2: {  	_ =	task.clear_ibuf [dreg:s7], $0x2FFFF;
	_ =	strace $0x9FFFFFFF  }
0xc3: {  	(tm) =	ssettm $0x7FFFFFFF  }
tec
execute0_lowered:
.L_overlay_start_1:
0x0: {  	(tag) =	ssettag $0x1  }
0x1: {  	s0 =	rddreg [dreg:$0x0]  }
0x2: {  	s2 =	rddreg [dreg:$0x1]  }
0x3: {  	s3 =	rddreg [dreg:$0x2];
	s12 =	stileid.u32  }
0x4: {  	s1 =	srdreg.scid;
	s4 =	simm.s32 $0x0;
	s28 =	simm.s32 $0x8300  }
0x5: {  	s29 =	simm.s32 $0x1;
	s30 =	simm.s32 $0x2;
	s6 =	smul.u32 $0x13C00, s12  }
0x6: {  	s31 =	simm.s32 $0x180;
	s1 =	sand.u32 $0x1, s1;
	s10 =	smul.u32 $0x4F000, s12  }
0x7: {  	[smem:$0x7FF] =	sst s4;
	s5 =	sadd.s32 $0x7E600, s0;
	s21 =	smul.u32 $0x9C40, s12  }
0x8: {  	s20 =	sshll.u32 s12, $0x6;
	s7 =	smul.u32 $0x13C000, s1;
	_ =	strace $0x8000004D  }
0x9: {  	s17 =	sshll.u32 s1, $0x4;
	s9 =	ssub.s32 $0x2, s1;
	s1 =	smul.u32 $0x9C400, s1  }
0xa: {  	s8 =	sshrl.u32 s6, $0x3;
	s11 =	sshrl.u32 s9, $0x1;
	s18 =	sshrl.u32 s10, $0x2  }
0xb: {  	s8 =	sadd.s32 s8, s0;
	s6 =	sadd.s32 s6, s7;
	s7 =	sor.u32 s12, s17  }
0xc: {  	s9 =	ssub.s32 s9, s11;
	s10 =	sadd.s32 s18, s3;
	s1 =	sadd.s32 s21, s1  }
0xd: {  	s18 =	simm.s32 $0x7;
	s21 =	simm.s32 $0x300;
	s6 =	sshrl.u32 s6, $0x3  }
0xe: {  	s7 =	smul.u32 $0x9C40, s7;
	s8 =	sadd.s32 $0x7E00, s8;
	s25 =	sadd.s32 $0x500, s1  }
0xf: {  	s26 =	sadd.s32 $0x400, s1;
	s9 =	smax.u32 s9, $0x1;
	s16 =	sadd.s32 $0x300, s1  }
0x10: {  	s17 =	sshrl.u32 s10, $0x3;
	s1 =	simm.s32 $0x280;
	[dreg:$0x4] =	wrdreg s8  }
0x11: {  	s0 =	sadd.s32 s6, s0;
	s8 =	sor.u32 $0x1C07, s20;
	[dreg:$0x9] =	wrdreg s9  }
0x12: {  	s20 =	simm.s32 $0x80;
	s9 =	simm.s32 $0x0;
	s19 =	sshrl.u32 s7, $0x3  }
0x13: {  	s0 =	sadd.s32 $0xA5800, s0;
	s7 =	sshrl.u32 s26, $0x3;
	s26 =	simm.s32 $0x6  }
0x14: {  	s6 =	sadd.s32 s2, s19;
	[dreg:$0x8] =	wrdreg s0;
	s0 =	sshrl.u32 s25, $0x3  }
0x15: {  	s15 =	sadd.s32 s7, s2;
	s19 =	simm.s32 $0x4;
	s22 =	sadd.s32 $0x20, s6  }
0x16: {  	s25 =	simm.s32 $0x200;
	s23 =	sadd.s32 $0x40, s6;
	[dreg:$0x5] =	wrdreg s22  }
0x17: {  	s7 =	simm.s32 $0x20;
	s24 =	sadd.s32 $0x1380, s6;
	[dreg:$0x6] =	wrdreg s23  }
0x18: {  	s14 =	sadd.s32 s0, s2;
	s0 =	simm.s32 $0x3;
	[dreg:$0x7] =	wrdreg s24  }
0x19: {  	s22 =	simm.s32 $0x100;
	s23 =	simm.s32 $0x5;
	s24 =	simm.s32 $0x4300  }
.LBB2_1:
0x1a: {  	s10 =	rddreg [dreg:$0x4]  }
0x1b: {  	[spmem:s17], [sflag:s8] =	dma.local [hbm:s10], $0x2780  }
0x1c: {  	_ =	swait.ge [sflag:s18], $0x2780  }
0x1d: {  	[sflag:s18] =	ssyncset.done $0x0  }
0x1e: {  	[sflag:s18] =	ssyncadd.s32 $0xFFFFD880  }
0x1f: {  	[bflag:$0x0] =	sbarrier.arrive $0xFFFF  }
0x20: {  	[tilespmem:s4], [sflag:$0x4] =	stream.linear.gather [hbm4b:s6+s4], $0x100, $0x38;
	[tilespmem:$0x1FF00] =	vst v63  }
0x21: {  	_ =	swait.ge [sflag:s19], $0x100  }
0x22: {  	[sflag:s19] =	ssyncset.done $0x0  }
0x23: {  	[sflag:s19] =	ssyncadd.s32 $0xFFFFFF00  }
0x24: {  	[tilespmem:s21], [sflag:$0x1] =	stream.indirect.gather [hbm4b:s5+s20], $0x80, s4, s20, $0xb8;
	[tilespmem:$0x1FF00] =	vst v63  }
0x25: {  	s13 =	rddreg [dreg:$0x5]  }
0x26: {  	[tilespmem:s22], [sflag:$0x5] =	stream.linear.gather [hbm4b:s13+s4], $0x100, $0x38;
	[tilespmem:$0x1FF00] =	vst v63  }
0x27: {  	_ =	swait.ge [sflag:s23], $0x100  }
0x28: {  	[sflag:s23] =	ssyncset.done $0x0  }
0x29: {  	[sflag:s23] =	ssyncadd.s32 $0xFFFFFF00  }
0x2a: {  	[tilespmem:s24], [sflag:$0x2] =	stream.indirect.gather [hbm4b:s5+s20], $0x80, s22, s20, $0xb8;
	[tilespmem:$0x1FF00] =	vst v63  }
0x2b: {  	s11 =	rddreg [dreg:$0x6]  }
0x2c: {  	[tilespmem:s25], [sflag:$0x6] =	stream.linear.gather [hbm4b:s11+s4], $0x100, $0x38;
	[tilespmem:$0x1FF00] =	vst v63  }
0x2d: {  	_ =	swait.ge [sflag:s26], $0x100  }
0x2e: {  	[sflag:s26] =	ssyncset.done $0x0  }
0x2f: {  	[sflag:s26] =	ssyncadd.s32 $0xFFFFFF00  }
0x30: {  	[tilespmem:s28], [sflag:$0x3] =	stream.indirect.gather [hbm4b:s5+s20], $0x80, s25, s20, $0xb8;
	[tilespmem:$0x1FF00] =	vst v63  }
0x31: {  	_ =	swait.ge [sflag:s29], $0x4000  }
0x32: {  	[sflag:s29] =	ssyncset.done $0x0  }
0x33: {  	[sflag:s29] =	ssyncadd.s32 $0xFFFFC000  }
0x34: {  	[spmem:s3] =	stream.indirect.scatter.add.f32 [tilespmem:s21], [sflag:$0x7], $0x80, s20, s20, $0xb8;
	[tilespmem:$0x1FF00] =	vst v63  }
0x35: {  	_ =	swait.ge [sflag:s18], $0x4000  }
0x36: {  	s12 =	sshrl.u32 s16, $0x3;
	[sflag:s18] =	ssyncset.done $0x0  }
0x37: {  	s10 =	sadd.s32 s2, s12;
	[sflag:s18] =	ssyncadd.s32 $0xFFFFC000  }
0x38: {  	[tilespmem:s4], [sflag:$0x4] =	stream.linear.gather [hbm4b:s10+s4], $0x100, $0x38;
	[tilespmem:$0x1FF00] =	vst v63  }
0x39: {  	_ =	swait.ge [sflag:s19], $0x100  }
0x3a: {  	[sflag:s19] =	ssyncset.done $0x0  }
0x3b: {  	[sflag:s19] =	ssyncadd.s32 $0xFFFFFF00  }
0x3c: {  	[tilespmem:s21], [sflag:$0x1] =	stream.indirect.gather [hbm4b:s5+s20], $0x80, s4, s20, $0xb8;
	[tilespmem:$0x1FF00] =	vst v63  }
0x3d: {  	_ =	swait.ge [sflag:s30], $0x4000  }
0x3e: {  	[sflag:s30] =	ssyncset.done $0x0  }
0x3f: {  	[sflag:s30] =	ssyncadd.s32 $0xFFFFC000  }
0x40: {  	[spmem:s3] =	stream.indirect.scatter.add.f32 [tilespmem:s24], [sflag:$0x7], $0x80, s31, s20, $0xb8;
	[tilespmem:$0x1FF00] =	vst v63  }
0x41: {  	_ =	swait.ge [sflag:s18], $0x4000  }
0x42: {  	[sflag:s18] =	ssyncset.done $0x0  }
0x43: {  	s13 =	sadd.s32 $0x0, s15;
	[sflag:s18] =	ssyncadd.s32 $0xFFFFC000  }
0x44: {  	[tilespmem:s22], [sflag:$0x5] =	stream.linear.gather [hbm4b:s13+s4], $0x100, $0x38;
	[tilespmem:$0x1FF00] =	vst v63  }
0x45: {  	_ =	swait.ge [sflag:s23], $0x100  }
0x46: {  	[sflag:s23] =	ssyncset.done $0x0  }
0x47: {  	[sflag:s23] =	ssyncadd.s32 $0xFFFFFF00  }
0x48: {  	[tilespmem:s24], [sflag:$0x2] =	stream.indirect.gather [hbm4b:s5+s20], $0x80, s22, s20, $0xb8;
	[tilespmem:$0x1FF00] =	vst v63  }
0x49: {  	_ =	swait.ge [sflag:s0], $0x4000  }
0x4a: {  	[sflag:s0] =	ssyncset.done $0x0  }
0x4b: {  	[sflag:s0] =	ssyncadd.s32 $0xFFFFC000  }
0x4c: {  	[spmem:s3] =	stream.indirect.scatter.add.f32 [tilespmem:s28], [sflag:$0x7], $0x80, s1, s20, $0xb8;
	[tilespmem:$0x1FF00] =	vst v63  }
0x4d: {  	_ =	swait.ge [sflag:s18], $0x4000  }
0x4e: {  	s12 =	sadd.s32 $0x0, s14;
	[sflag:s18] =	ssyncset.done $0x0  }
0x4f: {  	s11 =	sadd.s32 $0x300, s16;
	s10 =	simm.s32 $0x60;
	[sflag:s18] =	ssyncadd.s32 $0xFFFFC000  }
.LBB2_2:
0x50: {  	[tilespmem:s25], [sflag:$0x6] =	stream.linear.gather [hbm4b:s12+s4], $0x100, $0x38;
	[tilespmem:$0x1FF00] =	vst v63  }
0x51: {  	s12 =	smov.u32 s10  }
0x52: {  	p0 =	sne.s32 s10, $0x12C0;
	s10 =	sadd.s32 $0x60, s10;
	_ =	swait.ge [sflag:s26], $0x100  }
0x53: {  	[sflag:s26] =	ssyncset.done $0x0  }
0x54: {  	[sflag:s26] =	ssyncadd.s32 $0xFFFFFF00  }
0x55: {  	[tilespmem:s28], [sflag:$0x3] =	stream.indirect.gather [hbm4b:s5+s20], $0x80, s25, s20, $0xb8;
	[tilespmem:$0x1FF00] =	vst v63  }
0x56: {  	_ =	swait.ge [sflag:s29], $0x4000  }
0x57: {  	[sflag:s29] =	ssyncset.done $0x0  }
0x58: {  	[sflag:s29] =	ssyncadd.s32 $0xFFFFC000  }
0x59: {  	[spmem:s3] =	stream.indirect.scatter.add.f32 [tilespmem:s21], [sflag:$0x7], $0x80, s20, s20, $0xb8;
	[tilespmem:$0x1FF00] =	vst v63  }
0x5a: {  	_ =	swait.ge [sflag:s18], $0x4000  }
0x5b: {  	s13 =	sshrl.u32 s11, $0x3;
	[sflag:s18] =	ssyncset.done $0x0  }
0x5c: {  	s13 =	sadd.s32 s2, s13;
	[sflag:s18] =	ssyncadd.s32 $0xFFFFC000  }
0x5d: {  	[tilespmem:s4], [sflag:$0x4] =	stream.linear.gather [hbm4b:s13+s4], $0x100, $0x38;
	[tilespmem:$0x1FF00] =	vst v63  }
0x5e: {  	_ =	swait.ge [sflag:s19], $0x100  }
0x5f: {  	[sflag:s19] =	ssyncset.done $0x0  }
0x60: {  	[sflag:s19] =	ssyncadd.s32 $0xFFFFFF00  }
0x61: {  	[tilespmem:s21], [sflag:$0x1] =	stream.indirect.gather [hbm4b:s5+s20], $0x80, s4, s20, $0xb8;
	[tilespmem:$0x1FF00] =	vst v63  }
0x62: {  	_ =	swait.ge [sflag:s30], $0x4000  }
0x63: {  	[sflag:s30] =	ssyncset.done $0x0  }
0x64: {  	[sflag:s30] =	ssyncadd.s32 $0xFFFFC000  }
0x65: {  	[spmem:s3] =	stream.indirect.scatter.add.f32 [tilespmem:s24], [sflag:$0x7], $0x80, s31, s20, $0xb8;
	[tilespmem:$0x1FF00] =	vst v63  }
0x66: {  	_ =	swait.ge [sflag:s18], $0x4000  }
0x67: {  	[sflag:s18] =	ssyncset.done $0x0  }
0x68: {  	s13 =	sadd.s32 s12, s15;
	[sflag:s18] =	ssyncadd.s32 $0xFFFFC000  }
0x69: {  	[tilespmem:s22], [sflag:$0x5] =	stream.linear.gather [hbm4b:s13+s4], $0x100, $0x38;
	[tilespmem:$0x1FF00] =	vst v63  }
0x6a: {  	_ =	swait.ge [sflag:s23], $0x100  }
0x6b: {  	[sflag:s23] =	ssyncset.done $0x0  }
0x6c: {  	[sflag:s23] =	ssyncadd.s32 $0xFFFFFF00  }
0x6d: {  	[tilespmem:s24], [sflag:$0x2] =	stream.indirect.gather [hbm4b:s5+s20], $0x80, s22, s20, $0xb8;
	[tilespmem:$0x1FF00] =	vst v63  }
0x6e: {  	_ =	swait.ge [sflag:s0], $0x4000  }
0x6f: {  	[sflag:s0] =	ssyncset.done $0x0  }
.Ltmp0:
0x70: {  	[sflag:s0] =	ssyncadd.s32 $0xFFFFC000;
	(pc) =	sbr.rel @p0 .LBB2_2-.Ltmp0, $4  }
0x71: {  	[spmem:s3] =	stream.indirect.scatter.add.f32 [tilespmem:s28], [sflag:$0x7], $0x80, s1, s20, $0xb8;
	[tilespmem:$0x1FF00] =	vst v63  }
0x72: {  	_ =	swait.ge [sflag:s18], $0x4000  }
0x73: {  	[sflag:s18] =	ssyncset.done $0x0  }
0x74: {  	s11 =	sadd.s32 $0x300, s11;
	s12 =	sadd.s32 s12, s14;
	[sflag:s18] =	ssyncadd.s32 $0xFFFFC000  }
0x75: {  	[tilespmem:s25], [sflag:$0x6] =	stream.linear.gather [hbm4b:s12+s4], $0x100, $0x38;
	[tilespmem:$0x1FF00] =	vst v63  }
0x76: {  	_ =	swait.ge [sflag:s26], $0x100  }
0x77: {  	[sflag:s26] =	ssyncset.done $0x0  }
0x78: {  	[sflag:s26] =	ssyncadd.s32 $0xFFFFFF00  }
0x79: {  	[tilespmem:s28], [sflag:$0x3] =	stream.indirect.gather [hbm4b:s5+s20], $0x80, s25, s20, $0xb8;
	[tilespmem:$0x1FF00] =	vst v63  }
0x7a: {  	_ =	swait.ge [sflag:s29], $0x4000  }
0x7b: {  	[sflag:s29] =	ssyncset.done $0x0  }
0x7c: {  	[sflag:s29] =	ssyncadd.s32 $0xFFFFC000  }
0x7d: {  	[spmem:s3] =	stream.indirect.scatter.add.f32 [tilespmem:s21], [sflag:$0x7], $0x80, s20, s20, $0xb8;
	[tilespmem:$0x1FF00] =	vst v63  }
0x7e: {  	_ =	swait.ge [sflag:s18], $0x4000  }
0x7f: {  	[sflag:s18] =	ssyncset.done $0x0  }
0x80: {  	s10 =	rddreg [dreg:$0x7];
	[sflag:s18] =	ssyncadd.s32 $0xFFFFC000  }
0x81: {  	[tilespmem:s4], [sflag:$0x4] =	stream.linear.gather [hbm4b:s10+s4], $0x40, $0x38;
	[tilespmem:$0x1FF00] =	vst v63  }
0x82: {  	_ =	swait.ge [sflag:s30], $0x4000  }
0x83: {  	[sflag:s30] =	ssyncset.done $0x0  }
0x84: {  	[sflag:s30] =	ssyncadd.s32 $0xFFFFC000  }
0x85: {  	[spmem:s3] =	stream.indirect.scatter.add.f32 [tilespmem:s24], [sflag:$0x7], $0x80, s31, s20, $0xb8;
	[tilespmem:$0x1FF00] =	vst v63  }
0x86: {  	_ =	swait.ge [sflag:s18], $0x4000  }
0x87: {  	[sflag:s18] =	ssyncset.done $0x0  }
0x88: {  	[sflag:s18] =	ssyncadd.s32 $0xFFFFC000  }
0x89: {  	_ =	swait.ge [sflag:s19], $0x40  }
0x8a: {  	[sflag:s19] =	ssyncset.done $0x0  }
0x8b: {  	[sflag:s19] =	ssyncadd.s32 $0xFFFFFFC0  }
0x8c: {  	[tilespmem:s21], [sflag:$0x1] =	stream.indirect.gather [hbm4b:s5+s7], $0x80, s4, s7, $0xb8;
	[tilespmem:$0x1FF00] =	vst v63  }
0x8d: {  	_ =	swait.ge [sflag:s0], $0x4000  }
0x8e: {  	[sflag:s0] =	ssyncset.done $0x0  }
0x8f: {  	[sflag:s0] =	ssyncadd.s32 $0xFFFFC000  }
0x90: {  	[spmem:s3] =	stream.indirect.scatter.add.f32 [tilespmem:s28], [sflag:$0x7], $0x80, s1, s20, $0xb8;
	[tilespmem:$0x1FF00] =	vst v63  }
0x91: {  	_ =	swait.ge [sflag:s18], $0x4000  }
0x92: {  	[sflag:s18] =	ssyncset.done $0x0  }
0x93: {  	[sflag:s18] =	ssyncadd.s32 $0xFFFFC000  }
0x94: {  	_ =	swait.ge [sflag:s29], $0x1000  }
0x95: {  	[sflag:s29] =	ssyncset.done $0x0  }
0x96: {  	[sflag:s29] =	ssyncadd.s32 $0xFFFFF000  }
0x97: {  	[spmem:s3] =	stream.indirect.scatter.add.f32 [tilespmem:s21], [sflag:$0x7], $0x80, s7, s7, $0xb8;
	[tilespmem:$0x1FF00] =	vst v63  }
0x98: {  	_ =	swait.ge [sflag:s18], $0x1000  }
0x99: {  	[sflag:s18] =	ssyncset.done $0x0  }
0x9a: {  	[sflag:s18] =	ssyncadd.s32 $0xFFFFF000  }
0x9b: {  	[bflag:$0x0] =	sbarrier.arrive $0xFFFF  }
0x9c: {  	s12 =	rddreg [dreg:$0x8]  }
0x9d: {  	[hbm:s12], [sflag:s8] =	dma.local [spmem:s17], $0x2780  }
0x9e: {  	_ =	swait.ge [sflag:s18], $0x2780  }
0x9f: {  	s9 =	sadd.s32 $0x1, s9;
	s13 =	rddreg [dreg:$0x9]  }
0xa0: {  	p0 =	sne.s32 s9, s13  }
.Ltmp1:
0xa1: {  	_ = 	snop;
	(pc) =	sbr.rel @p0 .LBB2_1-.Ltmp1, $3  }
0xa2: {  	_ =	sdelay $0x1  }
0xa3: {  	[sflag:s18] =	ssyncset.done $0x0  }
0xa4: {  	[sflag:s18] =	ssyncadd.s32 $0xFFFFD880  }
0xa5: {  	_ =	sfence.sel $0x180000  }
0xa6: {  	[bflag:$0x0] =	sbarrier.arrive $0xFFFF  }
0xa7: {  	_ =	strace $0x9000004D  }
0xa8: {  	s0 =	stileid.u32;
	[bflag:$0x2] =	sbarrier.arrive $0xFFFF  }
0xa9: {  	p0 =	sne.s32 s0, $0x0;
	s0 =	rddreg [dreg:$0x3]  }
0xaa: {  	s0 =	sadd.s32 @!p0 $0x100000, s0  }
0xab: {  	[sflag:s0] =	ssyncadd.tile.s32 @!p0 $0x1;
	_ =	shalt  }
.Lfunc_end2:
_tile_overlayer_lowered:
.L_overlay_start_2:
0xac: {  	(tag) =	ssettag $0x2  }
0xad: {  	s0 =	rddreg [dreg:$0x0];
	s2 =	stileid.u32  }
0xae: {  	s1 =	rddreg [dreg:$0x1];
	p0 =	sne.s32 s2, $0x0  }
0xaf: {  	s3 =	rddreg [dreg:$0x2];
	[bflag:$0x3] =	sbarrier.arrive $0xFFFF;
	s2 =	simm.s32 @!p0 $0x1C07  }
0xb0: {  	[timem:s3], [sflag:s2] =	dma.local @!p0 [hbm:s0], s1  }
0xb1: {  	s0 =	simm.s32 @!p0 $0x7  }
0xb2: {  	_ =	swait.ge @!p0 [sflag:s0], s1  }
0xb3: {  	s1 =	ssub.s32 @!p0 $0x0, s1;
	[sflag:s0] =	ssyncset.done @!p0 $0x0  }
0xb4: {  	[sflag:s0] =	ssyncadd.s32 @!p0 s1  }
0xb5: {  	[bflag:$0x3] =	sbarrier.arrive $0xFFFF  }
0xb6: {  	_ =	shalt  }

// kernel: kernel.23.cloned.1.call-start
scs
__scs_entry_jumppad:
0x0: {  	(pc) =	sbr.rel $0x88, $3  }
0x1: {  	(tag) =	ssettag $0x0;
	lr =	simm.s32 $0x1  }
0x2: {  	[smem:$0x3F7A] =	sst lr;
	_ =	strace $0xD0000000  }
0x3: {  	_ = 	snop  }
0x4: {  	_ = 	snop  }
0x5: {  	_ = 	snop  }
0x6: {  	_ = 	snop  }
0x7: {  	_ = 	snop  }
__scs_overlays_trampoline_lowered:
0x8: {  	[smem:$0x3F89] =	sst s0  }
0x9: {  	[smem:$0x3F8A] =	sst s1  }
0xa: {  	[smem:$0x3F8B] =	sst s2  }
0xb: {  	[smem:$0x3F8C] =	sst s3  }
0xc: {  	[smem:$0x3F8D] =	sst s4  }
0xd: {  	[smem:$0x3F8E] =	sst s5  }
0xe: {  	[smem:$0x3F8F] =	sst s6  }
0xf: {  	[smem:$0x3F90] =	sst s7  }
0x10: {  	[smem:$0x3F91] =	sst s8  }
0x11: {  	[smem:$0x3F92] =	sst s9;
	s0 =	simm.s32 @!p0 $0x0  }
0x12: {  	s1 =	sld [smem:$0x3F78];
	s0 =	simm.s32 @p0 $0x1  }
0x13: {  	[smem:$0x3F93] =	sst s0;
	s0 =	simm.s32 @!p1 $0x0  }
0x14: {  	s2 =	sld [smem:$0x3F77];
	s0 =	simm.s32 @p1 $0x1  }
0x15: {  	[smem:$0x3F94] =	sst s0;
	s0 =	simm.s32 @!p2 $0x0  }
0x16: {  	s3 =	sld [smem:$0x3FDB];
	s0 =	simm.s32 @p2 $0x1  }
0x17: {  	s4 =	simm.s32 $0x1BF5;
	[smem:$0x3F96] =	sst s0  }
0x18: {  	s0 =	sld [smem:$0x3F79];
	_ =	swait.ge [sflag:s4], $0x0  }
0x19: {  	s7 =	sld [smem:$0x3F7A]  }
0x1a: {  	s8 =	sadd.s32 $0xFFFFE003, lr  }
0x1b: {  	s9 =	sadd.s32 $0xFFFFFEF7, lr;
	s5 =	simm.s32 $0xFFFFFFFF;
	p2 =	slt.u32 s8, $0xFFFFF086  }
0x1c: {  	p1 =	slt.u32 s9, $0xF7A;
	s5 =	simm.s32 @!p2 $0x0  }
0x1d: {  	s5 =	simm.s32 @p1 $0x1;
	p0 =	seq.s32 s7, s2  }
0x1e: {  	s7 =	smul.u32 @!p0 $0xF7A, s2;
	p2 =	seq.s32 @!p0 s5, $0x0  }
0x1f: {  	s9 =	smul.u32 $0xF7A, s1;
	s8 =	simm.s32 @!p0 $0x1BF5;
	p2 =	por !p2, p0  }
0x20: {  	[sflag:s8] =	ssyncset.s32 @!p0 $0xFFFFF086;
	s6 =	sadd.s32 @!p0 s3, s7;
	s7 =	simm.s32 @!p0 $0x108  }
0x21: {  	s3 =	sadd.s32 s3, s9;
	s6 =	sadd.s32 @!p0 $0x88, s6;
	s7 =	simm.s32 @p2 $0x1082  }
0x22: {  	[simem:s7], [sflag:s8] =	dma.local @!p0 [hbm:s6], $0xF7A  }
0x23: {  	s9 =	sor.u32 $0xD0000000, s2;
	s6 =	simm.s32 $0x108;
	_ =	swait.ge @!p0 [sflag:s8], $0x0  }
0x24: {  	s3 =	sadd.s32 $0x88, s3;
	s6 =	simm.s32 @!p1 $0x1082;
	[sflag:s4] =	ssyncset.s32 $0xFFFFF086  }
0x25: {  	[simem:s6], [sflag:s4] =	dma.local [hbm:s3], $0xF7A  }
0x26: {  	[smem:$0x3F7A] =	sst s1;
	(tag) =	ssettag s2;
	_ =	strace s9  }
0x27: {  	s1 =	sld [smem:$0x3F8A]  }
0x28: {  	s2 =	sld [smem:$0x3F8B]  }
0x29: {  	s4 =	sld [smem:$0x3F8D]  }
0x2a: {  	p0 =	seq.s32 s5, $0x0;
	s5 =	sld [smem:$0x3F8E]  }
0x2b: {  	s6 =	sld [smem:$0x3F8F]  }
0x2c: {  	s7 =	sld [smem:$0x3F90]  }
0x2d: {  	s3 =	simm.s32 $0x108;
	s8 =	sld [smem:$0x3F91]  }
0x2e: {  	s3 =	simm.s32 @!p0 $0x1082;
	s9 =	sld [smem:$0x3F92]  }
0x2f: {  	lr =	sadd.s32 s0, s3;
	s0 =	sld [smem:$0x3F89]  }
0x30: {  	s3 =	sld [smem:$0x3F8C]  }
0x31: {  	[smem:$0x3F95] =	sst s10  }
0x32: {  	s10 =	sld [smem:$0x3F93];
	_ =	sdelay $0x3  }
0x33: {  	p0 =	seq.s32 s10, $0x1;
	s10 =	sld [smem:$0x3F95];
	_ =	sdelay $0x3  }
0x34: {  	[smem:$0x3F95] =	sst s10  }
0x35: {  	s10 =	sld [smem:$0x3F94];
	_ =	sdelay $0x3  }
0x36: {  	p1 =	seq.s32 s10, $0x1;
	s10 =	sld [smem:$0x3F95];
	_ =	sdelay $0x3  }
0x37: {  	[smem:$0x3F95] =	sst s10  }
0x38: {  	s10 =	sld [smem:$0x3F96]  }
0x39: {  	_ = 	snop;
	(pc) =	sbr.ind lr, $3  }
0x3a: {  	_ = 	snop  }
0x3b: {  	_ = 	snop  }
0x3c: {  	p2 =	seq.s32 s10, $0x1;
	s10 =	sld [smem:$0x3F95]  }
0x3d: {  	_ =	shalt  }
0x3e: {  	_ =	shalt  }
0x3f: {  	_ =	shalt  }
0x40: {  	_ =	shalt  }
0x41: {  	_ =	shalt  }
0x42: {  	_ =	shalt  }
0x43: {  	_ =	shalt  }
0x44: {  	_ =	shalt  }
0x45: {  	_ =	shalt  }
0x46: {  	_ =	shalt  }
0x47: {  	_ =	shalt  }
0x48: {  	_ =	shalt  }
0x49: {  	_ =	shalt  }
0x4a: {  	_ =	shalt  }
0x4b: {  	_ =	shalt  }
0x4c: {  	_ =	shalt  }
0x4d: {  	_ =	shalt  }
0x4e: {  	_ =	shalt  }
0x4f: {  	_ =	shalt  }
0x50: {  	_ =	shalt  }
0x51: {  	_ =	shalt  }
0x52: {  	_ =	shalt  }
0x53: {  	_ =	shalt  }
0x54: {  	_ =	shalt  }
0x55: {  	_ =	shalt  }
0x56: {  	_ =	shalt  }
0x57: {  	_ =	shalt  }
0x58: {  	_ =	shalt  }
0x59: {  	_ =	shalt  }
0x5a: {  	_ =	shalt  }
0x5b: {  	_ =	shalt  }
0x5c: {  	_ =	shalt  }
0x5d: {  	_ =	shalt  }
0x5e: {  	_ =	shalt  }
0x5f: {  	_ =	shalt  }
0x60: {  	_ =	shalt  }
0x61: {  	_ =	shalt  }
0x62: {  	_ =	shalt  }
0x63: {  	_ =	shalt  }
0x64: {  	_ =	shalt  }
0x65: {  	_ =	shalt  }
0x66: {  	_ =	shalt  }
0x67: {  	_ =	shalt  }
0x68: {  	_ =	shalt  }
0x69: {  	_ =	shalt  }
0x6a: {  	_ =	shalt  }
0x6b: {  	_ =	shalt  }
0x6c: {  	_ =	shalt  }
0x6d: {  	_ =	shalt  }
0x6e: {  	_ =	shalt  }
0x6f: {  	_ =	shalt  }
0x70: {  	_ =	shalt  }
0x71: {  	_ =	shalt  }
0x72: {  	_ =	shalt  }
0x73: {  	_ =	shalt  }
0x74: {  	_ =	shalt  }
0x75: {  	_ =	shalt  }
0x76: {  	_ =	shalt  }
0x77: {  	_ =	shalt  }
0x78: {  	_ =	shalt  }
0x79: {  	_ =	shalt  }
0x7a: {  	_ =	shalt  }
0x7b: {  	_ =	shalt  }
0x7c: {  	_ =	shalt  }
0x7d: {  	_ =	shalt  }
0x7e: {  	_ =	shalt  }
0x7f: {  	_ =	shalt  }
0x80: {  	_ =	shalt  }
0x81: {  	_ =	shalt  }
0x82: {  	_ =	shalt  }
0x83: {  	_ =	shalt  }
0x84: {  	_ =	shalt  }
0x85: {  	_ =	shalt  }
0x86: {  	_ =	shalt  }
0x87: {  	_ =	shalt  }
.Lfunc_end0:
.L_simem_size_0:
called_computation.3_lowered:
.L_overlay_start_0:
0x88: {  	s2 =	sld [smem:$0x3FD9]  }
0x89: {  	s3 =	sld [smem:$0x3FFE];
	_ =	sdelay $0x1  }
0x8a: {  	s1 =	srdreg.scid  }
0x8b: {  	s0 =	sand.u32 $0x1, s1  }
0x8c: {  	s17 =	sshll.u32 s0, $0xA;
	s2 =	sadd.s32 s3, s2  }
0x8d: {  	s2 =	sadd.s32 s2, s17  }
0x8e: {  	[smem:$0x3FA1] =	sst s2  }
0x8f: {  	_ = 	snop  }
0x90: {  	s2 =	sld [smem:$0x3FD0];
	(tm) =	ssettm $0x1  }
0x91: {  	s18 =	sld [smem:$0x3FFB];
	_ =	sdelay $0x3  }
0x92: {  	_ =	strace s18  }
0x93: {  	s3 =	sld [smem:$0x3FFC];
	_ =	sdelay $0x3  }
0x94: {  	_ =	strace s3  }
0x95: {  	s3 =	sld [smem:$0x3FFD];
	_ =	sdelay $0x3  }
0x96: {  	_ =	strace s3  }
0x97: {  	_ =	strace $0x8FFFFFFF  }
0x98: {  	s19 =	sld [smem:$0x3FDB];
	_ =	sdelay $0x1  }
0x99: {  	s4 =	simm.s32 $_scs_section_size  }
0x9a: {  	s5 =	simm.s32 $_size__tile_overlayer_lowered;
	s6 =	simm.s32 $_tile_overlayer_lowered  }
0x9b: {  	s22 =	simm.s32 $0x1BFF;
	s21 =	sshll.u32 s6, $0x1;
	s3 =	sadd.s32 s4, s19  }
0x9c: {  	s7 =	simm.s32 $0x0;
	s20 =	sshll.u32 s5, $0x1;
	s5 =	sadd.s32 s21, s3  }
0x9d: {  	[timem:s7], [sflag:s22] =	dma.local [hbm:s5], s20  }
0x9e: {  	_ =	swait.ge [sflag:s22], s20  }
0x9f: {  	s4 =	ssub.s32 $0x0, s20;
	[sflag:s22] =	ssyncset.done $0x0  }
0xa0: {  	[sflag:s22] =	ssyncadd.s32 s4;
	_ =	sdelay $0x1  }
0xa1: {  	s23 =	simm.s32 $0x1B8B  }
0xa2: {  	_ =	swait.ge [sflag:s23], $0x1  }
0xa3: {  	[sflag:s23] =	ssyncset.done $0x0  }
0xa4: {  	s25 =	simm.s32 $0x1B8E;
	s24 =	sld [smem:$0x3FFE];
	[sflag:s23] =	ssyncadd.s32 $0xFFFFFFFF  }
0xa5: {  	s26 =	simm.s32 $execute0_lowered;
	[smem:$0x3FD2] =	sst s25  }
0xa6: {  	s5 =	sshll.u32 s26, $0x1;
	_ =	strace $0x8000004F;
	[dreg:$0x1] =	wrdreg $0xFFFFFFFF  }
0xa7: {  	s28 =	simm.s32 $_size_execute0_lowered;
	s3 =	sadd.s32 s3, s5;
	[dreg:$0x0] =	wrdreg $0x0  }
0xa8: {  	s5 =	sshll.u32 s28, $0x1;
	[dreg:$0x2] =	wrdreg s3  }
0xa9: {  	[dreg:$0x3] =	wrdreg s5  }
0xaa: {  	[dreg:$0x4] =	wrdreg $0xC0  }
0xab: {  	_ =	task [dreg:s7], $0x5FFFF  }
0xac: {  	[dreg:$0x1] =	wrdreg $0xFFFFFFFF  }
0xad: {  	[dreg:$0x0] =	wrdreg $0x60  }
0xae: {  	[dreg:$0x2] =	wrdreg s24  }
0xaf: {  	[dreg:$0x3] =	wrdreg s2  }
0xb0: {  	[dreg:$0x4] =	wrdreg $0xC3000  }
0xb1: {  	[dreg:$0x5] =	wrdreg $0x9  }
0xb2: {  	_ =	task.clear_ibuf [dreg:s7], $0x6FFFF;
	_ =	strace $0x9000004F  }
0xb3: {  	s29 =	simm.s32 $0x9;
	_ =	strace $0x80000051  }
0xb4: {  	_ =	swait.ge [sflag:s29], $0x1  }
0xb5: {  	[sflag:s29] =	ssyncadd.s32 $0xFFFFFFFF  }
0xb6: {  	_ =	strace $0x90000051  }
0xb7: {  	_ =	sfence  }
0xb8: {  	s30 =	sld [smem:$0x0];
	_ =	sdelay $0x2  }
0xb9: {  	s31 =	sshll.u32 s1, $0xD;
	s1 =	sshrl.u32 s1, $0x2  }
0xba: {  	s3 =	sand.u32 $0x4000, s31;
	s1 =	sadd.s32 s1, s30  }
0xbb: {  	s0 =	sor.u32 s3, s0;
	s1 =	sshll.u32 s1, $0x11  }
0xbc: {  	s0 =	sor.u32 s1, s0  }
0xbd: {  	s0 =	sadd.s32 $0x8F2B, s0  }
0xbe: {  	[sflag:s0] =	ssyncadd.remote.s32 $0x1  }
0xbf: {  	_ =	sfence.sel $0xFFFF  }
0xc0: {  	[dreg:$0x0] =	wrdreg $0xFFFFFFFF;
	(pc) =	sbr.abs _section_cstart, $3  }
0xc1: {  	[dreg:$0x1] =	wrdreg $0xFFFFFFFF  }
0xc2: {  	_ =	task.clear_ibuf [dreg:s7], $0x2FFFF;
	_ =	strace $0x9FFFFFFF  }
0xc3: {  	(tm) =	ssettm $0x7FFFFFFF  }
tec
execute0_lowered:
.L_overlay_start_1:
0x0: {  	(tag) =	ssettag $0x1  }
0x1: {  	s0 =	rddreg [dreg:$0x0]  }
0x2: {  	s2 =	rddreg [dreg:$0x1]  }
0x3: {  	s3 =	rddreg [dreg:$0x2];
	s12 =	stileid.u32  }
0x4: {  	s1 =	srdreg.scid;
	s4 =	simm.s32 $0x0;
	s28 =	simm.s32 $0x8300  }
0x5: {  	s29 =	simm.s32 $0x1;
	s30 =	simm.s32 $0x2;
	s6 =	smul.u32 $0x13C00, s12  }
0x6: {  	s31 =	simm.s32 $0x180;
	s1 =	sand.u32 $0x1, s1;
	s10 =	smul.u32 $0x4F000, s12  }
0x7: {  	[smem:$0x7FF] =	sst s4;
	s5 =	sadd.s32 $0x2F600, s0;
	s21 =	smul.u32 $0x9C40, s12  }
0x8: {  	s20 =	sshll.u32 s12, $0x6;
	s7 =	smul.u32 $0x13C000, s1;
	_ =	strace $0x80000050  }
0x9: {  	s17 =	sshll.u32 s1, $0x4;
	s9 =	ssub.s32 $0x2, s1;
	s1 =	smul.u32 $0x9C400, s1  }
0xa: {  	s8 =	sshrl.u32 s6, $0x3;
	s11 =	sshrl.u32 s9, $0x1;
	s18 =	sshrl.u32 s10, $0x2  }
0xb: {  	s8 =	sadd.s32 s8, s0;
	s6 =	sadd.s32 s6, s7;
	s7 =	sor.u32 s12, s17  }
0xc: {  	s9 =	ssub.s32 s9, s11;
	s10 =	sadd.s32 s18, s3;
	s1 =	sadd.s32 s21, s1  }
0xd: {  	s18 =	simm.s32 $0x7;
	s21 =	simm.s32 $0x300;
	s6 =	sshrl.u32 s6, $0x3  }
0xe: {  	s7 =	smul.u32 $0x9C40, s7;
	s8 =	sadd.s32 $0x7E00, s8;
	s25 =	sadd.s32 $0x500, s1  }
0xf: {  	s26 =	sadd.s32 $0x400, s1;
	s9 =	smax.u32 s9, $0x1;
	s16 =	sadd.s32 $0x300, s1  }
0x10: {  	s17 =	sshrl.u32 s10, $0x3;
	s1 =	simm.s32 $0x280;
	[dreg:$0x4] =	wrdreg s8  }
0x11: {  	s0 =	sadd.s32 s6, s0;
	s8 =	sor.u32 $0x1C07, s20;
	[dreg:$0x9] =	wrdreg s9  }
0x12: {  	s20 =	simm.s32 $0x80;
	s9 =	simm.s32 $0x0;
	s19 =	sshrl.u32 s7, $0x3  }
0x13: {  	s0 =	sadd.s32 $0x56800, s0;
	s7 =	sshrl.u32 s26, $0x3;
	s26 =	simm.s32 $0x6  }
0x14: {  	s6 =	sadd.s32 s2, s19;
	[dreg:$0x8] =	wrdreg s0;
	s0 =	sshrl.u32 s25, $0x3  }
0x15: {  	s15 =	sadd.s32 s7, s2;
	s19 =	simm.s32 $0x4;
	s22 =	sadd.s32 $0x20, s6  }
0x16: {  	s25 =	simm.s32 $0x200;
	s23 =	sadd.s32 $0x40, s6;
	[dreg:$0x5] =	wrdreg s22  }
0x17: {  	s7 =	simm.s32 $0x20;
	s24 =	sadd.s32 $0x1380, s6;
	[dreg:$0x6] =	wrdreg s23  }
0x18: {  	s14 =	sadd.s32 s0, s2;
	s0 =	simm.s32 $0x3;
	[dreg:$0x7] =	wrdreg s24  }
0x19: {  	s22 =	simm.s32 $0x100;
	s23 =	simm.s32 $0x5;
	s24 =	simm.s32 $0x4300  }
.LBB2_1:
0x1a: {  	s10 =	rddreg [dreg:$0x4]  }
0x1b: {  	[spmem:s17], [sflag:s8] =	dma.local [hbm:s10], $0x2780  }
0x1c: {  	_ =	swait.ge [sflag:s18], $0x2780  }
0x1d: {  	[sflag:s18] =	ssyncset.done $0x0  }
0x1e: {  	[sflag:s18] =	ssyncadd.s32 $0xFFFFD880  }
0x1f: {  	[bflag:$0x0] =	sbarrier.arrive $0xFFFF  }
0x20: {  	[tilespmem:s4], [sflag:$0x4] =	stream.linear.gather [hbm4b:s6+s4], $0x100, $0x38;
	[tilespmem:$0x1FF00] =	vst v63  }
0x21: {  	_ =	swait.ge [sflag:s19], $0x100  }
0x22: {  	[sflag:s19] =	ssyncset.done $0x0  }
0x23: {  	[sflag:s19] =	ssyncadd.s32 $0xFFFFFF00  }
0x24: {  	[tilespmem:s21], [sflag:$0x1] =	stream.indirect.gather [hbm4b:s5+s20], $0x80, s4, s20, $0xb8;
	[tilespmem:$0x1FF00] =	vst v63  }
0x25: {  	s13 =	rddreg [dreg:$0x5]  }
0x26: {  	[tilespmem:s22], [sflag:$0x5] =	stream.linear.gather [hbm4b:s13+s4], $0x100, $0x38;
	[tilespmem:$0x1FF00] =	vst v63  }
0x27: {  	_ =	swait.ge [sflag:s23], $0x100  }
0x28: {  	[sflag:s23] =	ssyncset.done $0x0  }
0x29: {  	[sflag:s23] =	ssyncadd.s32 $0xFFFFFF00  }
0x2a: {  	[tilespmem:s24], [sflag:$0x2] =	stream.indirect.gather [hbm4b:s5+s20], $0x80, s22, s20, $0xb8;
	[tilespmem:$0x1FF00] =	vst v63  }
0x2b: {  	s11 =	rddreg [dreg:$0x6]  }
0x2c: {  	[tilespmem:s25], [sflag:$0x6] =	stream.linear.gather [hbm4b:s11+s4], $0x100, $0x38;
	[tilespmem:$0x1FF00] =	vst v63  }
0x2d: {  	_ =	swait.ge [sflag:s26], $0x100  }
0x2e: {  	[sflag:s26] =	ssyncset.done $0x0  }
0x2f: {  	[sflag:s26] =	ssyncadd.s32 $0xFFFFFF00  }
0x30: {  	[tilespmem:s28], [sflag:$0x3] =	stream.indirect.gather [hbm4b:s5+s20], $0x80, s25, s20, $0xb8;
	[tilespmem:$0x1FF00] =	vst v63  }
0x31: {  	_ =	swait.ge [sflag:s29], $0x4000  }
0x32: {  	[sflag:s29] =	ssyncset.done $0x0  }
0x33: {  	[sflag:s29] =	ssyncadd.s32 $0xFFFFC000  }
0x34: {  	[spmem:s3] =	stream.indirect.scatter.add.f32 [tilespmem:s21], [sflag:$0x7], $0x80, s20, s20, $0xb8;
	[tilespmem:$0x1FF00] =	vst v63  }
0x35: {  	_ =	swait.ge [sflag:s18], $0x4000  }
0x36: {  	s12 =	sshrl.u32 s16, $0x3;
	[sflag:s18] =	ssyncset.done $0x0  }
0x37: {  	s10 =	sadd.s32 s2, s12;
	[sflag:s18] =	ssyncadd.s32 $0xFFFFC000  }
0x38: {  	[tilespmem:s4], [sflag:$0x4] =	stream.linear.gather [hbm4b:s10+s4], $0x100, $0x38;
	[tilespmem:$0x1FF00] =	vst v63  }
0x39: {  	_ =	swait.ge [sflag:s19], $0x100  }
0x3a: {  	[sflag:s19] =	ssyncset.done $0x0  }
0x3b: {  	[sflag:s19] =	ssyncadd.s32 $0xFFFFFF00  }
0x3c: {  	[tilespmem:s21], [sflag:$0x1] =	stream.indirect.gather [hbm4b:s5+s20], $0x80, s4, s20, $0xb8;
	[tilespmem:$0x1FF00] =	vst v63  }
0x3d: {  	_ =	swait.ge [sflag:s30], $0x4000  }
0x3e: {  	[sflag:s30] =	ssyncset.done $0x0  }
0x3f: {  	[sflag:s30] =	ssyncadd.s32 $0xFFFFC000  }
0x40: {  	[spmem:s3] =	stream.indirect.scatter.add.f32 [tilespmem:s24], [sflag:$0x7], $0x80, s31, s20, $0xb8;
	[tilespmem:$0x1FF00] =	vst v63  }
0x41: {  	_ =	swait.ge [sflag:s18], $0x4000  }
0x42: {  	[sflag:s18] =	ssyncset.done $0x0  }
0x43: {  	s13 =	sadd.s32 $0x0, s15;
	[sflag:s18] =	ssyncadd.s32 $0xFFFFC000  }
0x44: {  	[tilespmem:s22], [sflag:$0x5] =	stream.linear.gather [hbm4b:s13+s4], $0x100, $0x38;
	[tilespmem:$0x1FF00] =	vst v63  }
0x45: {  	_ =	swait.ge [sflag:s23], $0x100  }
0x46: {  	[sflag:s23] =	ssyncset.done $0x0  }
0x47: {  	[sflag:s23] =	ssyncadd.s32 $0xFFFFFF00  }
0x48: {  	[tilespmem:s24], [sflag:$0x2] =	stream.indirect.gather [hbm4b:s5+s20], $0x80, s22, s20, $0xb8;
	[tilespmem:$0x1FF00] =	vst v63  }
0x49: {  	_ =	swait.ge [sflag:s0], $0x4000  }
0x4a: {  	[sflag:s0] =	ssyncset.done $0x0  }
0x4b: {  	[sflag:s0] =	ssyncadd.s32 $0xFFFFC000  }
0x4c: {  	[spmem:s3] =	stream.indirect.scatter.add.f32 [tilespmem:s28], [sflag:$0x7], $0x80, s1, s20, $0xb8;
	[tilespmem:$0x1FF00] =	vst v63  }
0x4d: {  	_ =	swait.ge [sflag:s18], $0x4000  }
0x4e: {  	s12 =	sadd.s32 $0x0, s14;
	[sflag:s18] =	ssyncset.done $0x0  }
0x4f: {  	s11 =	sadd.s32 $0x300, s16;
	s10 =	simm.s32 $0x60;
	[sflag:s18] =	ssyncadd.s32 $0xFFFFC000  }
.LBB2_2:
0x50: {  	[tilespmem:s25], [sflag:$0x6] =	stream.linear.gather [hbm4b:s12+s4], $0x100, $0x38;
	[tilespmem:$0x1FF00] =	vst v63  }
0x51: {  	s12 =	smov.u32 s10  }
0x52: {  	p0 =	sne.s32 s10, $0x12C0;
	s10 =	sadd.s32 $0x60, s10;
	_ =	swait.ge [sflag:s26], $0x100  }
0x53: {  	[sflag:s26] =	ssyncset.done $0x0  }
0x54: {  	[sflag:s26] =	ssyncadd.s32 $0xFFFFFF00  }
0x55: {  	[tilespmem:s28], [sflag:$0x3] =	stream.indirect.gather [hbm4b:s5+s20], $0x80, s25, s20, $0xb8;
	[tilespmem:$0x1FF00] =	vst v63  }
0x56: {  	_ =	swait.ge [sflag:s29], $0x4000  }
0x57: {  	[sflag:s29] =	ssyncset.done $0x0  }
0x58: {  	[sflag:s29] =	ssyncadd.s32 $0xFFFFC000  }
0x59: {  	[spmem:s3] =	stream.indirect.scatter.add.f32 [tilespmem:s21], [sflag:$0x7], $0x80, s20, s20, $0xb8;
	[tilespmem:$0x1FF00] =	vst v63  }
0x5a: {  	_ =	swait.ge [sflag:s18], $0x4000  }
0x5b: {  	s13 =	sshrl.u32 s11, $0x3;
	[sflag:s18] =	ssyncset.done $0x0  }
0x5c: {  	s13 =	sadd.s32 s2, s13;
	[sflag:s18] =	ssyncadd.s32 $0xFFFFC000  }
0x5d: {  	[tilespmem:s4], [sflag:$0x4] =	stream.linear.gather [hbm4b:s13+s4], $0x100, $0x38;
	[tilespmem:$0x1FF00] =	vst v63  }
0x5e: {  	_ =	swait.ge [sflag:s19], $0x100  }
0x5f: {  	[sflag:s19] =	ssyncset.done $0x0  }
0x60: {  	[sflag:s19] =	ssyncadd.s32 $0xFFFFFF00  }
0x61: {  	[tilespmem:s21], [sflag:$0x1] =	stream.indirect.gather [hbm4b:s5+s20], $0x80, s4, s20, $0xb8;
	[tilespmem:$0x1FF00] =	vst v63  }
0x62: {  	_ =	swait.ge [sflag:s30], $0x4000  }
0x63: {  	[sflag:s30] =	ssyncset.done $0x0  }
0x64: {  	[sflag:s30] =	ssyncadd.s32 $0xFFFFC000  }
0x65: {  	[spmem:s3] =	stream.indirect.scatter.add.f32 [tilespmem:s24], [sflag:$0x7], $0x80, s31, s20, $0xb8;
	[tilespmem:$0x1FF00] =	vst v63  }
0x66: {  	_ =	swait.ge [sflag:s18], $0x4000  }
0x67: {  	[sflag:s18] =	ssyncset.done $0x0  }
0x68: {  	s13 =	sadd.s32 s12, s15;
	[sflag:s18] =	ssyncadd.s32 $0xFFFFC000  }
0x69: {  	[tilespmem:s22], [sflag:$0x5] =	stream.linear.gather [hbm4b:s13+s4], $0x100, $0x38;
	[tilespmem:$0x1FF00] =	vst v63  }
0x6a: {  	_ =	swait.ge [sflag:s23], $0x100  }
0x6b: {  	[sflag:s23] =	ssyncset.done $0x0  }
0x6c: {  	[sflag:s23] =	ssyncadd.s32 $0xFFFFFF00  }
0x6d: {  	[tilespmem:s24], [sflag:$0x2] =	stream.indirect.gather [hbm4b:s5+s20], $0x80, s22, s20, $0xb8;
	[tilespmem:$0x1FF00] =	vst v63  }
0x6e: {  	_ =	swait.ge [sflag:s0], $0x4000  }
0x6f: {  	[sflag:s0] =	ssyncset.done $0x0  }
.Ltmp0:
0x70: {  	[sflag:s0] =	ssyncadd.s32 $0xFFFFC000;
	(pc) =	sbr.rel @p0 .LBB2_2-.Ltmp0, $4  }
0x71: {  	[spmem:s3] =	stream.indirect.scatter.add.f32 [tilespmem:s28], [sflag:$0x7], $0x80, s1, s20, $0xb8;
	[tilespmem:$0x1FF00] =	vst v63  }
0x72: {  	_ =	swait.ge [sflag:s18], $0x4000  }
0x73: {  	[sflag:s18] =	ssyncset.done $0x0  }
0x74: {  	s11 =	sadd.s32 $0x300, s11;
	s12 =	sadd.s32 s12, s14;
	[sflag:s18] =	ssyncadd.s32 $0xFFFFC000  }
0x75: {  	[tilespmem:s25], [sflag:$0x6] =	stream.linear.gather [hbm4b:s12+s4], $0x100, $0x38;
	[tilespmem:$0x1FF00] =	vst v63  }
0x76: {  	_ =	swait.ge [sflag:s26], $0x100  }
0x77: {  	[sflag:s26] =	ssyncset.done $0x0  }
0x78: {  	[sflag:s26] =	ssyncadd.s32 $0xFFFFFF00  }
0x79: {  	[tilespmem:s28], [sflag:$0x3] =	stream.indirect.gather [hbm4b:s5+s20], $0x80, s25, s20, $0xb8;
	[tilespmem:$0x1FF00] =	vst v63  }
0x7a: {  	_ =	swait.ge [sflag:s29], $0x4000  }
0x7b: {  	[sflag:s29] =	ssyncset.done $0x0  }
0x7c: {  	[sflag:s29] =	ssyncadd.s32 $0xFFFFC000  }
0x7d: {  	[spmem:s3] =	stream.indirect.scatter.add.f32 [tilespmem:s21], [sflag:$0x7], $0x80, s20, s20, $0xb8;
	[tilespmem:$0x1FF00] =	vst v63  }
0x7e: {  	_ =	swait.ge [sflag:s18], $0x4000  }
0x7f: {  	[sflag:s18] =	ssyncset.done $0x0  }
0x80: {  	s10 =	rddreg [dreg:$0x7];
	[sflag:s18] =	ssyncadd.s32 $0xFFFFC000  }
0x81: {  	[tilespmem:s4], [sflag:$0x4] =	stream.linear.gather [hbm4b:s10+s4], $0x40, $0x38;
	[tilespmem:$0x1FF00] =	vst v63  }
0x82: {  	_ =	swait.ge [sflag:s30], $0x4000  }
0x83: {  	[sflag:s30] =	ssyncset.done $0x0  }
0x84: {  	[sflag:s30] =	ssyncadd.s32 $0xFFFFC000  }
0x85: {  	[spmem:s3] =	stream.indirect.scatter.add.f32 [tilespmem:s24], [sflag:$0x7], $0x80, s31, s20, $0xb8;
	[tilespmem:$0x1FF00] =	vst v63  }
0x86: {  	_ =	swait.ge [sflag:s18], $0x4000  }
0x87: {  	[sflag:s18] =	ssyncset.done $0x0  }
0x88: {  	[sflag:s18] =	ssyncadd.s32 $0xFFFFC000  }
0x89: {  	_ =	swait.ge [sflag:s19], $0x40  }
0x8a: {  	[sflag:s19] =	ssyncset.done $0x0  }
0x8b: {  	[sflag:s19] =	ssyncadd.s32 $0xFFFFFFC0  }
0x8c: {  	[tilespmem:s21], [sflag:$0x1] =	stream.indirect.gather [hbm4b:s5+s7], $0x80, s4, s7, $0xb8;
	[tilespmem:$0x1FF00] =	vst v63  }
0x8d: {  	_ =	swait.ge [sflag:s0], $0x4000  }
0x8e: {  	[sflag:s0] =	ssyncset.done $0x0  }
0x8f: {  	[sflag:s0] =	ssyncadd.s32 $0xFFFFC000  }
0x90: {  	[spmem:s3] =	stream.indirect.scatter.add.f32 [tilespmem:s28], [sflag:$0x7], $0x80, s1, s20, $0xb8;
	[tilespmem:$0x1FF00] =	vst v63  }
0x91: {  	_ =	swait.ge [sflag:s18], $0x4000  }
0x92: {  	[sflag:s18] =	ssyncset.done $0x0  }
0x93: {  	[sflag:s18] =	ssyncadd.s32 $0xFFFFC000  }
0x94: {  	_ =	swait.ge [sflag:s29], $0x1000  }
0x95: {  	[sflag:s29] =	ssyncset.done $0x0  }
0x96: {  	[sflag:s29] =	ssyncadd.s32 $0xFFFFF000  }
0x97: {  	[spmem:s3] =	stream.indirect.scatter.add.f32 [tilespmem:s21], [sflag:$0x7], $0x80, s7, s7, $0xb8;
	[tilespmem:$0x1FF00] =	vst v63  }
0x98: {  	_ =	swait.ge [sflag:s18], $0x1000  }
0x99: {  	[sflag:s18] =	ssyncset.done $0x0  }
0x9a: {  	[sflag:s18] =	ssyncadd.s32 $0xFFFFF000  }
0x9b: {  	[bflag:$0x0] =	sbarrier.arrive $0xFFFF  }
0x9c: {  	s12 =	rddreg [dreg:$0x8]  }
0x9d: {  	[hbm:s12], [sflag:s8] =	dma.local [spmem:s17], $0x2780  }
0x9e: {  	_ =	swait.ge [sflag:s18], $0x2780  }
0x9f: {  	s9 =	sadd.s32 $0x1, s9;
	s13 =	rddreg [dreg:$0x9]  }
0xa0: {  	p0 =	sne.s32 s9, s13  }
.Ltmp1:
0xa1: {  	_ = 	snop;
	(pc) =	sbr.rel @p0 .LBB2_1-.Ltmp1, $3  }
0xa2: {  	_ =	sdelay $0x1  }
0xa3: {  	[sflag:s18] =	ssyncset.done $0x0  }
0xa4: {  	[sflag:s18] =	ssyncadd.s32 $0xFFFFD880  }
0xa5: {  	_ =	sfence.sel $0x180000  }
0xa6: {  	[bflag:$0x0] =	sbarrier.arrive $0xFFFF  }
0xa7: {  	_ =	strace $0x90000050  }
0xa8: {  	s0 =	stileid.u32;
	[bflag:$0x2] =	sbarrier.arrive $0xFFFF  }
0xa9: {  	p0 =	sne.s32 s0, $0x0;
	s0 =	rddreg [dreg:$0x3]  }
0xaa: {  	s0 =	sadd.s32 @!p0 $0x100000, s0  }
0xab: {  	[sflag:s0] =	ssyncadd.tile.s32 @!p0 $0x1;
	_ =	shalt  }
.Lfunc_end2:
_tile_overlayer_lowered:
.L_overlay_start_2:
0xac: {  	(tag) =	ssettag $0x2  }
0xad: {  	s0 =	rddreg [dreg:$0x0];
	s2 =	stileid.u32  }
0xae: {  	s1 =	rddreg [dreg:$0x1];
	p0 =	sne.s32 s2, $0x0  }
0xaf: {  	s3 =	rddreg [dreg:$0x2];
	[bflag:$0x3] =	sbarrier.arrive $0xFFFF;
	s2 =	simm.s32 @!p0 $0x1C07  }
0xb0: {  	[timem:s3], [sflag:s2] =	dma.local @!p0 [hbm:s0], s1  }
0xb1: {  	s0 =	simm.s32 @!p0 $0x7  }
0xb2: {  	_ =	swait.ge @!p0 [sflag:s0], s1  }
0xb3: {  	s1 =	ssub.s32 @!p0 $0x0, s1;
	[sflag:s0] =	ssyncset.done @!p0 $0x0  }
0xb4: {  	[sflag:s0] =	ssyncadd.s32 @!p0 s1  }
0xb5: {  	[bflag:$0x3] =	sbarrier.arrive $0xFFFF  }
0xb6: {  	_ =	shalt  }

</sc_bundles>
